<compile_context>
chip_gen: v7x
topology: tpu7x:2x2x1
jax: 0.10.2.dev20260603
libtpu: 0.0.44.dev20260713+nightly
codegen_flags: <defaults>
</compile_context>

<pallas_src>
import functools

import jax
import jax.numpy as jnp
from jax import lax
from jax.experimental import pallas as pl
from jax.experimental.pallas import tpu as pltpu
from jax.experimental.pallas import tpu_sc as plsc

N_NODES = 10000
D = 128
EPS = 1e-5

NC = 2
NS = 16
NW = NC * NS
C = 64
NCHUNK = 160
DEPTH = 4
EPT = C * NCHUNK
E_PAD = NW * EPT
AGG_ROWS = 10240
ZROWS_PER_TILE = AGG_ROWS // NS



def _matT(x, w):
    return lax.dot_general(x, w, (((1,), (1,)), ((), ())),
                           preferred_element_type=jnp.float32)


def _lin_body(x_ref, w_ref, b_ref, o_ref):
    o_ref[...] = _matT(x_ref[...], w_ref[...]) + b_ref[...][None, :]


def _tc_linear(x, w, b):
    nblk = 10
    rows = N_NODES // nblk
    return pl.pallas_call(
        _lin_body,
        grid=(nblk,),
        in_specs=[
            pl.BlockSpec((rows, D), lambda i: (i, 0)),
            pl.BlockSpec((D, D), lambda i: (0, 0)),
            pl.BlockSpec((D,), lambda i: (0,)),
        ],
        out_specs=pl.BlockSpec((rows, D), lambda i: (i, 0)),
        out_shape=jax.ShapeDtypeStruct((N_NODES, D), jnp.float32),
    )(x, w, b)




@functools.lru_cache(maxsize=1)
def _sc_scatter_build():
    mesh = plsc.VectorSubcoreMesh(core_axis_name="c", subcore_axis_name="s")

    scratch = (
        [pltpu.VMEM((NCHUNK // 4, C), jnp.int32)] * 2
        + [pltpu.VMEM((C, D), jnp.float32)] * DEPTH
        + [pltpu.VMEM_SHARED((AGG_ROWS, D), jnp.float32)]
        + [pltpu.SemaphoreType.DMA] * (2 * DEPTH + 2)
    )

    NST = 4
    SPT = NCHUNK // NST
    NIT = SPT // DEPTH

    @functools.partial(
        pl.kernel,
        mesh=mesh,
        out_type=jax.ShapeDtypeStruct((NC, AGG_ROWS, D), jnp.float32),
        scratch_types=scratch,
    )
    def sc_scatter(h_hbm, src_hbm, dst_hbm, zrows_hbm, out_hbm,
                   sidx, didx, *rest):
        bufs = rest[:DEPTH]
        agg = rest[DEPTH]
        gsem = rest[DEPTH + 1:DEPTH + 1 + DEPTH]
        ssem = rest[DEPTH + 1 + DEPTH:DEPTH + 1 + 2 * DEPTH]
        isem = rest[DEPTH + 1 + 2 * DEPTH:]
        cid = lax.axis_index("c")
        sid = lax.axis_index("s")
        wid = cid * NS + sid

        def icp_s(hh):
            return pltpu.make_async_copy(
                src_hbm.at[wid, pl.ds(hh * SPT, SPT)], sidx, isem[0])

        def icp_d(hh):
            return pltpu.make_async_copy(
                dst_hbm.at[wid, pl.ds(hh * SPT, SPT)], didx, isem[1])

        def gat(k, b):
            return pltpu.make_async_copy(h_hbm.at[sidx.at[k]], bufs[b], gsem[b])

        def sca(k, b):
            return pltpu.make_async_copy(bufs[b], agg.at[didx.at[k]], ssem[b])

        icp_s(0).start()
        icp_d(0).start()

        pltpu.sync_copy(zrows_hbm, bufs[0])
        for k in range(ZROWS_PER_TILE // C):
            pltpu.sync_copy(bufs[0],
                            agg.at[pl.ds(sid * ZROWS_PER_TILE + k * C, C)])
        icp_s(0).wait()
        for b in range(DEPTH):
            gat(b, b).start()
        icp_d(0).wait()
        plsc.subcore_barrier()

        for hh in range(NST):
            if hh > 0:
                icp_s(hh).wait()
                for b in range(DEPTH):
                    gat(b, b).start()
                icp_d(hh).wait()

            def body(j, carry, hh=hh):
                for b in range(DEPTH):
                    k = DEPTH * j + b
                    gat(k, b).wait()
                    sca(k, b).start(add=True)
                if hh < NST - 1:
                    @pl.when(j == NIT - 1)
                    def _prefetch_sidx():
                        icp_s(hh + 1).start()

                for b in range(DEPTH):
                    k = DEPTH * j + b
                    sca(k, b).wait()

                    @pl.when(j < NIT - 1)
                    def _prefetch():
                        gat(k + DEPTH, b).start()

                if hh < NST - 1:
                    @pl.when(j == NIT - 1)
                    def _prefetch_didx():
                        icp_d(hh + 1).start()

                return carry

            lax.fori_loop(0, NIT, body, 0)
        plsc.subcore_barrier()

        r0 = sid * ZROWS_PER_TILE
        pltpu.sync_copy(agg.at[pl.ds(r0, ZROWS_PER_TILE)],
                        out_hbm.at[cid, pl.ds(r0, ZROWS_PER_TILE)])

    return sc_scatter




_NBLK = 10
_ROWS = N_NODES // _NBLK


def _comb_body(p_ref, x_ref, w_ref, b_ref, g_ref, bt_ref, o_ref,
               t_ref, s_ref, q_ref):
    ph = pl.program_id(0)
    i = pl.program_id(1)

    @pl.when(ph == 0)
    def _compute():
        new = jnp.maximum(p_ref[0] + p_ref[1], 0.0)
        res = jnp.maximum(_matT(x_ref[...], w_ref[...]) + b_ref[...][None, :],
                          0.0)
        t = new + res
        t_ref[pl.ds(i * _ROWS, _ROWS), :] = t
        s_ref[pl.ds(i, 1), :] = jnp.sum(t, axis=0, keepdims=True)
        q_ref[pl.ds(i, 1), :] = jnp.sum(t * t, axis=0, keepdims=True)

    @pl.when(ph == 1)
    def _normalize():
        n = float(N_NODES)
        mean = jnp.sum(s_ref[...], axis=0, keepdims=True) / n
        var = jnp.sum(q_ref[...], axis=0, keepdims=True) / n - mean * mean
        inv = lax.rsqrt(var + EPS)
        t = t_ref[pl.ds(i * _ROWS, _ROWS), :]
        o_ref[...] = (t - mean) * (inv * g_ref[...][None, :]) + bt_ref[...][None, :]


def _tc_combine(p, x, w, b, gamma, beta):
    return pl.pallas_call(
        _comb_body,
        grid=(2, _NBLK),
        in_specs=[
            pl.BlockSpec((NC, _ROWS, D), lambda p_, i: (0, (1 - p_) * i, 0)),
            pl.BlockSpec((_ROWS, D), lambda p_, i: ((1 - p_) * i, 0)),
            pl.BlockSpec((D, D), lambda p_, i: (0, 0)),
            pl.BlockSpec((D,), lambda p_, i: (0,)),
            pl.BlockSpec((D,), lambda p_, i: (0,)),
            pl.BlockSpec((D,), lambda p_, i: (0,)),
        ],
        out_specs=pl.BlockSpec((_ROWS, D), lambda p_, i: (p_ * i, 0)),
        out_shape=jax.ShapeDtypeStruct((N_NODES, D), jnp.float32),
        scratch_shapes=[
            pltpu.VMEM((N_NODES, D), jnp.float32),
            pltpu.VMEM((_NBLK, D), jnp.float32),
            pltpu.VMEM((_NBLK, D), jnp.float32),
        ],
    )(p, x, w, b, gamma, beta)




def kernel(feats, edge_index, W_rel, b_rel, W_res, b_res, gamma, beta):
    src = edge_index[0].astype(jnp.int32)
    dst = edge_index[1].astype(jnp.int32)
    pad = E_PAD - src.shape[0]
    pad_iota = jnp.arange(pad, dtype=jnp.int32)
    src = jnp.concatenate([src, pad_iota % N_NODES])
    dst = jnp.concatenate([dst, N_NODES + pad_iota % (AGG_ROWS - N_NODES)])
    src3 = src.reshape(NW, NCHUNK, C)
    dst3 = dst.reshape(NW, NCHUNK, C)
    zrows = jnp.zeros((C, D), jnp.float32)

    h = _tc_linear(feats, W_rel, b_rel)
    p = _sc_scatter_build()(h, src3, dst3, zrows)
    return _tc_combine(p, feats, W_res, b_res, gamma, beta)

# --- scband reference (transcript-rebuilt; emitter-appended) ---
"""Pipeline reference for scband-pyg-gcnlayer-without-edge-attr-9294309228639 (READ-ONLY COPY).

The authoritative reference and input builder live on the scoring server;
editing this copy changes nothing except your own understanding.
"""

import jax, jax.numpy as jnp
import numpy as np

N_NODES = 10000
N_EDGES = 320000
D_IN = 128
D_OUT = 128
EPS = 1e-5


def setup_inputs(seed: int = 0) -> dict:
    key = jax.random.key(seed)
    ks = jax.random.split(key, 8)
    feats = jax.random.normal(ks[0], (N_NODES, D_IN), dtype=jnp.float32)
    edge_index = jax.random.randint(ks[1], (2, N_EDGES), 0, N_NODES, dtype=jnp.int64)
    # Linear lin_rel (graph conv): W [out, in], b [out]  (kaiming-uniform-ish init)
    bound_rel = 1.0 / np.sqrt(D_IN)
    W_rel = jax.random.uniform(ks[2], (D_OUT, D_IN), minval=-bound_rel, maxval=bound_rel, dtype=jnp.float32)
    b_rel = jax.random.uniform(ks[3], (D_OUT,), minval=-bound_rel, maxval=bound_rel, dtype=jnp.float32)
    # Residual linear
    W_res = jax.random.uniform(ks[4], (D_OUT, D_IN), minval=-bound_rel, maxval=bound_rel, dtype=jnp.float32)
    b_res = jax.random.uniform(ks[5], (D_OUT,), minval=-bound_rel, maxval=bound_rel, dtype=jnp.float32)
    # BatchNorm1d affine params (init gamma=1, beta=0)
    gamma = jnp.ones((D_OUT,), dtype=jnp.float32)
    beta = jnp.zeros((D_OUT,), dtype=jnp.float32)
    return {"feats": feats, "edge_index": edge_index, "W_rel": W_rel, "b_rel": b_rel,
            "W_res": W_res, "b_res": b_res, "gamma": gamma, "beta": beta}


def reference(feats, edge_index, W_rel, b_rel, W_res, b_res, gamma, beta):
    # graph_conv: x = lin_rel(x); propagate with aggr='add'
    h = feats @ W_rel.T + b_rel
    src = edge_index[0]
    dst = edge_index[1]
    msgs = jnp.take(h, src, axis=0)                       # gather (message: x_j)
    agg = jax.ops.segment_sum(msgs, dst, num_segments=N_NODES)  # scatter-add aggregate
    new_feats = jax.nn.relu(agg)                          # activation(graph_conv(...))
    # dropout p=0.0 -> identity
    res_feats = jax.nn.relu(feats @ W_res.T + b_res)      # residual branch
    new_feats = new_feats + res_feats
    # BatchNorm1d (training mode: batch statistics, biased variance)
    mean = jnp.mean(new_feats, axis=0)
    var = jnp.mean((new_feats - mean) ** 2, axis=0)
    out = (new_feats - mean) / jnp.sqrt(var + EPS) * gamma + beta
    return out

if __name__ == "__main__":
    import jax
    _d = setup_inputs()
    print(jax.jit(kernel)(*tuple(_d.values())))

</pallas_src>

<mosaic_0001>
#map = affine_map<(d0, d1) -> (0, 0)>
#map1 = affine_map<(d0, d1) -> (0, 0, 0)>
module attributes {stable_mosaic.version = 14 : i64} {
  func.func @sc_scatter(%arg0: i32, %arg1: i32, %arg2: memref<10000x128xf32, #tpu.memory_space<hbm>>, %arg3: memref<32x160x64xi32, #tpu.memory_space<hbm>>, %arg4: memref<32x160x64xi32, #tpu.memory_space<hbm>>, %arg5: memref<64x128xf32, #tpu.memory_space<hbm>>, %arg6: memref<2x10240x128xf32, #tpu.memory_space<hbm>>, %arg7: memref<40x64xi32, #tpu.memory_space<vmem>>, %arg8: memref<40x64xi32, #tpu.memory_space<vmem>>, %arg9: memref<64x128xf32, #tpu.memory_space<vmem>>, %arg10: memref<64x128xf32, #tpu.memory_space<vmem>>, %arg11: memref<64x128xf32, #tpu.memory_space<vmem>>, %arg12: memref<64x128xf32, #tpu.memory_space<vmem>>, %arg13: memref<10240x128xf32, #tpu.memory_space<vmem_shared>>, %arg14: memref<!tpu.dma_semaphore, #tpu.memory_space<semaphore_mem>>, %arg15: memref<!tpu.dma_semaphore, #tpu.memory_space<semaphore_mem>>, %arg16: memref<!tpu.dma_semaphore, #tpu.memory_space<semaphore_mem>>, %arg17: memref<!tpu.dma_semaphore, #tpu.memory_space<semaphore_mem>>, %arg18: memref<!tpu.dma_semaphore, #tpu.memory_space<semaphore_mem>>, %arg19: memref<!tpu.dma_semaphore, #tpu.memory_space<semaphore_mem>>, %arg20: memref<!tpu.dma_semaphore, #tpu.memory_space<semaphore_mem>>, %arg21: memref<!tpu.dma_semaphore, #tpu.memory_space<semaphore_mem>>, %arg22: memref<!tpu.dma_semaphore, #tpu.memory_space<semaphore_mem>>, %arg23: memref<!tpu.dma_semaphore, #tpu.memory_space<semaphore_mem>>) attributes {dimension_semantics = [#tpu.dimension_semantics<core_parallel>, #tpu.dimension_semantics<subcore_parallel>], iteration_bounds = array<i64: 2, 16>, scalar_prefetch = 0 : i64, scratch_operands = 17 : i64, tpu.core_type = #tpu.core_type<sc_vector_subcore>, window_params = [{transform_indices = #map}, {transform_indices = #map1}, {transform_indices = #map1}, {transform_indices = #map}, {transform_indices = #map1}]} {
    %mul3A = arith.constant 16 : i32
    %mul3A_0 = arith.muli %arg0, %mul3A : i32
    %add3A = arith.addi %mul3A_0, %arg1 : i32
    %dma_start3A = arith.constant 0 : i32
    %dma_start3A_1 = arith.constant 0 : i32
    %dma_start3A_2 = tpu.memref_slice %arg3[%add3A, %dma_start3A, %dma_start3A_1] : memref<32x160x64xi32, #tpu.memory_space<hbm>> -> memref<1x40x64xi32, #tpu.memory_space<hbm>>
    %dma_start3A_3 = tpu.memref_squeeze %dma_start3A_2 : memref<1x40x64xi32, #tpu.memory_space<hbm>> -> memref<40x64xi32, #tpu.memory_space<hbm>>
    %dma_start3A_4 = arith.constant 0 : i32
    %dma_start3A_5 = arith.constant 0 : i32
    %dma_start3A_6 = tpu.memref_slice %arg3[%add3A, %dma_start3A_4, %dma_start3A_5] : memref<32x160x64xi32, #tpu.memory_space<hbm>> -> memref<1x40x64xi32, #tpu.memory_space<hbm>>
    %dma_start3A_7 = tpu.memref_squeeze %dma_start3A_6 : memref<1x40x64xi32, #tpu.memory_space<hbm>> -> memref<40x64xi32, #tpu.memory_space<hbm>>
    tpu.enqueue_dma source(%dma_start3A_7 : memref<40x64xi32, #tpu.memory_space<hbm>>) target(%arg7 : memref<40x64xi32, #tpu.memory_space<vmem>>) target_semaphore(%arg22 : memref<!tpu.dma_semaphore, #tpu.memory_space<semaphore_mem>>)
    %dma_start3A_8 = arith.constant 0 : i32
    %dma_start3A_9 = arith.constant 0 : i32
    %dma_start3A_10 = tpu.memref_slice %arg4[%add3A, %dma_start3A_8, %dma_start3A_9] : memref<32x160x64xi32, #tpu.memory_space<hbm>> -> memref<1x40x64xi32, #tpu.memory_space<hbm>>
    %dma_start3A_11 = tpu.memref_squeeze %dma_start3A_10 : memref<1x40x64xi32, #tpu.memory_space<hbm>> -> memref<40x64xi32, #tpu.memory_space<hbm>>
    %dma_start3A_12 = arith.constant 0 : i32
    %dma_start3A_13 = arith.constant 0 : i32
    %dma_start3A_14 = tpu.memref_slice %arg4[%add3A, %dma_start3A_12, %dma_start3A_13] : memref<32x160x64xi32, #tpu.memory_space<hbm>> -> memref<1x40x64xi32, #tpu.memory_space<hbm>>
    %dma_start3A_15 = tpu.memref_squeeze %dma_start3A_14 : memref<1x40x64xi32, #tpu.memory_space<hbm>> -> memref<40x64xi32, #tpu.memory_space<hbm>>
    tpu.enqueue_dma source(%dma_start3A_15 : memref<40x64xi32, #tpu.memory_space<hbm>>) target(%arg8 : memref<40x64xi32, #tpu.memory_space<vmem>>) target_semaphore(%arg23 : memref<!tpu.dma_semaphore, #tpu.memory_space<semaphore_mem>>)
    "tpu.region"() ({
      %run_scoped3A = tpu.sem_alloc : memref<!tpu.dma_semaphore, #tpu.memory_space<semaphore_mem>>
      tpu.enqueue_dma source(%arg5 : memref<64x128xf32, #tpu.memory_space<hbm>>) target(%arg9 : memref<64x128xf32, #tpu.memory_space<vmem>>) target_semaphore(%run_scoped3A : memref<!tpu.dma_semaphore, #tpu.memory_space<semaphore_mem>>)
      tpu.wait_dma2 semaphore(%run_scoped3A : memref<!tpu.dma_semaphore, #tpu.memory_space<semaphore_mem>>) src(%arg5 : memref<64x128xf32, #tpu.memory_space<hbm>>) dst(%arg9 : memref<64x128xf32, #tpu.memory_space<vmem>>)
      tpu.yield
    }) : () -> ()
    %mul3A_16 = arith.constant 640 : i32
    %mul3A_17 = arith.muli %arg1, %mul3A_16 : i32
    %add3A_18 = arith.constant 0 : i32
    %add3A_19 = arith.addi %mul3A_17, %add3A_18 : i32
    "tpu.region"() ({
      %run_scoped3A = tpu.sem_alloc : memref<!tpu.dma_semaphore, #tpu.memory_space<semaphore_mem>>
      %dma_start3A_257 = arith.constant 0 : i32
      %dma_start3A_258 = tpu.memref_slice %arg13[%add3A_19, %dma_start3A_257] : memref<10240x128xf32, #tpu.memory_space<vmem_shared>> -> memref<64x128xf32, #tpu.memory_space<vmem_shared>>
      %dma_start3A_259 = arith.constant 0 : i32
      %dma_start3A_260 = tpu.memref_slice %arg13[%add3A_19, %dma_start3A_259] : memref<10240x128xf32, #tpu.memory_space<vmem_shared>> -> memref<64x128xf32, #tpu.memory_space<vmem_shared>>
      tpu.enqueue_dma source(%arg9 : memref<64x128xf32, #tpu.memory_space<vmem>>) target(%dma_start3A_260 : memref<64x128xf32, #tpu.memory_space<vmem_shared>>) target_semaphore(%run_scoped3A : memref<!tpu.dma_semaphore, #tpu.memory_space<semaphore_mem>>)
      %dma_wait3A_261 = arith.constant 0 : i32
      %dma_wait3A_262 = tpu.memref_slice %arg13[%add3A_19, %dma_wait3A_261] : memref<10240x128xf32, #tpu.memory_space<vmem_shared>> -> memref<64x128xf32, #tpu.memory_space<vmem_shared>>
      %dma_wait3A_263 = arith.constant 0 : i32
      %dma_wait3A_264 = tpu.memref_slice %arg13[%add3A_19, %dma_wait3A_263] : memref<10240x128xf32, #tpu.memory_space<vmem_shared>> -> memref<64x128xf32, #tpu.memory_space<vmem_shared>>
      tpu.wait_dma2 semaphore(%run_scoped3A : memref<!tpu.dma_semaphore, #tpu.memory_space<semaphore_mem>>) src(%arg9 : memref<64x128xf32, #tpu.memory_space<vmem>>) dst(%dma_wait3A_264 : memref<64x128xf32, #tpu.memory_space<vmem_shared>>)
      tpu.yield
    }) : () -> ()
    %mul3A_20 = arith.constant 640 : i32
    %mul3A_21 = arith.muli %arg1, %mul3A_20 : i32
    %add3A_22 = arith.constant 64 : i32
    %add3A_23 = arith.addi %mul3A_21, %add3A_22 : i32
    "tpu.region"() ({
      %run_scoped3A = tpu.sem_alloc : memref<!tpu.dma_semaphore, #tpu.memory_space<semaphore_mem>>
      %dma_start3A_257 = arith.constant 0 : i32
      %dma_start3A_258 = tpu.memref_slice %arg13[%add3A_23, %dma_start3A_257] : memref<10240x128xf32, #tpu.memory_space<vmem_shared>> -> memref<64x128xf32, #tpu.memory_space<vmem_shared>>
      %dma_start3A_259 = arith.constant 0 : i32
      %dma_start3A_260 = tpu.memref_slice %arg13[%add3A_23, %dma_start3A_259] : memref<10240x128xf32, #tpu.memory_space<vmem_shared>> -> memref<64x128xf32, #tpu.memory_space<vmem_shared>>
      tpu.enqueue_dma source(%arg9 : memref<64x128xf32, #tpu.memory_space<vmem>>) target(%dma_start3A_260 : memref<64x128xf32, #tpu.memory_space<vmem_shared>>) target_semaphore(%run_scoped3A : memref<!tpu.dma_semaphore, #tpu.memory_space<semaphore_mem>>)
      %dma_wait3A_261 = arith.constant 0 : i32
      %dma_wait3A_262 = tpu.memref_slice %arg13[%add3A_23, %dma_wait3A_261] : memref<10240x128xf32, #tpu.memory_space<vmem_shared>> -> memref<64x128xf32, #tpu.memory_space<vmem_shared>>
      %dma_wait3A_263 = arith.constant 0 : i32
      %dma_wait3A_264 = tpu.memref_slice %arg13[%add3A_23, %dma_wait3A_263] : memref<10240x128xf32, #tpu.memory_space<vmem_shared>> -> memref<64x128xf32, #tpu.memory_space<vmem_shared>>
      tpu.wait_dma2 semaphore(%run_scoped3A : memref<!tpu.dma_semaphore, #tpu.memory_space<semaphore_mem>>) src(%arg9 : memref<64x128xf32, #tpu.memory_space<vmem>>) dst(%dma_wait3A_264 : memref<64x128xf32, #tpu.memory_space<vmem_shared>>)
      tpu.yield
    }) : () -> ()
    %mul3A_24 = arith.constant 640 : i32
    %mul3A_25 = arith.muli %arg1, %mul3A_24 : i32
    %add3A_26 = arith.constant 128 : i32
    %add3A_27 = arith.addi %mul3A_25, %add3A_26 : i32
    "tpu.region"() ({
      %run_scoped3A = tpu.sem_alloc : memref<!tpu.dma_semaphore, #tpu.memory_space<semaphore_mem>>
      %dma_start3A_257 = arith.constant 0 : i32
      %dma_start3A_258 = tpu.memref_slice %arg13[%add3A_27, %dma_start3A_257] : memref<10240x128xf32, #tpu.memory_space<vmem_shared>> -> memref<64x128xf32, #tpu.memory_space<vmem_shared>>
      %dma_start3A_259 = arith.constant 0 : i32
      %dma_start3A_260 = tpu.memref_slice %arg13[%add3A_27, %dma_start3A_259] : memref<10240x128xf32, #tpu.memory_space<vmem_shared>> -> memref<64x128xf32, #tpu.memory_space<vmem_shared>>
      tpu.enqueue_dma source(%arg9 : memref<64x128xf32, #tpu.memory_space<vmem>>) target(%dma_start3A_260 : memref<64x128xf32, #tpu.memory_space<vmem_shared>>) target_semaphore(%run_scoped3A : memref<!tpu.dma_semaphore, #tpu.memory_space<semaphore_mem>>)
      %dma_wait3A_261 = arith.constant 0 : i32
      %dma_wait3A_262 = tpu.memref_slice %arg13[%add3A_27, %dma_wait3A_261] : memref<10240x128xf32, #tpu.memory_space<vmem_shared>> -> memref<64x128xf32, #tpu.memory_space<vmem_shared>>
      %dma_wait3A_263 = arith.constant 0 : i32
      %dma_wait3A_264 = tpu.memref_slice %arg13[%add3A_27, %dma_wait3A_263] : memref<10240x128xf32, #tpu.memory_space<vmem_shared>> -> memref<64x128xf32, #tpu.memory_space<vmem_shared>>
      tpu.wait_dma2 semaphore(%run_scoped3A : memref<!tpu.dma_semaphore, #tpu.memory_space<semaphore_mem>>) src(%arg9 : memref<64x128xf32, #tpu.memory_space<vmem>>) dst(%dma_wait3A_264 : memref<64x128xf32, #tpu.memory_space<vmem_shared>>)
      tpu.yield
    }) : () -> ()
    %mul3A_28 = arith.constant 640 : i32
    %mul3A_29 = arith.muli %arg1, %mul3A_28 : i32
    %add3A_30 = arith.constant 192 : i32
    %add3A_31 = arith.addi %mul3A_29, %add3A_30 : i32
    "tpu.region"() ({
      %run_scoped3A = tpu.sem_alloc : memref<!tpu.dma_semaphore, #tpu.memory_space<semaphore_mem>>
      %dma_start3A_257 = arith.constant 0 : i32
      %dma_start3A_258 = tpu.memref_slice %arg13[%add3A_31, %dma_start3A_257] : memref<10240x128xf32, #tpu.memory_space<vmem_shared>> -> memref<64x128xf32, #tpu.memory_space<vmem_shared>>
      %dma_start3A_259 = arith.constant 0 : i32
      %dma_start3A_260 = tpu.memref_slice %arg13[%add3A_31, %dma_start3A_259] : memref<10240x128xf32, #tpu.memory_space<vmem_shared>> -> memref<64x128xf32, #tpu.memory_space<vmem_shared>>
      tpu.enqueue_dma source(%arg9 : memref<64x128xf32, #tpu.memory_space<vmem>>) target(%dma_start3A_260 : memref<64x128xf32, #tpu.memory_space<vmem_shared>>) target_semaphore(%run_scoped3A : memref<!tpu.dma_semaphore, #tpu.memory_space<semaphore_mem>>)
      %dma_wait3A_261 = arith.constant 0 : i32
      %dma_wait3A_262 = tpu.memref_slice %arg13[%add3A_31, %dma_wait3A_261] : memref<10240x128xf32, #tpu.memory_space<vmem_shared>> -> memref<64x128xf32, #tpu.memory_space<vmem_shared>>
      %dma_wait3A_263 = arith.constant 0 : i32
      %dma_wait3A_264 = tpu.memref_slice %arg13[%add3A_31, %dma_wait3A_263] : memref<10240x128xf32, #tpu.memory_space<vmem_shared>> -> memref<64x128xf32, #tpu.memory_space<vmem_shared>>
      tpu.wait_dma2 semaphore(%run_scoped3A : memref<!tpu.dma_semaphore, #tpu.memory_space<semaphore_mem>>) src(%arg9 : memref<64x128xf32, #tpu.memory_space<vmem>>) dst(%dma_wait3A_264 : memref<64x128xf32, #tpu.memory_space<vmem_shared>>)
      tpu.yield
    }) : () -> ()
    %mul3A_32 = arith.constant 640 : i32
    %mul3A_33 = arith.muli %arg1, %mul3A_32 : i32
    %add3A_34 = arith.constant 256 : i32
    %add3A_35 = arith.addi %mul3A_33, %add3A_34 : i32
    "tpu.region"() ({
      %run_scoped3A = tpu.sem_alloc : memref<!tpu.dma_semaphore, #tpu.memory_space<semaphore_mem>>
      %dma_start3A_257 = arith.constant 0 : i32
      %dma_start3A_258 = tpu.memref_slice %arg13[%add3A_35, %dma_start3A_257] : memref<10240x128xf32, #tpu.memory_space<vmem_shared>> -> memref<64x128xf32, #tpu.memory_space<vmem_shared>>
      %dma_start3A_259 = arith.constant 0 : i32
      %dma_start3A_260 = tpu.memref_slice %arg13[%add3A_35, %dma_start3A_259] : memref<10240x128xf32, #tpu.memory_space<vmem_shared>> -> memref<64x128xf32, #tpu.memory_space<vmem_shared>>
      tpu.enqueue_dma source(%arg9 : memref<64x128xf32, #tpu.memory_space<vmem>>) target(%dma_start3A_260 : memref<64x128xf32, #tpu.memory_space<vmem_shared>>) target_semaphore(%run_scoped3A : memref<!tpu.dma_semaphore, #tpu.memory_space<semaphore_mem>>)
      %dma_wait3A_261 = arith.constant 0 : i32
      %dma_wait3A_262 = tpu.memref_slice %arg13[%add3A_35, %dma_wait3A_261] : memref<10240x128xf32, #tpu.memory_space<vmem_shared>> -> memref<64x128xf32, #tpu.memory_space<vmem_shared>>
      %dma_wait3A_263 = arith.constant 0 : i32
      %dma_wait3A_264 = tpu.memref_slice %arg13[%add3A_35, %dma_wait3A_263] : memref<10240x128xf32, #tpu.memory_space<vmem_shared>> -> memref<64x128xf32, #tpu.memory_space<vmem_shared>>
      tpu.wait_dma2 semaphore(%run_scoped3A : memref<!tpu.dma_semaphore, #tpu.memory_space<semaphore_mem>>) src(%arg9 : memref<64x128xf32, #tpu.memory_space<vmem>>) dst(%dma_wait3A_264 : memref<64x128xf32, #tpu.memory_space<vmem_shared>>)
      tpu.yield
    }) : () -> ()
    %mul3A_36 = arith.constant 640 : i32
    %mul3A_37 = arith.muli %arg1, %mul3A_36 : i32
    %add3A_38 = arith.constant 320 : i32
    %add3A_39 = arith.addi %mul3A_37, %add3A_38 : i32
    "tpu.region"() ({
      %run_scoped3A = tpu.sem_alloc : memref<!tpu.dma_semaphore, #tpu.memory_space<semaphore_mem>>
      %dma_start3A_257 = arith.constant 0 : i32
      %dma_start3A_258 = tpu.memref_slice %arg13[%add3A_39, %dma_start3A_257] : memref<10240x128xf32, #tpu.memory_space<vmem_shared>> -> memref<64x128xf32, #tpu.memory_space<vmem_shared>>
      %dma_start3A_259 = arith.constant 0 : i32
      %dma_start3A_260 = tpu.memref_slice %arg13[%add3A_39, %dma_start3A_259] : memref<10240x128xf32, #tpu.memory_space<vmem_shared>> -> memref<64x128xf32, #tpu.memory_space<vmem_shared>>
      tpu.enqueue_dma source(%arg9 : memref<64x128xf32, #tpu.memory_space<vmem>>) target(%dma_start3A_260 : memref<64x128xf32, #tpu.memory_space<vmem_shared>>) target_semaphore(%run_scoped3A : memref<!tpu.dma_semaphore, #tpu.memory_space<semaphore_mem>>)
      %dma_wait3A_261 = arith.constant 0 : i32
      %dma_wait3A_262 = tpu.memref_slice %arg13[%add3A_39, %dma_wait3A_261] : memref<10240x128xf32, #tpu.memory_space<vmem_shared>> -> memref<64x128xf32, #tpu.memory_space<vmem_shared>>
      %dma_wait3A_263 = arith.constant 0 : i32
      %dma_wait3A_264 = tpu.memref_slice %arg13[%add3A_39, %dma_wait3A_263] : memref<10240x128xf32, #tpu.memory_space<vmem_shared>> -> memref<64x128xf32, #tpu.memory_space<vmem_shared>>
      tpu.wait_dma2 semaphore(%run_scoped3A : memref<!tpu.dma_semaphore, #tpu.memory_space<semaphore_mem>>) src(%arg9 : memref<64x128xf32, #tpu.memory_space<vmem>>) dst(%dma_wait3A_264 : memref<64x128xf32, #tpu.memory_space<vmem_shared>>)
      tpu.yield
    }) : () -> ()
    %mul3A_40 = arith.constant 640 : i32
    %mul3A_41 = arith.muli %arg1, %mul3A_40 : i32
    %add3A_42 = arith.constant 384 : i32
    %add3A_43 = arith.addi %mul3A_41, %add3A_42 : i32
    "tpu.region"() ({
      %run_scoped3A = tpu.sem_alloc : memref<!tpu.dma_semaphore, #tpu.memory_space<semaphore_mem>>
      %dma_start3A_257 = arith.constant 0 : i32
      %dma_start3A_258 = tpu.memref_slice %arg13[%add3A_43, %dma_start3A_257] : memref<10240x128xf32, #tpu.memory_space<vmem_shared>> -> memref<64x128xf32, #tpu.memory_space<vmem_shared>>
      %dma_start3A_259 = arith.constant 0 : i32
      %dma_start3A_260 = tpu.memref_slice %arg13[%add3A_43, %dma_start3A_259] : memref<10240x128xf32, #tpu.memory_space<vmem_shared>> -> memref<64x128xf32, #tpu.memory_space<vmem_shared>>
      tpu.enqueue_dma source(%arg9 : memref<64x128xf32, #tpu.memory_space<vmem>>) target(%dma_start3A_260 : memref<64x128xf32, #tpu.memory_space<vmem_shared>>) target_semaphore(%run_scoped3A : memref<!tpu.dma_semaphore, #tpu.memory_space<semaphore_mem>>)
      %dma_wait3A_261 = arith.constant 0 : i32
      %dma_wait3A_262 = tpu.memref_slice %arg13[%add3A_43, %dma_wait3A_261] : memref<10240x128xf32, #tpu.memory_space<vmem_shared>> -> memref<64x128xf32, #tpu.memory_space<vmem_shared>>
      %dma_wait3A_263 = arith.constant 0 : i32
      %dma_wait3A_264 = tpu.memref_slice %arg13[%add3A_43, %dma_wait3A_263] : memref<10240x128xf32, #tpu.memory_space<vmem_shared>> -> memref<64x128xf32, #tpu.memory_space<vmem_shared>>
      tpu.wait_dma2 semaphore(%run_scoped3A : memref<!tpu.dma_semaphore, #tpu.memory_space<semaphore_mem>>) src(%arg9 : memref<64x128xf32, #tpu.memory_space<vmem>>) dst(%dma_wait3A_264 : memref<64x128xf32, #tpu.memory_space<vmem_shared>>)
      tpu.yield
    }) : () -> ()
    %mul3A_44 = arith.constant 640 : i32
    %mul3A_45 = arith.muli %arg1, %mul3A_44 : i32
    %add3A_46 = arith.constant 448 : i32
    %add3A_47 = arith.addi %mul3A_45, %add3A_46 : i32
    "tpu.region"() ({
      %run_scoped3A = tpu.sem_alloc : memref<!tpu.dma_semaphore, #tpu.memory_space<semaphore_mem>>
      %dma_start3A_257 = arith.constant 0 : i32
      %dma_start3A_258 = tpu.memref_slice %arg13[%add3A_47, %dma_start3A_257] : memref<10240x128xf32, #tpu.memory_space<vmem_shared>> -> memref<64x128xf32, #tpu.memory_space<vmem_shared>>
      %dma_start3A_259 = arith.constant 0 : i32
      %dma_start3A_260 = tpu.memref_slice %arg13[%add3A_47, %dma_start3A_259] : memref<10240x128xf32, #tpu.memory_space<vmem_shared>> -> memref<64x128xf32, #tpu.memory_space<vmem_shared>>
      tpu.enqueue_dma source(%arg9 : memref<64x128xf32, #tpu.memory_space<vmem>>) target(%dma_start3A_260 : memref<64x128xf32, #tpu.memory_space<vmem_shared>>) target_semaphore(%run_scoped3A : memref<!tpu.dma_semaphore, #tpu.memory_space<semaphore_mem>>)
      %dma_wait3A_261 = arith.constant 0 : i32
      %dma_wait3A_262 = tpu.memref_slice %arg13[%add3A_47, %dma_wait3A_261] : memref<10240x128xf32, #tpu.memory_space<vmem_shared>> -> memref<64x128xf32, #tpu.memory_space<vmem_shared>>
      %dma_wait3A_263 = arith.constant 0 : i32
      %dma_wait3A_264 = tpu.memref_slice %arg13[%add3A_47, %dma_wait3A_263] : memref<10240x128xf32, #tpu.memory_space<vmem_shared>> -> memref<64x128xf32, #tpu.memory_space<vmem_shared>>
      tpu.wait_dma2 semaphore(%run_scoped3A : memref<!tpu.dma_semaphore, #tpu.memory_space<semaphore_mem>>) src(%arg9 : memref<64x128xf32, #tpu.memory_space<vmem>>) dst(%dma_wait3A_264 : memref<64x128xf32, #tpu.memory_space<vmem_shared>>)
      tpu.yield
    }) : () -> ()
    %mul3A_48 = arith.constant 640 : i32
    %mul3A_49 = arith.muli %arg1, %mul3A_48 : i32
    %add3A_50 = arith.constant 512 : i32
    %add3A_51 = arith.addi %mul3A_49, %add3A_50 : i32
    "tpu.region"() ({
      %run_scoped3A = tpu.sem_alloc : memref<!tpu.dma_semaphore, #tpu.memory_space<semaphore_mem>>
      %dma_start3A_257 = arith.constant 0 : i32
      %dma_start3A_258 = tpu.memref_slice %arg13[%add3A_51, %dma_start3A_257] : memref<10240x128xf32, #tpu.memory_space<vmem_shared>> -> memref<64x128xf32, #tpu.memory_space<vmem_shared>>
      %dma_start3A_259 = arith.constant 0 : i32
      %dma_start3A_260 = tpu.memref_slice %arg13[%add3A_51, %dma_start3A_259] : memref<10240x128xf32, #tpu.memory_space<vmem_shared>> -> memref<64x128xf32, #tpu.memory_space<vmem_shared>>
      tpu.enqueue_dma source(%arg9 : memref<64x128xf32, #tpu.memory_space<vmem>>) target(%dma_start3A_260 : memref<64x128xf32, #tpu.memory_space<vmem_shared>>) target_semaphore(%run_scoped3A : memref<!tpu.dma_semaphore, #tpu.memory_space<semaphore_mem>>)
      %dma_wait3A_261 = arith.constant 0 : i32
      %dma_wait3A_262 = tpu.memref_slice %arg13[%add3A_51, %dma_wait3A_261] : memref<10240x128xf32, #tpu.memory_space<vmem_shared>> -> memref<64x128xf32, #tpu.memory_space<vmem_shared>>
      %dma_wait3A_263 = arith.constant 0 : i32
      %dma_wait3A_264 = tpu.memref_slice %arg13[%add3A_51, %dma_wait3A_263] : memref<10240x128xf32, #tpu.memory_space<vmem_shared>> -> memref<64x128xf32, #tpu.memory_space<vmem_shared>>
      tpu.wait_dma2 semaphore(%run_scoped3A : memref<!tpu.dma_semaphore, #tpu.memory_space<semaphore_mem>>) src(%arg9 : memref<64x128xf32, #tpu.memory_space<vmem>>) dst(%dma_wait3A_264 : memref<64x128xf32, #tpu.memory_space<vmem_shared>>)
      tpu.yield
    }) : () -> ()
    %mul3A_52 = arith.constant 640 : i32
    %mul3A_53 = arith.muli %arg1, %mul3A_52 : i32
    %add3A_54 = arith.constant 576 : i32
    %add3A_55 = arith.addi %mul3A_53, %add3A_54 : i32
    "tpu.region"() ({
      %run_scoped3A = tpu.sem_alloc : memref<!tpu.dma_semaphore, #tpu.memory_space<semaphore_mem>>
      %dma_start3A_257 = arith.constant 0 : i32
      %dma_start3A_258 = tpu.memref_slice %arg13[%add3A_55, %dma_start3A_257] : memref<10240x128xf32, #tpu.memory_space<vmem_shared>> -> memref<64x128xf32, #tpu.memory_space<vmem_shared>>
      %dma_start3A_259 = arith.constant 0 : i32
      %dma_start3A_260 = tpu.memref_slice %arg13[%add3A_55, %dma_start3A_259] : memref<10240x128xf32, #tpu.memory_space<vmem_shared>> -> memref<64x128xf32, #tpu.memory_space<vmem_shared>>
      tpu.enqueue_dma source(%arg9 : memref<64x128xf32, #tpu.memory_space<vmem>>) target(%dma_start3A_260 : memref<64x128xf32, #tpu.memory_space<vmem_shared>>) target_semaphore(%run_scoped3A : memref<!tpu.dma_semaphore, #tpu.memory_space<semaphore_mem>>)
      %dma_wait3A_261 = arith.constant 0 : i32
      %dma_wait3A_262 = tpu.memref_slice %arg13[%add3A_55, %dma_wait3A_261] : memref<10240x128xf32, #tpu.memory_space<vmem_shared>> -> memref<64x128xf32, #tpu.memory_space<vmem_shared>>
      %dma_wait3A_263 = arith.constant 0 : i32
      %dma_wait3A_264 = tpu.memref_slice %arg13[%add3A_55, %dma_wait3A_263] : memref<10240x128xf32, #tpu.memory_space<vmem_shared>> -> memref<64x128xf32, #tpu.memory_space<vmem_shared>>
      tpu.wait_dma2 semaphore(%run_scoped3A : memref<!tpu.dma_semaphore, #tpu.memory_space<semaphore_mem>>) src(%arg9 : memref<64x128xf32, #tpu.memory_space<vmem>>) dst(%dma_wait3A_264 : memref<64x128xf32, #tpu.memory_space<vmem_shared>>)
      tpu.yield
    }) : () -> ()
    %dma_wait3A = arith.constant 0 : i32
    %dma_wait3A_56 = arith.constant 0 : i32
    %dma_wait3A_57 = tpu.memref_slice %arg3[%add3A, %dma_wait3A, %dma_wait3A_56] : memref<32x160x64xi32, #tpu.memory_space<hbm>> -> memref<1x40x64xi32, #tpu.memory_space<hbm>>
    %dma_wait3A_58 = tpu.memref_squeeze %dma_wait3A_57 : memref<1x40x64xi32, #tpu.memory_space<hbm>> -> memref<40x64xi32, #tpu.memory_space<hbm>>
    %dma_wait3A_59 = arith.constant 0 : i32
    %dma_wait3A_60 = arith.constant 0 : i32
    %dma_wait3A_61 = tpu.memref_slice %arg3[%add3A, %dma_wait3A_59, %dma_wait3A_60] : memref<32x160x64xi32, #tpu.memory_space<hbm>> -> memref<1x40x64xi32, #tpu.memory_space<hbm>>
    %dma_wait3A_62 = tpu.memref_squeeze %dma_wait3A_61 : memref<1x40x64xi32, #tpu.memory_space<hbm>> -> memref<40x64xi32, #tpu.memory_space<hbm>>
    tpu.wait_dma2 semaphore(%arg22 : memref<!tpu.dma_semaphore, #tpu.memory_space<semaphore_mem>>) src(%dma_wait3A_62 : memref<40x64xi32, #tpu.memory_space<hbm>>) dst(%arg7 : memref<40x64xi32, #tpu.memory_space<vmem>>)
    %dma_start3A_63 = arith.constant 0 : i32
    %dma_start3A_64 = arith.constant 0 : i32
    %dma_start3A_65 = tpu.memref_slice %arg7[%dma_start3A_63, %dma_start3A_64] : memref<40x64xi32, #tpu.memory_space<vmem>> -> memref<1x64xi32, #tpu.memory_space<vmem>>
    %dma_start3A_66 = tpu.memref_squeeze %dma_start3A_65 : memref<1x64xi32, #tpu.memory_space<vmem>> -> memref<64xi32, #tpu.memory_space<vmem>>
    %dma_start3A_67 = arith.constant 0 : i32
    %dma_start3A_68 = arith.constant 0 : i32
    %dma_start3A_69 = tpu.memref_slice %arg2[%dma_start3A_67, %dma_start3A_68] : memref<10000x128xf32, #tpu.memory_space<hbm>> -> memref<10000x128xf32, #tpu.memory_space<hbm>>
    tpu.enqueue_indirect_dma source(%dma_start3A_69 : memref<10000x128xf32, #tpu.memory_space<hbm>>) target(%arg9 : memref<64x128xf32, #tpu.memory_space<vmem>>) offsets(%dma_start3A_66 : memref<64xi32, #tpu.memory_space<vmem>>) semaphore(%arg14 : memref<!tpu.dma_semaphore, #tpu.memory_space<semaphore_mem>>)
    %dma_start3A_70 = arith.constant 1 : i32
    %dma_start3A_71 = arith.constant 0 : i32
    %dma_start3A_72 = tpu.memref_slice %arg7[%dma_start3A_70, %dma_start3A_71] : memref<40x64xi32, #tpu.memory_space<vmem>> -> memref<1x64xi32, #tpu.memory_space<vmem>>
    %dma_start3A_73 = tpu.memref_squeeze %dma_start3A_72 : memref<1x64xi32, #tpu.memory_space<vmem>> -> memref<64xi32, #tpu.memory_space<vmem>>
    %dma_start3A_74 = arith.constant 0 : i32
    %dma_start3A_75 = arith.constant 0 : i32
    %dma_start3A_76 = tpu.memref_slice %arg2[%dma_start3A_74, %dma_start3A_75] : memref<10000x128xf32, #tpu.memory_space<hbm>> -> memref<10000x128xf32, #tpu.memory_space<hbm>>
    tpu.enqueue_indirect_dma source(%dma_start3A_76 : memref<10000x128xf32, #tpu.memory_space<hbm>>) target(%arg10 : memref<64x128xf32, #tpu.memory_space<vmem>>) offsets(%dma_start3A_73 : memref<64xi32, #tpu.memory_space<vmem>>) semaphore(%arg15 : memref<!tpu.dma_semaphore, #tpu.memory_space<semaphore_mem>>)
    %dma_start3A_77 = arith.constant 2 : i32
    %dma_start3A_78 = arith.constant 0 : i32
    %dma_start3A_79 = tpu.memref_slice %arg7[%dma_start3A_77, %dma_start3A_78] : memref<40x64xi32, #tpu.memory_space<vmem>> -> memref<1x64xi32, #tpu.memory_space<vmem>>
    %dma_start3A_80 = tpu.memref_squeeze %dma_start3A_79 : memref<1x64xi32, #tpu.memory_space<vmem>> -> memref<64xi32, #tpu.memory_space<vmem>>
    %dma_start3A_81 = arith.constant 0 : i32
    %dma_start3A_82 = arith.constant 0 : i32
    %dma_start3A_83 = tpu.memref_slice %arg2[%dma_start3A_81, %dma_start3A_82] : memref<10000x128xf32, #tpu.memory_space<hbm>> -> memref<10000x128xf32, #tpu.memory_space<hbm>>
    tpu.enqueue_indirect_dma source(%dma_start3A_83 : memref<10000x128xf32, #tpu.memory_space<hbm>>) target(%arg11 : memref<64x128xf32, #tpu.memory_space<vmem>>) offsets(%dma_start3A_80 : memref<64xi32, #tpu.memory_space<vmem>>) semaphore(%arg16 : memref<!tpu.dma_semaphore, #tpu.memory_space<semaphore_mem>>)
    %dma_start3A_84 = arith.constant 3 : i32
    %dma_start3A_85 = arith.constant 0 : i32
    %dma_start3A_86 = tpu.memref_slice %arg7[%dma_start3A_84, %dma_start3A_85] : memref<40x64xi32, #tpu.memory_space<vmem>> -> memref<1x64xi32, #tpu.memory_space<vmem>>
    %dma_start3A_87 = tpu.memref_squeeze %dma_start3A_86 : memref<1x64xi32, #tpu.memory_space<vmem>> -> memref<64xi32, #tpu.memory_space<vmem>>
    %dma_start3A_88 = arith.constant 0 : i32
    %dma_start3A_89 = arith.constant 0 : i32
    %dma_start3A_90 = tpu.memref_slice %arg2[%dma_start3A_88, %dma_start3A_89] : memref<10000x128xf32, #tpu.memory_space<hbm>> -> memref<10000x128xf32, #tpu.memory_space<hbm>>
    tpu.enqueue_indirect_dma source(%dma_start3A_90 : memref<10000x128xf32, #tpu.memory_space<hbm>>) target(%arg12 : memref<64x128xf32, #tpu.memory_space<vmem>>) offsets(%dma_start3A_87 : memref<64xi32, #tpu.memory_space<vmem>>) semaphore(%arg17 : memref<!tpu.dma_semaphore, #tpu.memory_space<semaphore_mem>>)
    %dma_wait3A_91 = arith.constant 0 : i32
    %dma_wait3A_92 = arith.constant 0 : i32
    %dma_wait3A_93 = tpu.memref_slice %arg4[%add3A, %dma_wait3A_91, %dma_wait3A_92] : memref<32x160x64xi32, #tpu.memory_space<hbm>> -> memref<1x40x64xi32, #tpu.memory_space<hbm>>
    %dma_wait3A_94 = tpu.memref_squeeze %dma_wait3A_93 : memref<1x40x64xi32, #tpu.memory_space<hbm>> -> memref<40x64xi32, #tpu.memory_space<hbm>>
    %dma_wait3A_95 = arith.constant 0 : i32
    %dma_wait3A_96 = arith.constant 0 : i32
    %dma_wait3A_97 = tpu.memref_slice %arg4[%add3A, %dma_wait3A_95, %dma_wait3A_96] : memref<32x160x64xi32, #tpu.memory_space<hbm>> -> memref<1x40x64xi32, #tpu.memory_space<hbm>>
    %dma_wait3A_98 = tpu.memref_squeeze %dma_wait3A_97 : memref<1x40x64xi32, #tpu.memory_space<hbm>> -> memref<40x64xi32, #tpu.memory_space<hbm>>
    tpu.wait_dma2 semaphore(%arg23 : memref<!tpu.dma_semaphore, #tpu.memory_space<semaphore_mem>>) src(%dma_wait3A_98 : memref<40x64xi32, #tpu.memory_space<hbm>>) dst(%arg8 : memref<40x64xi32, #tpu.memory_space<vmem>>)
    %barrier3A = arith.constant 0 : index
    tpu.barrier barrier_id(%barrier3A)
    %scan3A = arith.constant 0 : i32
    %scan3A_99 = arith.constant 0 : i32
    %scan3A_100 = arith.constant 10 : i32
    %scan3A_101 = arith.addi %scan3A_99, %scan3A_100 : i32
    %scan3A_102 = arith.constant 1 : i32
    scf.for %scan3A_257 = %scan3A_99 to %scan3A_101 step %scan3A_102  : i32 {
      %mul3A_258 = arith.constant 4 : i32
      %mul3A_259 = arith.muli %mul3A_258, %scan3A_257 : i32
      %add3A_260 = arith.constant 0 : i32
      %add3A_261 = arith.addi %mul3A_259, %add3A_260 : i32
      %dma_wait3A_262 = arith.constant 0 : i32
      %dma_wait3A_263 = tpu.memref_slice %arg7[%add3A_261, %dma_wait3A_262] : memref<40x64xi32, #tpu.memory_space<vmem>> -> memref<1x64xi32, #tpu.memory_space<vmem>>
      %dma_wait3A_264 = tpu.memref_squeeze %dma_wait3A_263 : memref<1x64xi32, #tpu.memory_space<vmem>> -> memref<64xi32, #tpu.memory_space<vmem>>
      %dma_wait3A_265 = arith.constant 0 : i32
      %dma_wait3A_266 = arith.constant 0 : i32
      %dma_wait3A_267 = tpu.memref_slice %arg2[%dma_wait3A_265, %dma_wait3A_266] : memref<10000x128xf32, #tpu.memory_space<hbm>> -> memref<10000x128xf32, #tpu.memory_space<hbm>>
      tpu.wait_indirect_dma semaphore(%arg14 : memref<!tpu.dma_semaphore, #tpu.memory_space<semaphore_mem>>) src(%dma_wait3A_267 : memref<10000x128xf32, #tpu.memory_space<hbm>>) dst(%arg9 : memref<64x128xf32, #tpu.memory_space<vmem>>)
      %dma_start3A_268 = arith.constant 0 : i32
      %dma_start3A_269 = tpu.memref_slice %arg8[%add3A_261, %dma_start3A_268] : memref<40x64xi32, #tpu.memory_space<vmem>> -> memref<1x64xi32, #tpu.memory_space<vmem>>
      %dma_start3A_270 = tpu.memref_squeeze %dma_start3A_269 : memref<1x64xi32, #tpu.memory_space<vmem>> -> memref<64xi32, #tpu.memory_space<vmem>>
      %dma_start3A_271 = arith.constant 0 : i32
      %dma_start3A_272 = arith.constant 0 : i32
      %dma_start3A_273 = tpu.memref_slice %arg13[%dma_start3A_271, %dma_start3A_272] : memref<10240x128xf32, #tpu.memory_space<vmem_shared>> -> memref<10240x128xf32, #tpu.memory_space<vmem_shared>>
      tpu.enqueue_indirect_dma source(%arg9 : memref<64x128xf32, #tpu.memory_space<vmem>>) target(%dma_start3A_273 : memref<10240x128xf32, #tpu.memory_space<vmem_shared>>) offsets(%dma_start3A_270 : memref<64xi32, #tpu.memory_space<vmem>>) semaphore(%arg18 : memref<!tpu.dma_semaphore, #tpu.memory_space<semaphore_mem>>) {add = true}
      %mul3A_274 = arith.constant 4 : i32
      %mul3A_275 = arith.muli %mul3A_274, %scan3A_257 : i32
      %add3A_276 = arith.constant 1 : i32
      %add3A_277 = arith.addi %mul3A_275, %add3A_276 : i32
      %dma_wait3A_278 = arith.constant 0 : i32
      %dma_wait3A_279 = tpu.memref_slice %arg7[%add3A_277, %dma_wait3A_278] : memref<40x64xi32, #tpu.memory_space<vmem>> -> memref<1x64xi32, #tpu.memory_space<vmem>>
      %dma_wait3A_280 = tpu.memref_squeeze %dma_wait3A_279 : memref<1x64xi32, #tpu.memory_space<vmem>> -> memref<64xi32, #tpu.memory_space<vmem>>
      %dma_wait3A_281 = arith.constant 0 : i32
      %dma_wait3A_282 = arith.constant 0 : i32
      %dma_wait3A_283 = tpu.memref_slice %arg2[%dma_wait3A_281, %dma_wait3A_282] : memref<10000x128xf32, #tpu.memory_space<hbm>> -> memref<10000x128xf32, #tpu.memory_space<hbm>>
      tpu.wait_indirect_dma semaphore(%arg15 : memref<!tpu.dma_semaphore, #tpu.memory_space<semaphore_mem>>) src(%dma_wait3A_283 : memref<10000x128xf32, #tpu.memory_space<hbm>>) dst(%arg10 : memref<64x128xf32, #tpu.memory_space<vmem>>)
      %dma_start3A_284 = arith.constant 0 : i32
      %dma_start3A_285 = tpu.memref_slice %arg8[%add3A_277, %dma_start3A_284] : memref<40x64xi32, #tpu.memory_space<vmem>> -> memref<1x64xi32, #tpu.memory_space<vmem>>
      %dma_start3A_286 = tpu.memref_squeeze %dma_start3A_285 : memref<1x64xi32, #tpu.memory_space<vmem>> -> memref<64xi32, #tpu.memory_space<vmem>>
      %dma_start3A_287 = arith.constant 0 : i32
      %dma_start3A_288 = arith.constant 0 : i32
      %dma_start3A_289 = tpu.memref_slice %arg13[%dma_start3A_287, %dma_start3A_288] : memref<10240x128xf32, #tpu.memory_space<vmem_shared>> -> memref<10240x128xf32, #tpu.memory_space<vmem_shared>>
      tpu.enqueue_indirect_dma source(%arg10 : memref<64x128xf32, #tpu.memory_space<vmem>>) target(%dma_start3A_289 : memref<10240x128xf32, #tpu.memory_space<vmem_shared>>) offsets(%dma_start3A_286 : memref<64xi32, #tpu.memory_space<vmem>>) semaphore(%arg19 : memref<!tpu.dma_semaphore, #tpu.memory_space<semaphore_mem>>) {add = true}
      %mul3A_290 = arith.constant 4 : i32
      %mul3A_291 = arith.muli %mul3A_290, %scan3A_257 : i32
      %add3A_292 = arith.constant 2 : i32
      %add3A_293 = arith.addi %mul3A_291, %add3A_292 : i32
      %dma_wait3A_294 = arith.constant 0 : i32
      %dma_wait3A_295 = tpu.memref_slice %arg7[%add3A_293, %dma_wait3A_294] : memref<40x64xi32, #tpu.memory_space<vmem>> -> memref<1x64xi32, #tpu.memory_space<vmem>>
      %dma_wait3A_296 = tpu.memref_squeeze %dma_wait3A_295 : memref<1x64xi32, #tpu.memory_space<vmem>> -> memref<64xi32, #tpu.memory_space<vmem>>
      %dma_wait3A_297 = arith.constant 0 : i32
      %dma_wait3A_298 = arith.constant 0 : i32
      %dma_wait3A_299 = tpu.memref_slice %arg2[%dma_wait3A_297, %dma_wait3A_298] : memref<10000x128xf32, #tpu.memory_space<hbm>> -> memref<10000x128xf32, #tpu.memory_space<hbm>>
      tpu.wait_indirect_dma semaphore(%arg16 : memref<!tpu.dma_semaphore, #tpu.memory_space<semaphore_mem>>) src(%dma_wait3A_299 : memref<10000x128xf32, #tpu.memory_space<hbm>>) dst(%arg11 : memref<64x128xf32, #tpu.memory_space<vmem>>)
      %dma_start3A_300 = arith.constant 0 : i32
      %dma_start3A_301 = tpu.memref_slice %arg8[%add3A_293, %dma_start3A_300] : memref<40x64xi32, #tpu.memory_space<vmem>> -> memref<1x64xi32, #tpu.memory_space<vmem>>
      %dma_start3A_302 = tpu.memref_squeeze %dma_start3A_301 : memref<1x64xi32, #tpu.memory_space<vmem>> -> memref<64xi32, #tpu.memory_space<vmem>>
      %dma_start3A_303 = arith.constant 0 : i32
      %dma_start3A_304 = arith.constant 0 : i32
      %dma_start3A_305 = tpu.memref_slice %arg13[%dma_start3A_303, %dma_start3A_304] : memref<10240x128xf32, #tpu.memory_space<vmem_shared>> -> memref<10240x128xf32, #tpu.memory_space<vmem_shared>>
      tpu.enqueue_indirect_dma source(%arg11 : memref<64x128xf32, #tpu.memory_space<vmem>>) target(%dma_start3A_305 : memref<10240x128xf32, #tpu.memory_space<vmem_shared>>) offsets(%dma_start3A_302 : memref<64xi32, #tpu.memory_space<vmem>>) semaphore(%arg20 : memref<!tpu.dma_semaphore, #tpu.memory_space<semaphore_mem>>) {add = true}
      %mul3A_306 = arith.constant 4 : i32
      %mul3A_307 = arith.muli %mul3A_306, %scan3A_257 : i32
      %add3A_308 = arith.constant 3 : i32
      %add3A_309 = arith.addi %mul3A_307, %add3A_308 : i32
      %dma_wait3A_310 = arith.constant 0 : i32
      %dma_wait3A_311 = tpu.memref_slice %arg7[%add3A_309, %dma_wait3A_310] : memref<40x64xi32, #tpu.memory_space<vmem>> -> memref<1x64xi32, #tpu.memory_space<vmem>>
      %dma_wait3A_312 = tpu.memref_squeeze %dma_wait3A_311 : memref<1x64xi32, #tpu.memory_space<vmem>> -> memref<64xi32, #tpu.memory_space<vmem>>
      %dma_wait3A_313 = arith.constant 0 : i32
      %dma_wait3A_314 = arith.constant 0 : i32
      %dma_wait3A_315 = tpu.memref_slice %arg2[%dma_wait3A_313, %dma_wait3A_314] : memref<10000x128xf32, #tpu.memory_space<hbm>> -> memref<10000x128xf32, #tpu.memory_space<hbm>>
      tpu.wait_indirect_dma semaphore(%arg17 : memref<!tpu.dma_semaphore, #tpu.memory_space<semaphore_mem>>) src(%dma_wait3A_315 : memref<10000x128xf32, #tpu.memory_space<hbm>>) dst(%arg12 : memref<64x128xf32, #tpu.memory_space<vmem>>)
      %dma_start3A_316 = arith.constant 0 : i32
      %dma_start3A_317 = tpu.memref_slice %arg8[%add3A_309, %dma_start3A_316] : memref<40x64xi32, #tpu.memory_space<vmem>> -> memref<1x64xi32, #tpu.memory_space<vmem>>
      %dma_start3A_318 = tpu.memref_squeeze %dma_start3A_317 : memref<1x64xi32, #tpu.memory_space<vmem>> -> memref<64xi32, #tpu.memory_space<vmem>>
      %dma_start3A_319 = arith.constant 0 : i32
      %dma_start3A_320 = arith.constant 0 : i32
      %dma_start3A_321 = tpu.memref_slice %arg13[%dma_start3A_319, %dma_start3A_320] : memref<10240x128xf32, #tpu.memory_space<vmem_shared>> -> memref<10240x128xf32, #tpu.memory_space<vmem_shared>>
      tpu.enqueue_indirect_dma source(%arg12 : memref<64x128xf32, #tpu.memory_space<vmem>>) target(%dma_start3A_321 : memref<10240x128xf32, #tpu.memory_space<vmem_shared>>) offsets(%dma_start3A_318 : memref<64xi32, #tpu.memory_space<vmem>>) semaphore(%arg21 : memref<!tpu.dma_semaphore, #tpu.memory_space<semaphore_mem>>) {add = true}
      %eq3A = arith.constant 9 : i32
      %eq3A_322 = arith.cmpi eq, %scan3A_257, %eq3A : i32
      %convert_element_type3A = arith.extui %eq3A_322 : i1 to i32
      %cond3A = arith.constant 0 : i32
      %cond3A_323 = arith.cmpi ne, %convert_element_type3A, %cond3A : i32
      scf.if %cond3A_323 {
        %dma_start3A_388 = arith.constant 40 : i32
        %dma_start3A_389 = arith.constant 0 : i32
        %dma_start3A_390 = tpu.memref_slice %arg3[%add3A, %dma_start3A_388, %dma_start3A_389] : memref<32x160x64xi32, #tpu.memory_space<hbm>> -> memref<1x40x64xi32, #tpu.memory_space<hbm>>
        %dma_start3A_391 = tpu.memref_squeeze %dma_start3A_390 : memref<1x40x64xi32, #tpu.memory_space<hbm>> -> memref<40x64xi32, #tpu.memory_space<hbm>>
        %dma_start3A_392 = arith.constant 40 : i32
        %dma_start3A_393 = arith.constant 0 : i32
        %dma_start3A_394 = tpu.memref_slice %arg3[%add3A, %dma_start3A_392, %dma_start3A_393] : memref<32x160x64xi32, #tpu.memory_space<hbm>> -> memref<1x40x64xi32, #tpu.memory_space<hbm>>
        %dma_start3A_395 = tpu.memref_squeeze %dma_start3A_394 : memref<1x40x64xi32, #tpu.memory_space<hbm>> -> memref<40x64xi32, #tpu.memory_space<hbm>>
        tpu.enqueue_dma source(%dma_start3A_395 : memref<40x64xi32, #tpu.memory_space<hbm>>) target(%arg7 : memref<40x64xi32, #tpu.memory_space<vmem>>) target_semaphore(%arg22 : memref<!tpu.dma_semaphore, #tpu.memory_space<semaphore_mem>>)
      } else {
      }
      %mul3A_324 = arith.constant 4 : i32
      %mul3A_325 = arith.muli %mul3A_324, %scan3A_257 : i32
      %add3A_326 = arith.constant 0 : i32
      %add3A_327 = arith.addi %mul3A_325, %add3A_326 : i32
      %dma_wait3A_328 = arith.constant 0 : i32
      %dma_wait3A_329 = tpu.memref_slice %arg8[%add3A_327, %dma_wait3A_328] : memref<40x64xi32, #tpu.memory_space<vmem>> -> memref<1x64xi32, #tpu.memory_space<vmem>>
      %dma_wait3A_330 = tpu.memref_squeeze %dma_wait3A_329 : memref<1x64xi32, #tpu.memory_space<vmem>> -> memref<64xi32, #tpu.memory_space<vmem>>
      %dma_wait3A_331 = arith.constant 0 : i32
      %dma_wait3A_332 = arith.constant 0 : i32
      %dma_wait3A_333 = tpu.memref_slice %arg13[%dma_wait3A_331, %dma_wait3A_332] : memref<10240x128xf32, #tpu.memory_space<vmem_shared>> -> memref<10240x128xf32, #tpu.memory_space<vmem_shared>>
      tpu.wait_indirect_dma semaphore(%arg18 : memref<!tpu.dma_semaphore, #tpu.memory_space<semaphore_mem>>) src(%arg9 : memref<64x128xf32, #tpu.memory_space<vmem>>) dst(%dma_wait3A_333 : memref<10240x128xf32, #tpu.memory_space<vmem_shared>>)
      %lt3A = arith.constant 9 : i32
      %lt3A_334 = arith.cmpi slt, %scan3A_257, %lt3A : i32
      %convert_element_type3A_335 = arith.extui %lt3A_334 : i1 to i32
      %cond3A_336 = arith.constant 0 : i32
      %cond3A_337 = arith.cmpi ne, %convert_element_type3A_335, %cond3A_336 : i32
      scf.if %cond3A_337 {
        %add3A_388 = arith.constant 4 : i32
        %add3A_389 = arith.addi %add3A_327, %add3A_388 : i32
        %dma_start3A_390 = arith.constant 0 : i32
        %dma_start3A_391 = tpu.memref_slice %arg7[%add3A_389, %dma_start3A_390] : memref<40x64xi32, #tpu.memory_space<vmem>> -> memref<1x64xi32, #tpu.memory_space<vmem>>
        %dma_start3A_392 = tpu.memref_squeeze %dma_start3A_391 : memref<1x64xi32, #tpu.memory_space<vmem>> -> memref<64xi32, #tpu.memory_space<vmem>>
        %dma_start3A_393 = arith.constant 0 : i32
        %dma_start3A_394 = arith.constant 0 : i32
        %dma_start3A_395 = tpu.memref_slice %arg2[%dma_start3A_393, %dma_start3A_394] : memref<10000x128xf32, #tpu.memory_space<hbm>> -> memref<10000x128xf32, #tpu.memory_space<hbm>>
        tpu.enqueue_indirect_dma source(%dma_start3A_395 : memref<10000x128xf32, #tpu.memory_space<hbm>>) target(%arg9 : memref<64x128xf32, #tpu.memory_space<vmem>>) offsets(%dma_start3A_392 : memref<64xi32, #tpu.memory_space<vmem>>) semaphore(%arg14 : memref<!tpu.dma_semaphore, #tpu.memory_space<semaphore_mem>>)
      } else {
      }
      %mul3A_338 = arith.constant 4 : i32
      %mul3A_339 = arith.muli %mul3A_338, %scan3A_257 : i32
      %add3A_340 = arith.constant 1 : i32
      %add3A_341 = arith.addi %mul3A_339, %add3A_340 : i32
      %dma_wait3A_342 = arith.constant 0 : i32
      %dma_wait3A_343 = tpu.memref_slice %arg8[%add3A_341, %dma_wait3A_342] : memref<40x64xi32, #tpu.memory_space<vmem>> -> memref<1x64xi32, #tpu.memory_space<vmem>>
      %dma_wait3A_344 = tpu.memref_squeeze %dma_wait3A_343 : memref<1x64xi32, #tpu.memory_space<vmem>> -> memref<64xi32, #tpu.memory_space<vmem>>
      %dma_wait3A_345 = arith.constant 0 : i32
      %dma_wait3A_346 = arith.constant 0 : i32
      %dma_wait3A_347 = tpu.memref_slice %arg13[%dma_wait3A_345, %dma_wait3A_346] : memref<10240x128xf32, #tpu.memory_space<vmem_shared>> -> memref<10240x128xf32, #tpu.memory_space<vmem_shared>>
      tpu.wait_indirect_dma semaphore(%arg19 : memref<!tpu.dma_semaphore, #tpu.memory_space<semaphore_mem>>) src(%arg10 : memref<64x128xf32, #tpu.memory_space<vmem>>) dst(%dma_wait3A_347 : memref<10240x128xf32, #tpu.memory_space<vmem_shared>>)
      %lt3A_348 = arith.constant 9 : i32
      %lt3A_349 = arith.cmpi slt, %scan3A_257, %lt3A_348 : i32
      %convert_element_type3A_350 = arith.extui %lt3A_349 : i1 to i32
      %cond3A_351 = arith.constant 0 : i32
      %cond3A_352 = arith.cmpi ne, %convert_element_type3A_350, %cond3A_351 : i32
      scf.if %cond3A_352 {
        %add3A_388 = arith.constant 4 : i32
        %add3A_389 = arith.addi %add3A_341, %add3A_388 : i32
        %dma_start3A_390 = arith.constant 0 : i32
        %dma_start3A_391 = tpu.memref_slice %arg7[%add3A_389, %dma_start3A_390] : memref<40x64xi32, #tpu.memory_space<vmem>> -> memref<1x64xi32, #tpu.memory_space<vmem>>
        %dma_start3A_392 = tpu.memref_squeeze %dma_start3A_391 : memref<1x64xi32, #tpu.memory_space<vmem>> -> memref<64xi32, #tpu.memory_space<vmem>>
        %dma_start3A_393 = arith.constant 0 : i32
        %dma_start3A_394 = arith.constant 0 : i32
        %dma_start3A_395 = tpu.memref_slice %arg2[%dma_start3A_393, %dma_start3A_394] : memref<10000x128xf32, #tpu.memory_space<hbm>> -> memref<10000x128xf32, #tpu.memory_space<hbm>>
        tpu.enqueue_indirect_dma source(%dma_start3A_395 : memref<10000x128xf32, #tpu.memory_space<hbm>>) target(%arg10 : memref<64x128xf32, #tpu.memory_space<vmem>>) offsets(%dma_start3A_392 : memref<64xi32, #tpu.memory_space<vmem>>) semaphore(%arg15 : memref<!tpu.dma_semaphore, #tpu.memory_space<semaphore_mem>>)
      } else {
      }
      %mul3A_353 = arith.constant 4 : i32
      %mul3A_354 = arith.muli %mul3A_353, %scan3A_257 : i32
      %add3A_355 = arith.constant 2 : i32
      %add3A_356 = arith.addi %mul3A_354, %add3A_355 : i32
      %dma_wait3A_357 = arith.constant 0 : i32
      %dma_wait3A_358 = tpu.memref_slice %arg8[%add3A_356, %dma_wait3A_357] : memref<40x64xi32, #tpu.memory_space<vmem>> -> memref<1x64xi32, #tpu.memory_space<vmem>>
      %dma_wait3A_359 = tpu.memref_squeeze %dma_wait3A_358 : memref<1x64xi32, #tpu.memory_space<vmem>> -> memref<64xi32, #tpu.memory_space<vmem>>
      %dma_wait3A_360 = arith.constant 0 : i32
      %dma_wait3A_361 = arith.constant 0 : i32
      %dma_wait3A_362 = tpu.memref_slice %arg13[%dma_wait3A_360, %dma_wait3A_361] : memref<10240x128xf32, #tpu.memory_space<vmem_shared>> -> memref<10240x128xf32, #tpu.memory_space<vmem_shared>>
      tpu.wait_indirect_dma semaphore(%arg20 : memref<!tpu.dma_semaphore, #tpu.memory_space<semaphore_mem>>) src(%arg11 : memref<64x128xf32, #tpu.memory_space<vmem>>) dst(%dma_wait3A_362 : memref<10240x128xf32, #tpu.memory_space<vmem_shared>>)
      %lt3A_363 = arith.constant 9 : i32
      %lt3A_364 = arith.cmpi slt, %scan3A_257, %lt3A_363 : i32
      %convert_element_type3A_365 = arith.extui %lt3A_364 : i1 to i32
      %cond3A_366 = arith.constant 0 : i32
      %cond3A_367 = arith.cmpi ne, %convert_element_type3A_365, %cond3A_366 : i32
      scf.if %cond3A_367 {
        %add3A_388 = arith.constant 4 : i32
        %add3A_389 = arith.addi %add3A_356, %add3A_388 : i32
        %dma_start3A_390 = arith.constant 0 : i32
        %dma_start3A_391 = tpu.memref_slice %arg7[%add3A_389, %dma_start3A_390] : memref<40x64xi32, #tpu.memory_space<vmem>> -> memref<1x64xi32, #tpu.memory_space<vmem>>
        %dma_start3A_392 = tpu.memref_squeeze %dma_start3A_391 : memref<1x64xi32, #tpu.memory_space<vmem>> -> memref<64xi32, #tpu.memory_space<vmem>>
        %dma_start3A_393 = arith.constant 0 : i32
        %dma_start3A_394 = arith.constant 0 : i32
        %dma_start3A_395 = tpu.memref_slice %arg2[%dma_start3A_393, %dma_start3A_394] : memref<10000x128xf32, #tpu.memory_space<hbm>> -> memref<10000x128xf32, #tpu.memory_space<hbm>>
        tpu.enqueue_indirect_dma source(%dma_start3A_395 : memref<10000x128xf32, #tpu.memory_space<hbm>>) target(%arg11 : memref<64x128xf32, #tpu.memory_space<vmem>>) offsets(%dma_start3A_392 : memref<64xi32, #tpu.memory_space<vmem>>) semaphore(%arg16 : memref<!tpu.dma_semaphore, #tpu.memory_space<semaphore_mem>>)
      } else {
      }
      %mul3A_368 = arith.constant 4 : i32
      %mul3A_369 = arith.muli %mul3A_368, %scan3A_257 : i32
      %add3A_370 = arith.constant 3 : i32
      %add3A_371 = arith.addi %mul3A_369, %add3A_370 : i32
      %dma_wait3A_372 = arith.constant 0 : i32
      %dma_wait3A_373 = tpu.memref_slice %arg8[%add3A_371, %dma_wait3A_372] : memref<40x64xi32, #tpu.memory_space<vmem>> -> memref<1x64xi32, #tpu.memory_space<vmem>>
      %dma_wait3A_374 = tpu.memref_squeeze %dma_wait3A_373 : memref<1x64xi32, #tpu.memory_space<vmem>> -> memref<64xi32, #tpu.memory_space<vmem>>
      %dma_wait3A_375 = arith.constant 0 : i32
      %dma_wait3A_376 = arith.constant 0 : i32
      %dma_wait3A_377 = tpu.memref_slice %arg13[%dma_wait3A_375, %dma_wait3A_376] : memref<10240x128xf32, #tpu.memory_space<vmem_shared>> -> memref<10240x128xf32, #tpu.memory_space<vmem_shared>>
      tpu.wait_indirect_dma semaphore(%arg21 : memref<!tpu.dma_semaphore, #tpu.memory_space<semaphore_mem>>) src(%arg12 : memref<64x128xf32, #tpu.memory_space<vmem>>) dst(%dma_wait3A_377 : memref<10240x128xf32, #tpu.memory_space<vmem_shared>>)
      %lt3A_378 = arith.constant 9 : i32
      %lt3A_379 = arith.cmpi slt, %scan3A_257, %lt3A_378 : i32
      %convert_element_type3A_380 = arith.extui %lt3A_379 : i1 to i32
      %cond3A_381 = arith.constant 0 : i32
      %cond3A_382 = arith.cmpi ne, %convert_element_type3A_380, %cond3A_381 : i32
      scf.if %cond3A_382 {
        %add3A_388 = arith.constant 4 : i32
        %add3A_389 = arith.addi %add3A_371, %add3A_388 : i32
        %dma_start3A_390 = arith.constant 0 : i32
        %dma_start3A_391 = tpu.memref_slice %arg7[%add3A_389, %dma_start3A_390] : memref<40x64xi32, #tpu.memory_space<vmem>> -> memref<1x64xi32, #tpu.memory_space<vmem>>
        %dma_start3A_392 = tpu.memref_squeeze %dma_start3A_391 : memref<1x64xi32, #tpu.memory_space<vmem>> -> memref<64xi32, #tpu.memory_space<vmem>>
        %dma_start3A_393 = arith.constant 0 : i32
        %dma_start3A_394 = arith.constant 0 : i32
        %dma_start3A_395 = tpu.memref_slice %arg2[%dma_start3A_393, %dma_start3A_394] : memref<10000x128xf32, #tpu.memory_space<hbm>> -> memref<10000x128xf32, #tpu.memory_space<hbm>>
        tpu.enqueue_indirect_dma source(%dma_start3A_395 : memref<10000x128xf32, #tpu.memory_space<hbm>>) target(%arg12 : memref<64x128xf32, #tpu.memory_space<vmem>>) offsets(%dma_start3A_392 : memref<64xi32, #tpu.memory_space<vmem>>) semaphore(%arg17 : memref<!tpu.dma_semaphore, #tpu.memory_space<semaphore_mem>>)
      } else {
      }
      %eq3A_383 = arith.constant 9 : i32
      %eq3A_384 = arith.cmpi eq, %scan3A_257, %eq3A_383 : i32
      %convert_element_type3A_385 = arith.extui %eq3A_384 : i1 to i32
      %cond3A_386 = arith.constant 0 : i32
      %cond3A_387 = arith.cmpi ne, %convert_element_type3A_385, %cond3A_386 : i32
      scf.if %cond3A_387 {
        %dma_start3A_388 = arith.constant 40 : i32
        %dma_start3A_389 = arith.constant 0 : i32
        %dma_start3A_390 = tpu.memref_slice %arg4[%add3A, %dma_start3A_388, %dma_start3A_389] : memref<32x160x64xi32, #tpu.memory_space<hbm>> -> memref<1x40x64xi32, #tpu.memory_space<hbm>>
        %dma_start3A_391 = tpu.memref_squeeze %dma_start3A_390 : memref<1x40x64xi32, #tpu.memory_space<hbm>> -> memref<40x64xi32, #tpu.memory_space<hbm>>
        %dma_start3A_392 = arith.constant 40 : i32
        %dma_start3A_393 = arith.constant 0 : i32
        %dma_start3A_394 = tpu.memref_slice %arg4[%add3A, %dma_start3A_392, %dma_start3A_393] : memref<32x160x64xi32, #tpu.memory_space<hbm>> -> memref<1x40x64xi32, #tpu.memory_space<hbm>>
        %dma_start3A_395 = tpu.memref_squeeze %dma_start3A_394 : memref<1x40x64xi32, #tpu.memory_space<hbm>> -> memref<40x64xi32, #tpu.memory_space<hbm>>
        tpu.enqueue_dma source(%dma_start3A_395 : memref<40x64xi32, #tpu.memory_space<hbm>>) target(%arg8 : memref<40x64xi32, #tpu.memory_space<vmem>>) target_semaphore(%arg23 : memref<!tpu.dma_semaphore, #tpu.memory_space<semaphore_mem>>)
      } else {
      }
    }
    %scan3A_103 = arith.constant 10 : i32
    %dma_wait3A_104 = arith.constant 40 : i32
    %dma_wait3A_105 = arith.constant 0 : i32
    %dma_wait3A_106 = tpu.memref_slice %arg3[%add3A, %dma_wait3A_104, %dma_wait3A_105] : memref<32x160x64xi32, #tpu.memory_space<hbm>> -> memref<1x40x64xi32, #tpu.memory_space<hbm>>
    %dma_wait3A_107 = tpu.memref_squeeze %dma_wait3A_106 : memref<1x40x64xi32, #tpu.memory_space<hbm>> -> memref<40x64xi32, #tpu.memory_space<hbm>>
    %dma_wait3A_108 = arith.constant 40 : i32
    %dma_wait3A_109 = arith.constant 0 : i32
    %dma_wait3A_110 = tpu.memref_slice %arg3[%add3A, %dma_wait3A_108, %dma_wait3A_109] : memref<32x160x64xi32, #tpu.memory_space<hbm>> -> memref<1x40x64xi32, #tpu.memory_space<hbm>>
    %dma_wait3A_111 = tpu.memref_squeeze %dma_wait3A_110 : memref<1x40x64xi32, #tpu.memory_space<hbm>> -> memref<40x64xi32, #tpu.memory_space<hbm>>
    tpu.wait_dma2 semaphore(%arg22 : memref<!tpu.dma_semaphore, #tpu.memory_space<semaphore_mem>>) src(%dma_wait3A_111 : memref<40x64xi32, #tpu.memory_space<hbm>>) dst(%arg7 : memref<40x64xi32, #tpu.memory_space<vmem>>)
    %dma_start3A_112 = arith.constant 0 : i32
    %dma_start3A_113 = arith.constant 0 : i32
    %dma_start3A_114 = tpu.memref_slice %arg7[%dma_start3A_112, %dma_start3A_113] : memref<40x64xi32, #tpu.memory_space<vmem>> -> memref<1x64xi32, #tpu.memory_space<vmem>>
    %dma_start3A_115 = tpu.memref_squeeze %dma_start3A_114 : memref<1x64xi32, #tpu.memory_space<vmem>> -> memref<64xi32, #tpu.memory_space<vmem>>
    %dma_start3A_116 = arith.constant 0 : i32
    %dma_start3A_117 = arith.constant 0 : i32
    %dma_start3A_118 = tpu.memref_slice %arg2[%dma_start3A_116, %dma_start3A_117] : memref<10000x128xf32, #tpu.memory_space<hbm>> -> memref<10000x128xf32, #tpu.memory_space<hbm>>
    tpu.enqueue_indirect_dma source(%dma_start3A_118 : memref<10000x128xf32, #tpu.memory_space<hbm>>) target(%arg9 : memref<64x128xf32, #tpu.memory_space<vmem>>) offsets(%dma_start3A_115 : memref<64xi32, #tpu.memory_space<vmem>>) semaphore(%arg14 : memref<!tpu.dma_semaphore, #tpu.memory_space<semaphore_mem>>)
    %dma_start3A_119 = arith.constant 1 : i32
    %dma_start3A_120 = arith.constant 0 : i32
    %dma_start3A_121 = tpu.memref_slice %arg7[%dma_start3A_119, %dma_start3A_120] : memref<40x64xi32, #tpu.memory_space<vmem>> -> memref<1x64xi32, #tpu.memory_space<vmem>>
    %dma_start3A_122 = tpu.memref_squeeze %dma_start3A_121 : memref<1x64xi32, #tpu.memory_space<vmem>> -> memref<64xi32, #tpu.memory_space<vmem>>
    %dma_start3A_123 = arith.constant 0 : i32
    %dma_start3A_124 = arith.constant 0 : i32
    %dma_start3A_125 = tpu.memref_slice %arg2[%dma_start3A_123, %dma_start3A_124] : memref<10000x128xf32, #tpu.memory_space<hbm>> -> memref<10000x128xf32, #tpu.memory_space<hbm>>
    tpu.enqueue_indirect_dma source(%dma_start3A_125 : memref<10000x128xf32, #tpu.memory_space<hbm>>) target(%arg10 : memref<64x128xf32, #tpu.memory_space<vmem>>) offsets(%dma_start3A_122 : memref<64xi32, #tpu.memory_space<vmem>>) semaphore(%arg15 : memref<!tpu.dma_semaphore, #tpu.memory_space<semaphore_mem>>)
    %dma_start3A_126 = arith.constant 2 : i32
    %dma_start3A_127 = arith.constant 0 : i32
    %dma_start3A_128 = tpu.memref_slice %arg7[%dma_start3A_126, %dma_start3A_127] : memref<40x64xi32, #tpu.memory_space<vmem>> -> memref<1x64xi32, #tpu.memory_space<vmem>>
    %dma_start3A_129 = tpu.memref_squeeze %dma_start3A_128 : memref<1x64xi32, #tpu.memory_space<vmem>> -> memref<64xi32, #tpu.memory_space<vmem>>
    %dma_start3A_130 = arith.constant 0 : i32
    %dma_start3A_131 = arith.constant 0 : i32
    %dma_start3A_132 = tpu.memref_slice %arg2[%dma_start3A_130, %dma_start3A_131] : memref<10000x128xf32, #tpu.memory_space<hbm>> -> memref<10000x128xf32, #tpu.memory_space<hbm>>
    tpu.enqueue_indirect_dma source(%dma_start3A_132 : memref<10000x128xf32, #tpu.memory_space<hbm>>) target(%arg11 : memref<64x128xf32, #tpu.memory_space<vmem>>) offsets(%dma_start3A_129 : memref<64xi32, #tpu.memory_space<vmem>>) semaphore(%arg16 : memref<!tpu.dma_semaphore, #tpu.memory_space<semaphore_mem>>)
    %dma_start3A_133 = arith.constant 3 : i32
    %dma_start3A_134 = arith.constant 0 : i32
    %dma_start3A_135 = tpu.memref_slice %arg7[%dma_start3A_133, %dma_start3A_134] : memref<40x64xi32, #tpu.memory_space<vmem>> -> memref<1x64xi32, #tpu.memory_space<vmem>>
    %dma_start3A_136 = tpu.memref_squeeze %dma_start3A_135 : memref<1x64xi32, #tpu.memory_space<vmem>> -> memref<64xi32, #tpu.memory_space<vmem>>
    %dma_start3A_137 = arith.constant 0 : i32
    %dma_start3A_138 = arith.constant 0 : i32
    %dma_start3A_139 = tpu.memref_slice %arg2[%dma_start3A_137, %dma_start3A_138] : memref<10000x128xf32, #tpu.memory_space<hbm>> -> memref<10000x128xf32, #tpu.memory_space<hbm>>
    tpu.enqueue_indirect_dma source(%dma_start3A_139 : memref<10000x128xf32, #tpu.memory_space<hbm>>) target(%arg12 : memref<64x128xf32, #tpu.memory_space<vmem>>) offsets(%dma_start3A_136 : memref<64xi32, #tpu.memory_space<vmem>>) semaphore(%arg17 : memref<!tpu.dma_semaphore, #tpu.memory_space<semaphore_mem>>)
    %dma_wait3A_140 = arith.constant 40 : i32
    %dma_wait3A_141 = arith.constant 0 : i32
    %dma_wait3A_142 = tpu.memref_slice %arg4[%add3A, %dma_wait3A_140, %dma_wait3A_141] : memref<32x160x64xi32, #tpu.memory_space<hbm>> -> memref<1x40x64xi32, #tpu.memory_space<hbm>>
    %dma_wait3A_143 = tpu.memref_squeeze %dma_wait3A_142 : memref<1x40x64xi32, #tpu.memory_space<hbm>> -> memref<40x64xi32, #tpu.memory_space<hbm>>
    %dma_wait3A_144 = arith.constant 40 : i32
    %dma_wait3A_145 = arith.constant 0 : i32
    %dma_wait3A_146 = tpu.memref_slice %arg4[%add3A, %dma_wait3A_144, %dma_wait3A_145] : memref<32x160x64xi32, #tpu.memory_space<hbm>> -> memref<1x40x64xi32, #tpu.memory_space<hbm>>
    %dma_wait3A_147 = tpu.memref_squeeze %dma_wait3A_146 : memref<1x40x64xi32, #tpu.memory_space<hbm>> -> memref<40x64xi32, #tpu.memory_space<hbm>>
    tpu.wait_dma2 semaphore(%arg23 : memref<!tpu.dma_semaphore, #tpu.memory_space<semaphore_mem>>) src(%dma_wait3A_147 : memref<40x64xi32, #tpu.memory_space<hbm>>) dst(%arg8 : memref<40x64xi32, #tpu.memory_space<vmem>>)
    %scan3A_148 = arith.constant 0 : i32
    %scan3A_149 = arith.constant 0 : i32
    %scan3A_150 = arith.constant 10 : i32
    %scan3A_151 = arith.addi %scan3A_149, %scan3A_150 : i32
    %scan3A_152 = arith.constant 1 : i32
    scf.for %scan3A_257 = %scan3A_149 to %scan3A_151 step %scan3A_152  : i32 {
      %mul3A_258 = arith.constant 4 : i32
      %mul3A_259 = arith.muli %mul3A_258, %scan3A_257 : i32
      %add3A_260 = arith.constant 0 : i32
      %add3A_261 = arith.addi %mul3A_259, %add3A_260 : i32
      %dma_wait3A_262 = arith.constant 0 : i32
      %dma_wait3A_263 = tpu.memref_slice %arg7[%add3A_261, %dma_wait3A_262] : memref<40x64xi32, #tpu.memory_space<vmem>> -> memref<1x64xi32, #tpu.memory_space<vmem>>
      %dma_wait3A_264 = tpu.memref_squeeze %dma_wait3A_263 : memref<1x64xi32, #tpu.memory_space<vmem>> -> memref<64xi32, #tpu.memory_space<vmem>>
      %dma_wait3A_265 = arith.constant 0 : i32
      %dma_wait3A_266 = arith.constant 0 : i32
      %dma_wait3A_267 = tpu.memref_slice %arg2[%dma_wait3A_265, %dma_wait3A_266] : memref<10000x128xf32, #tpu.memory_space<hbm>> -> memref<10000x128xf32, #tpu.memory_space<hbm>>
      tpu.wait_indirect_dma semaphore(%arg14 : memref<!tpu.dma_semaphore, #tpu.memory_space<semaphore_mem>>) src(%dma_wait3A_267 : memref<10000x128xf32, #tpu.memory_space<hbm>>) dst(%arg9 : memref<64x128xf32, #tpu.memory_space<vmem>>)
      %dma_start3A_268 = arith.constant 0 : i32
      %dma_start3A_269 = tpu.memref_slice %arg8[%add3A_261, %dma_start3A_268] : memref<40x64xi32, #tpu.memory_space<vmem>> -> memref<1x64xi32, #tpu.memory_space<vmem>>
      %dma_start3A_270 = tpu.memref_squeeze %dma_start3A_269 : memref<1x64xi32, #tpu.memory_space<vmem>> -> memref<64xi32, #tpu.memory_space<vmem>>
      %dma_start3A_271 = arith.constant 0 : i32
      %dma_start3A_272 = arith.constant 0 : i32
      %dma_start3A_273 = tpu.memref_slice %arg13[%dma_start3A_271, %dma_start3A_272] : memref<10240x128xf32, #tpu.memory_space<vmem_shared>> -> memref<10240x128xf32, #tpu.memory_space<vmem_shared>>
      tpu.enqueue_indirect_dma source(%arg9 : memref<64x128xf32, #tpu.memory_space<vmem>>) target(%dma_start3A_273 : memref<10240x128xf32, #tpu.memory_space<vmem_shared>>) offsets(%dma_start3A_270 : memref<64xi32, #tpu.memory_space<vmem>>) semaphore(%arg18 : memref<!tpu.dma_semaphore, #tpu.memory_space<semaphore_mem>>) {add = true}
      %mul3A_274 = arith.constant 4 : i32
      %mul3A_275 = arith.muli %mul3A_274, %scan3A_257 : i32
      %add3A_276 = arith.constant 1 : i32
      %add3A_277 = arith.addi %mul3A_275, %add3A_276 : i32
      %dma_wait3A_278 = arith.constant 0 : i32
      %dma_wait3A_279 = tpu.memref_slice %arg7[%add3A_277, %dma_wait3A_278] : memref<40x64xi32, #tpu.memory_space<vmem>> -> memref<1x64xi32, #tpu.memory_space<vmem>>
      %dma_wait3A_280 = tpu.memref_squeeze %dma_wait3A_279 : memref<1x64xi32, #tpu.memory_space<vmem>> -> memref<64xi32, #tpu.memory_space<vmem>>
      %dma_wait3A_281 = arith.constant 0 : i32
      %dma_wait3A_282 = arith.constant 0 : i32
      %dma_wait3A_283 = tpu.memref_slice %arg2[%dma_wait3A_281, %dma_wait3A_282] : memref<10000x128xf32, #tpu.memory_space<hbm>> -> memref<10000x128xf32, #tpu.memory_space<hbm>>
      tpu.wait_indirect_dma semaphore(%arg15 : memref<!tpu.dma_semaphore, #tpu.memory_space<semaphore_mem>>) src(%dma_wait3A_283 : memref<10000x128xf32, #tpu.memory_space<hbm>>) dst(%arg10 : memref<64x128xf32, #tpu.memory_space<vmem>>)
      %dma_start3A_284 = arith.constant 0 : i32
      %dma_start3A_285 = tpu.memref_slice %arg8[%add3A_277, %dma_start3A_284] : memref<40x64xi32, #tpu.memory_space<vmem>> -> memref<1x64xi32, #tpu.memory_space<vmem>>
      %dma_start3A_286 = tpu.memref_squeeze %dma_start3A_285 : memref<1x64xi32, #tpu.memory_space<vmem>> -> memref<64xi32, #tpu.memory_space<vmem>>
      %dma_start3A_287 = arith.constant 0 : i32
      %dma_start3A_288 = arith.constant 0 : i32
      %dma_start3A_289 = tpu.memref_slice %arg13[%dma_start3A_287, %dma_start3A_288] : memref<10240x128xf32, #tpu.memory_space<vmem_shared>> -> memref<10240x128xf32, #tpu.memory_space<vmem_shared>>
      tpu.enqueue_indirect_dma source(%arg10 : memref<64x128xf32, #tpu.memory_space<vmem>>) target(%dma_start3A_289 : memref<10240x128xf32, #tpu.memory_space<vmem_shared>>) offsets(%dma_start3A_286 : memref<64xi32, #tpu.memory_space<vmem>>) semaphore(%arg19 : memref<!tpu.dma_semaphore, #tpu.memory_space<semaphore_mem>>) {add = true}
      %mul3A_290 = arith.constant 4 : i32
      %mul3A_291 = arith.muli %mul3A_290, %scan3A_257 : i32
      %add3A_292 = arith.constant 2 : i32
      %add3A_293 = arith.addi %mul3A_291, %add3A_292 : i32
      %dma_wait3A_294 = arith.constant 0 : i32
      %dma_wait3A_295 = tpu.memref_slice %arg7[%add3A_293, %dma_wait3A_294] : memref<40x64xi32, #tpu.memory_space<vmem>> -> memref<1x64xi32, #tpu.memory_space<vmem>>
      %dma_wait3A_296 = tpu.memref_squeeze %dma_wait3A_295 : memref<1x64xi32, #tpu.memory_space<vmem>> -> memref<64xi32, #tpu.memory_space<vmem>>
      %dma_wait3A_297 = arith.constant 0 : i32
      %dma_wait3A_298 = arith.constant 0 : i32
      %dma_wait3A_299 = tpu.memref_slice %arg2[%dma_wait3A_297, %dma_wait3A_298] : memref<10000x128xf32, #tpu.memory_space<hbm>> -> memref<10000x128xf32, #tpu.memory_space<hbm>>
      tpu.wait_indirect_dma semaphore(%arg16 : memref<!tpu.dma_semaphore, #tpu.memory_space<semaphore_mem>>) src(%dma_wait3A_299 : memref<10000x128xf32, #tpu.memory_space<hbm>>) dst(%arg11 : memref<64x128xf32, #tpu.memory_space<vmem>>)
      %dma_start3A_300 = arith.constant 0 : i32
      %dma_start3A_301 = tpu.memref_slice %arg8[%add3A_293, %dma_start3A_300] : memref<40x64xi32, #tpu.memory_space<vmem>> -> memref<1x64xi32, #tpu.memory_space<vmem>>
      %dma_start3A_302 = tpu.memref_squeeze %dma_start3A_301 : memref<1x64xi32, #tpu.memory_space<vmem>> -> memref<64xi32, #tpu.memory_space<vmem>>
      %dma_start3A_303 = arith.constant 0 : i32
      %dma_start3A_304 = arith.constant 0 : i32
      %dma_start3A_305 = tpu.memref_slice %arg13[%dma_start3A_303, %dma_start3A_304] : memref<10240x128xf32, #tpu.memory_space<vmem_shared>> -> memref<10240x128xf32, #tpu.memory_space<vmem_shared>>
      tpu.enqueue_indirect_dma source(%arg11 : memref<64x128xf32, #tpu.memory_space<vmem>>) target(%dma_start3A_305 : memref<10240x128xf32, #tpu.memory_space<vmem_shared>>) offsets(%dma_start3A_302 : memref<64xi32, #tpu.memory_space<vmem>>) semaphore(%arg20 : memref<!tpu.dma_semaphore, #tpu.memory_space<semaphore_mem>>) {add = true}
      %mul3A_306 = arith.constant 4 : i32
      %mul3A_307 = arith.muli %mul3A_306, %scan3A_257 : i32
      %add3A_308 = arith.constant 3 : i32
      %add3A_309 = arith.addi %mul3A_307, %add3A_308 : i32
      %dma_wait3A_310 = arith.constant 0 : i32
      %dma_wait3A_311 = tpu.memref_slice %arg7[%add3A_309, %dma_wait3A_310] : memref<40x64xi32, #tpu.memory_space<vmem>> -> memref<1x64xi32, #tpu.memory_space<vmem>>
      %dma_wait3A_312 = tpu.memref_squeeze %dma_wait3A_311 : memref<1x64xi32, #tpu.memory_space<vmem>> -> memref<64xi32, #tpu.memory_space<vmem>>
      %dma_wait3A_313 = arith.constant 0 : i32
      %dma_wait3A_314 = arith.constant 0 : i32
      %dma_wait3A_315 = tpu.memref_slice %arg2[%dma_wait3A_313, %dma_wait3A_314] : memref<10000x128xf32, #tpu.memory_space<hbm>> -> memref<10000x128xf32, #tpu.memory_space<hbm>>
      tpu.wait_indirect_dma semaphore(%arg17 : memref<!tpu.dma_semaphore, #tpu.memory_space<semaphore_mem>>) src(%dma_wait3A_315 : memref<10000x128xf32, #tpu.memory_space<hbm>>) dst(%arg12 : memref<64x128xf32, #tpu.memory_space<vmem>>)
      %dma_start3A_316 = arith.constant 0 : i32
      %dma_start3A_317 = tpu.memref_slice %arg8[%add3A_309, %dma_start3A_316] : memref<40x64xi32, #tpu.memory_space<vmem>> -> memref<1x64xi32, #tpu.memory_space<vmem>>
      %dma_start3A_318 = tpu.memref_squeeze %dma_start3A_317 : memref<1x64xi32, #tpu.memory_space<vmem>> -> memref<64xi32, #tpu.memory_space<vmem>>
      %dma_start3A_319 = arith.constant 0 : i32
      %dma_start3A_320 = arith.constant 0 : i32
      %dma_start3A_321 = tpu.memref_slice %arg13[%dma_start3A_319, %dma_start3A_320] : memref<10240x128xf32, #tpu.memory_space<vmem_shared>> -> memref<10240x128xf32, #tpu.memory_space<vmem_shared>>
      tpu.enqueue_indirect_dma source(%arg12 : memref<64x128xf32, #tpu.memory_space<vmem>>) target(%dma_start3A_321 : memref<10240x128xf32, #tpu.memory_space<vmem_shared>>) offsets(%dma_start3A_318 : memref<64xi32, #tpu.memory_space<vmem>>) semaphore(%arg21 : memref<!tpu.dma_semaphore, #tpu.memory_space<semaphore_mem>>) {add = true}
      %eq3A = arith.constant 9 : i32
      %eq3A_322 = arith.cmpi eq, %scan3A_257, %eq3A : i32
      %convert_element_type3A = arith.extui %eq3A_322 : i1 to i32
      %cond3A = arith.constant 0 : i32
      %cond3A_323 = arith.cmpi ne, %convert_element_type3A, %cond3A : i32
      scf.if %cond3A_323 {
        %dma_start3A_388 = arith.constant 80 : i32
        %dma_start3A_389 = arith.constant 0 : i32
        %dma_start3A_390 = tpu.memref_slice %arg3[%add3A, %dma_start3A_388, %dma_start3A_389] : memref<32x160x64xi32, #tpu.memory_space<hbm>> -> memref<1x40x64xi32, #tpu.memory_space<hbm>>
        %dma_start3A_391 = tpu.memref_squeeze %dma_start3A_390 : memref<1x40x64xi32, #tpu.memory_space<hbm>> -> memref<40x64xi32, #tpu.memory_space<hbm>>
        %dma_start3A_392 = arith.constant 80 : i32
        %dma_start3A_393 = arith.constant 0 : i32
        %dma_start3A_394 = tpu.memref_slice %arg3[%add3A, %dma_start3A_392, %dma_start3A_393] : memref<32x160x64xi32, #tpu.memory_space<hbm>> -> memref<1x40x64xi32, #tpu.memory_space<hbm>>
        %dma_start3A_395 = tpu.memref_squeeze %dma_start3A_394 : memref<1x40x64xi32, #tpu.memory_space<hbm>> -> memref<40x64xi32, #tpu.memory_space<hbm>>
        tpu.enqueue_dma source(%dma_start3A_395 : memref<40x64xi32, #tpu.memory_space<hbm>>) target(%arg7 : memref<40x64xi32, #tpu.memory_space<vmem>>) target_semaphore(%arg22 : memref<!tpu.dma_semaphore, #tpu.memory_space<semaphore_mem>>)
      } else {
      }
      %mul3A_324 = arith.constant 4 : i32
      %mul3A_325 = arith.muli %mul3A_324, %scan3A_257 : i32
      %add3A_326 = arith.constant 0 : i32
      %add3A_327 = arith.addi %mul3A_325, %add3A_326 : i32
      %dma_wait3A_328 = arith.constant 0 : i32
      %dma_wait3A_329 = tpu.memref_slice %arg8[%add3A_327, %dma_wait3A_328] : memref<40x64xi32, #tpu.memory_space<vmem>> -> memref<1x64xi32, #tpu.memory_space<vmem>>
      %dma_wait3A_330 = tpu.memref_squeeze %dma_wait3A_329 : memref<1x64xi32, #tpu.memory_space<vmem>> -> memref<64xi32, #tpu.memory_space<vmem>>
      %dma_wait3A_331 = arith.constant 0 : i32
      %dma_wait3A_332 = arith.constant 0 : i32
      %dma_wait3A_333 = tpu.memref_slice %arg13[%dma_wait3A_331, %dma_wait3A_332] : memref<10240x128xf32, #tpu.memory_space<vmem_shared>> -> memref<10240x128xf32, #tpu.memory_space<vmem_shared>>
      tpu.wait_indirect_dma semaphore(%arg18 : memref<!tpu.dma_semaphore, #tpu.memory_space<semaphore_mem>>) src(%arg9 : memref<64x128xf32, #tpu.memory_space<vmem>>) dst(%dma_wait3A_333 : memref<10240x128xf32, #tpu.memory_space<vmem_shared>>)
      %lt3A = arith.constant 9 : i32
      %lt3A_334 = arith.cmpi slt, %scan3A_257, %lt3A : i32
      %convert_element_type3A_335 = arith.extui %lt3A_334 : i1 to i32
      %cond3A_336 = arith.constant 0 : i32
      %cond3A_337 = arith.cmpi ne, %convert_element_type3A_335, %cond3A_336 : i32
      scf.if %cond3A_337 {
        %add3A_388 = arith.constant 4 : i32
        %add3A_389 = arith.addi %add3A_327, %add3A_388 : i32
        %dma_start3A_390 = arith.constant 0 : i32
        %dma_start3A_391 = tpu.memref_slice %arg7[%add3A_389, %dma_start3A_390] : memref<40x64xi32, #tpu.memory_space<vmem>> -> memref<1x64xi32, #tpu.memory_space<vmem>>
        %dma_start3A_392 = tpu.memref_squeeze %dma_start3A_391 : memref<1x64xi32, #tpu.memory_space<vmem>> -> memref<64xi32, #tpu.memory_space<vmem>>
        %dma_start3A_393 = arith.constant 0 : i32
        %dma_start3A_394 = arith.constant 0 : i32
        %dma_start3A_395 = tpu.memref_slice %arg2[%dma_start3A_393, %dma_start3A_394] : memref<10000x128xf32, #tpu.memory_space<hbm>> -> memref<10000x128xf32, #tpu.memory_space<hbm>>
        tpu.enqueue_indirect_dma source(%dma_start3A_395 : memref<10000x128xf32, #tpu.memory_space<hbm>>) target(%arg9 : memref<64x128xf32, #tpu.memory_space<vmem>>) offsets(%dma_start3A_392 : memref<64xi32, #tpu.memory_space<vmem>>) semaphore(%arg14 : memref<!tpu.dma_semaphore, #tpu.memory_space<semaphore_mem>>)
      } else {
      }
      %mul3A_338 = arith.constant 4 : i32
      %mul3A_339 = arith.muli %mul3A_338, %scan3A_257 : i32
      %add3A_340 = arith.constant 1 : i32
      %add3A_341 = arith.addi %mul3A_339, %add3A_340 : i32
      %dma_wait3A_342 = arith.constant 0 : i32
      %dma_wait3A_343 = tpu.memref_slice %arg8[%add3A_341, %dma_wait3A_342] : memref<40x64xi32, #tpu.memory_space<vmem>> -> memref<1x64xi32, #tpu.memory_space<vmem>>
      %dma_wait3A_344 = tpu.memref_squeeze %dma_wait3A_343 : memref<1x64xi32, #tpu.memory_space<vmem>> -> memref<64xi32, #tpu.memory_space<vmem>>
      %dma_wait3A_345 = arith.constant 0 : i32
      %dma_wait3A_346 = arith.constant 0 : i32
      %dma_wait3A_347 = tpu.memref_slice %arg13[%dma_wait3A_345, %dma_wait3A_346] : memref<10240x128xf32, #tpu.memory_space<vmem_shared>> -> memref<10240x128xf32, #tpu.memory_space<vmem_shared>>
      tpu.wait_indirect_dma semaphore(%arg19 : memref<!tpu.dma_semaphore, #tpu.memory_space<semaphore_mem>>) src(%arg10 : memref<64x128xf32, #tpu.memory_space<vmem>>) dst(%dma_wait3A_347 : memref<10240x128xf32, #tpu.memory_space<vmem_shared>>)
      %lt3A_348 = arith.constant 9 : i32
      %lt3A_349 = arith.cmpi slt, %scan3A_257, %lt3A_348 : i32
      %convert_element_type3A_350 = arith.extui %lt3A_349 : i1 to i32
      %cond3A_351 = arith.constant 0 : i32
      %cond3A_352 = arith.cmpi ne, %convert_element_type3A_350, %cond3A_351 : i32
      scf.if %cond3A_352 {
        %add3A_388 = arith.constant 4 : i32
        %add3A_389 = arith.addi %add3A_341, %add3A_388 : i32
        %dma_start3A_390 = arith.constant 0 : i32
        %dma_start3A_391 = tpu.memref_slice %arg7[%add3A_389, %dma_start3A_390] : memref<40x64xi32, #tpu.memory_space<vmem>> -> memref<1x64xi32, #tpu.memory_space<vmem>>
        %dma_start3A_392 = tpu.memref_squeeze %dma_start3A_391 : memref<1x64xi32, #tpu.memory_space<vmem>> -> memref<64xi32, #tpu.memory_space<vmem>>
        %dma_start3A_393 = arith.constant 0 : i32
        %dma_start3A_394 = arith.constant 0 : i32
        %dma_start3A_395 = tpu.memref_slice %arg2[%dma_start3A_393, %dma_start3A_394] : memref<10000x128xf32, #tpu.memory_space<hbm>> -> memref<10000x128xf32, #tpu.memory_space<hbm>>
        tpu.enqueue_indirect_dma source(%dma_start3A_395 : memref<10000x128xf32, #tpu.memory_space<hbm>>) target(%arg10 : memref<64x128xf32, #tpu.memory_space<vmem>>) offsets(%dma_start3A_392 : memref<64xi32, #tpu.memory_space<vmem>>) semaphore(%arg15 : memref<!tpu.dma_semaphore, #tpu.memory_space<semaphore_mem>>)
      } else {
      }
      %mul3A_353 = arith.constant 4 : i32
      %mul3A_354 = arith.muli %mul3A_353, %scan3A_257 : i32
      %add3A_355 = arith.constant 2 : i32
      %add3A_356 = arith.addi %mul3A_354, %add3A_355 : i32
      %dma_wait3A_357 = arith.constant 0 : i32
      %dma_wait3A_358 = tpu.memref_slice %arg8[%add3A_356, %dma_wait3A_357] : memref<40x64xi32, #tpu.memory_space<vmem>> -> memref<1x64xi32, #tpu.memory_space<vmem>>
      %dma_wait3A_359 = tpu.memref_squeeze %dma_wait3A_358 : memref<1x64xi32, #tpu.memory_space<vmem>> -> memref<64xi32, #tpu.memory_space<vmem>>
      %dma_wait3A_360 = arith.constant 0 : i32
      %dma_wait3A_361 = arith.constant 0 : i32
      %dma_wait3A_362 = tpu.memref_slice %arg13[%dma_wait3A_360, %dma_wait3A_361] : memref<10240x128xf32, #tpu.memory_space<vmem_shared>> -> memref<10240x128xf32, #tpu.memory_space<vmem_shared>>
      tpu.wait_indirect_dma semaphore(%arg20 : memref<!tpu.dma_semaphore, #tpu.memory_space<semaphore_mem>>) src(%arg11 : memref<64x128xf32, #tpu.memory_space<vmem>>) dst(%dma_wait3A_362 : memref<10240x128xf32, #tpu.memory_space<vmem_shared>>)
      %lt3A_363 = arith.constant 9 : i32
      %lt3A_364 = arith.cmpi slt, %scan3A_257, %lt3A_363 : i32
      %convert_element_type3A_365 = arith.extui %lt3A_364 : i1 to i32
      %cond3A_366 = arith.constant 0 : i32
      %cond3A_367 = arith.cmpi ne, %convert_element_type3A_365, %cond3A_366 : i32
      scf.if %cond3A_367 {
        %add3A_388 = arith.constant 4 : i32
        %add3A_389 = arith.addi %add3A_356, %add3A_388 : i32
        %dma_start3A_390 = arith.constant 0 : i32
        %dma_start3A_391 = tpu.memref_slice %arg7[%add3A_389, %dma_start3A_390] : memref<40x64xi32, #tpu.memory_space<vmem>> -> memref<1x64xi32, #tpu.memory_space<vmem>>
        %dma_start3A_392 = tpu.memref_squeeze %dma_start3A_391 : memref<1x64xi32, #tpu.memory_space<vmem>> -> memref<64xi32, #tpu.memory_space<vmem>>
        %dma_start3A_393 = arith.constant 0 : i32
        %dma_start3A_394 = arith.constant 0 : i32
        %dma_start3A_395 = tpu.memref_slice %arg2[%dma_start3A_393, %dma_start3A_394] : memref<10000x128xf32, #tpu.memory_space<hbm>> -> memref<10000x128xf32, #tpu.memory_space<hbm>>
        tpu.enqueue_indirect_dma source(%dma_start3A_395 : memref<10000x128xf32, #tpu.memory_space<hbm>>) target(%arg11 : memref<64x128xf32, #tpu.memory_space<vmem>>) offsets(%dma_start3A_392 : memref<64xi32, #tpu.memory_space<vmem>>) semaphore(%arg16 : memref<!tpu.dma_semaphore, #tpu.memory_space<semaphore_mem>>)
      } else {
      }
      %mul3A_368 = arith.constant 4 : i32
      %mul3A_369 = arith.muli %mul3A_368, %scan3A_257 : i32
      %add3A_370 = arith.constant 3 : i32
      %add3A_371 = arith.addi %mul3A_369, %add3A_370 : i32
      %dma_wait3A_372 = arith.constant 0 : i32
      %dma_wait3A_373 = tpu.memref_slice %arg8[%add3A_371, %dma_wait3A_372] : memref<40x64xi32, #tpu.memory_space<vmem>> -> memref<1x64xi32, #tpu.memory_space<vmem>>
      %dma_wait3A_374 = tpu.memref_squeeze %dma_wait3A_373 : memref<1x64xi32, #tpu.memory_space<vmem>> -> memref<64xi32, #tpu.memory_space<vmem>>
      %dma_wait3A_375 = arith.constant 0 : i32
      %dma_wait3A_376 = arith.constant 0 : i32
      %dma_wait3A_377 = tpu.memref_slice %arg13[%dma_wait3A_375, %dma_wait3A_376] : memref<10240x128xf32, #tpu.memory_space<vmem_shared>> -> memref<10240x128xf32, #tpu.memory_space<vmem_shared>>
      tpu.wait_indirect_dma semaphore(%arg21 : memref<!tpu.dma_semaphore, #tpu.memory_space<semaphore_mem>>) src(%arg12 : memref<64x128xf32, #tpu.memory_space<vmem>>) dst(%dma_wait3A_377 : memref<10240x128xf32, #tpu.memory_space<vmem_shared>>)
      %lt3A_378 = arith.constant 9 : i32
      %lt3A_379 = arith.cmpi slt, %scan3A_257, %lt3A_378 : i32
      %convert_element_type3A_380 = arith.extui %lt3A_379 : i1 to i32
      %cond3A_381 = arith.constant 0 : i32
      %cond3A_382 = arith.cmpi ne, %convert_element_type3A_380, %cond3A_381 : i32
      scf.if %cond3A_382 {
        %add3A_388 = arith.constant 4 : i32
        %add3A_389 = arith.addi %add3A_371, %add3A_388 : i32
        %dma_start3A_390 = arith.constant 0 : i32
        %dma_start3A_391 = tpu.memref_slice %arg7[%add3A_389, %dma_start3A_390] : memref<40x64xi32, #tpu.memory_space<vmem>> -> memref<1x64xi32, #tpu.memory_space<vmem>>
        %dma_start3A_392 = tpu.memref_squeeze %dma_start3A_391 : memref<1x64xi32, #tpu.memory_space<vmem>> -> memref<64xi32, #tpu.memory_space<vmem>>
        %dma_start3A_393 = arith.constant 0 : i32
        %dma_start3A_394 = arith.constant 0 : i32
        %dma_start3A_395 = tpu.memref_slice %arg2[%dma_start3A_393, %dma_start3A_394] : memref<10000x128xf32, #tpu.memory_space<hbm>> -> memref<10000x128xf32, #tpu.memory_space<hbm>>
        tpu.enqueue_indirect_dma source(%dma_start3A_395 : memref<10000x128xf32, #tpu.memory_space<hbm>>) target(%arg12 : memref<64x128xf32, #tpu.memory_space<vmem>>) offsets(%dma_start3A_392 : memref<64xi32, #tpu.memory_space<vmem>>) semaphore(%arg17 : memref<!tpu.dma_semaphore, #tpu.memory_space<semaphore_mem>>)
      } else {
      }
      %eq3A_383 = arith.constant 9 : i32
      %eq3A_384 = arith.cmpi eq, %scan3A_257, %eq3A_383 : i32
      %convert_element_type3A_385 = arith.extui %eq3A_384 : i1 to i32
      %cond3A_386 = arith.constant 0 : i32
      %cond3A_387 = arith.cmpi ne, %convert_element_type3A_385, %cond3A_386 : i32
      scf.if %cond3A_387 {
        %dma_start3A_388 = arith.constant 80 : i32
        %dma_start3A_389 = arith.constant 0 : i32
        %dma_start3A_390 = tpu.memref_slice %arg4[%add3A, %dma_start3A_388, %dma_start3A_389] : memref<32x160x64xi32, #tpu.memory_space<hbm>> -> memref<1x40x64xi32, #tpu.memory_space<hbm>>
        %dma_start3A_391 = tpu.memref_squeeze %dma_start3A_390 : memref<1x40x64xi32, #tpu.memory_space<hbm>> -> memref<40x64xi32, #tpu.memory_space<hbm>>
        %dma_start3A_392 = arith.constant 80 : i32
        %dma_start3A_393 = arith.constant 0 : i32
        %dma_start3A_394 = tpu.memref_slice %arg4[%add3A, %dma_start3A_392, %dma_start3A_393] : memref<32x160x64xi32, #tpu.memory_space<hbm>> -> memref<1x40x64xi32, #tpu.memory_space<hbm>>
        %dma_start3A_395 = tpu.memref_squeeze %dma_start3A_394 : memref<1x40x64xi32, #tpu.memory_space<hbm>> -> memref<40x64xi32, #tpu.memory_space<hbm>>
        tpu.enqueue_dma source(%dma_start3A_395 : memref<40x64xi32, #tpu.memory_space<hbm>>) target(%arg8 : memref<40x64xi32, #tpu.memory_space<vmem>>) target_semaphore(%arg23 : memref<!tpu.dma_semaphore, #tpu.memory_space<semaphore_mem>>)
      } else {
      }
    }
    %scan3A_153 = arith.constant 10 : i32
    %dma_wait3A_154 = arith.constant 80 : i32
    %dma_wait3A_155 = arith.constant 0 : i32
    %dma_wait3A_156 = tpu.memref_slice %arg3[%add3A, %dma_wait3A_154, %dma_wait3A_155] : memref<32x160x64xi32, #tpu.memory_space<hbm>> -> memref<1x40x64xi32, #tpu.memory_space<hbm>>
    %dma_wait3A_157 = tpu.memref_squeeze %dma_wait3A_156 : memref<1x40x64xi32, #tpu.memory_space<hbm>> -> memref<40x64xi32, #tpu.memory_space<hbm>>
    %dma_wait3A_158 = arith.constant 80 : i32
    %dma_wait3A_159 = arith.constant 0 : i32
    %dma_wait3A_160 = tpu.memref_slice %arg3[%add3A, %dma_wait3A_158, %dma_wait3A_159] : memref<32x160x64xi32, #tpu.memory_space<hbm>> -> memref<1x40x64xi32, #tpu.memory_space<hbm>>
    %dma_wait3A_161 = tpu.memref_squeeze %dma_wait3A_160 : memref<1x40x64xi32, #tpu.memory_space<hbm>> -> memref<40x64xi32, #tpu.memory_space<hbm>>
    tpu.wait_dma2 semaphore(%arg22 : memref<!tpu.dma_semaphore, #tpu.memory_space<semaphore_mem>>) src(%dma_wait3A_161 : memref<40x64xi32, #tpu.memory_space<hbm>>) dst(%arg7 : memref<40x64xi32, #tpu.memory_space<vmem>>)
    %dma_start3A_162 = arith.constant 0 : i32
    %dma_start3A_163 = arith.constant 0 : i32
    %dma_start3A_164 = tpu.memref_slice %arg7[%dma_start3A_162, %dma_start3A_163] : memref<40x64xi32, #tpu.memory_space<vmem>> -> memref<1x64xi32, #tpu.memory_space<vmem>>
    %dma_start3A_165 = tpu.memref_squeeze %dma_start3A_164 : memref<1x64xi32, #tpu.memory_space<vmem>> -> memref<64xi32, #tpu.memory_space<vmem>>
    %dma_start3A_166 = arith.constant 0 : i32
    %dma_start3A_167 = arith.constant 0 : i32
    %dma_start3A_168 = tpu.memref_slice %arg2[%dma_start3A_166, %dma_start3A_167] : memref<10000x128xf32, #tpu.memory_space<hbm>> -> memref<10000x128xf32, #tpu.memory_space<hbm>>
    tpu.enqueue_indirect_dma source(%dma_start3A_168 : memref<10000x128xf32, #tpu.memory_space<hbm>>) target(%arg9 : memref<64x128xf32, #tpu.memory_space<vmem>>) offsets(%dma_start3A_165 : memref<64xi32, #tpu.memory_space<vmem>>) semaphore(%arg14 : memref<!tpu.dma_semaphore, #tpu.memory_space<semaphore_mem>>)
    %dma_start3A_169 = arith.constant 1 : i32
    %dma_start3A_170 = arith.constant 0 : i32
    %dma_start3A_171 = tpu.memref_slice %arg7[%dma_start3A_169, %dma_start3A_170] : memref<40x64xi32, #tpu.memory_space<vmem>> -> memref<1x64xi32, #tpu.memory_space<vmem>>
    %dma_start3A_172 = tpu.memref_squeeze %dma_start3A_171 : memref<1x64xi32, #tpu.memory_space<vmem>> -> memref<64xi32, #tpu.memory_space<vmem>>
    %dma_start3A_173 = arith.constant 0 : i32
    %dma_start3A_174 = arith.constant 0 : i32
    %dma_start3A_175 = tpu.memref_slice %arg2[%dma_start3A_173, %dma_start3A_174] : memref<10000x128xf32, #tpu.memory_space<hbm>> -> memref<10000x128xf32, #tpu.memory_space<hbm>>
    tpu.enqueue_indirect_dma source(%dma_start3A_175 : memref<10000x128xf32, #tpu.memory_space<hbm>>) target(%arg10 : memref<64x128xf32, #tpu.memory_space<vmem>>) offsets(%dma_start3A_172 : memref<64xi32, #tpu.memory_space<vmem>>) semaphore(%arg15 : memref<!tpu.dma_semaphore, #tpu.memory_space<semaphore_mem>>)
    %dma_start3A_176 = arith.constant 2 : i32
    %dma_start3A_177 = arith.constant 0 : i32
    %dma_start3A_178 = tpu.memref_slice %arg7[%dma_start3A_176, %dma_start3A_177] : memref<40x64xi32, #tpu.memory_space<vmem>> -> memref<1x64xi32, #tpu.memory_space<vmem>>
    %dma_start3A_179 = tpu.memref_squeeze %dma_start3A_178 : memref<1x64xi32, #tpu.memory_space<vmem>> -> memref<64xi32, #tpu.memory_space<vmem>>
    %dma_start3A_180 = arith.constant 0 : i32
    %dma_start3A_181 = arith.constant 0 : i32
    %dma_start3A_182 = tpu.memref_slice %arg2[%dma_start3A_180, %dma_start3A_181] : memref<10000x128xf32, #tpu.memory_space<hbm>> -> memref<10000x128xf32, #tpu.memory_space<hbm>>
    tpu.enqueue_indirect_dma source(%dma_start3A_182 : memref<10000x128xf32, #tpu.memory_space<hbm>>) target(%arg11 : memref<64x128xf32, #tpu.memory_space<vmem>>) offsets(%dma_start3A_179 : memref<64xi32, #tpu.memory_space<vmem>>) semaphore(%arg16 : memref<!tpu.dma_semaphore, #tpu.memory_space<semaphore_mem>>)
    %dma_start3A_183 = arith.constant 3 : i32
    %dma_start3A_184 = arith.constant 0 : i32
    %dma_start3A_185 = tpu.memref_slice %arg7[%dma_start3A_183, %dma_start3A_184] : memref<40x64xi32, #tpu.memory_space<vmem>> -> memref<1x64xi32, #tpu.memory_space<vmem>>
    %dma_start3A_186 = tpu.memref_squeeze %dma_start3A_185 : memref<1x64xi32, #tpu.memory_space<vmem>> -> memref<64xi32, #tpu.memory_space<vmem>>
    %dma_start3A_187 = arith.constant 0 : i32
    %dma_start3A_188 = arith.constant 0 : i32
    %dma_start3A_189 = tpu.memref_slice %arg2[%dma_start3A_187, %dma_start3A_188] : memref<10000x128xf32, #tpu.memory_space<hbm>> -> memref<10000x128xf32, #tpu.memory_space<hbm>>
    tpu.enqueue_indirect_dma source(%dma_start3A_189 : memref<10000x128xf32, #tpu.memory_space<hbm>>) target(%arg12 : memref<64x128xf32, #tpu.memory_space<vmem>>) offsets(%dma_start3A_186 : memref<64xi32, #tpu.memory_space<vmem>>) semaphore(%arg17 : memref<!tpu.dma_semaphore, #tpu.memory_space<semaphore_mem>>)
    %dma_wait3A_190 = arith.constant 80 : i32
    %dma_wait3A_191 = arith.constant 0 : i32
    %dma_wait3A_192 = tpu.memref_slice %arg4[%add3A, %dma_wait3A_190, %dma_wait3A_191] : memref<32x160x64xi32, #tpu.memory_space<hbm>> -> memref<1x40x64xi32, #tpu.memory_space<hbm>>
    %dma_wait3A_193 = tpu.memref_squeeze %dma_wait3A_192 : memref<1x40x64xi32, #tpu.memory_space<hbm>> -> memref<40x64xi32, #tpu.memory_space<hbm>>
    %dma_wait3A_194 = arith.constant 80 : i32
    %dma_wait3A_195 = arith.constant 0 : i32
    %dma_wait3A_196 = tpu.memref_slice %arg4[%add3A, %dma_wait3A_194, %dma_wait3A_195] : memref<32x160x64xi32, #tpu.memory_space<hbm>> -> memref<1x40x64xi32, #tpu.memory_space<hbm>>
    %dma_wait3A_197 = tpu.memref_squeeze %dma_wait3A_196 : memref<1x40x64xi32, #tpu.memory_space<hbm>> -> memref<40x64xi32, #tpu.memory_space<hbm>>
    tpu.wait_dma2 semaphore(%arg23 : memref<!tpu.dma_semaphore, #tpu.memory_space<semaphore_mem>>) src(%dma_wait3A_197 : memref<40x64xi32, #tpu.memory_space<hbm>>) dst(%arg8 : memref<40x64xi32, #tpu.memory_space<vmem>>)
    %scan3A_198 = arith.constant 0 : i32
    %scan3A_199 = arith.constant 0 : i32
    %scan3A_200 = arith.constant 10 : i32
    %scan3A_201 = arith.addi %scan3A_199, %scan3A_200 : i32
    %scan3A_202 = arith.constant 1 : i32
    scf.for %scan3A_257 = %scan3A_199 to %scan3A_201 step %scan3A_202  : i32 {
      %mul3A_258 = arith.constant 4 : i32
      %mul3A_259 = arith.muli %mul3A_258, %scan3A_257 : i32
      %add3A_260 = arith.constant 0 : i32
      %add3A_261 = arith.addi %mul3A_259, %add3A_260 : i32
      %dma_wait3A_262 = arith.constant 0 : i32
      %dma_wait3A_263 = tpu.memref_slice %arg7[%add3A_261, %dma_wait3A_262] : memref<40x64xi32, #tpu.memory_space<vmem>> -> memref<1x64xi32, #tpu.memory_space<vmem>>
      %dma_wait3A_264 = tpu.memref_squeeze %dma_wait3A_263 : memref<1x64xi32, #tpu.memory_space<vmem>> -> memref<64xi32, #tpu.memory_space<vmem>>
      %dma_wait3A_265 = arith.constant 0 : i32
      %dma_wait3A_266 = arith.constant 0 : i32
      %dma_wait3A_267 = tpu.memref_slice %arg2[%dma_wait3A_265, %dma_wait3A_266] : memref<10000x128xf32, #tpu.memory_space<hbm>> -> memref<10000x128xf32, #tpu.memory_space<hbm>>
      tpu.wait_indirect_dma semaphore(%arg14 : memref<!tpu.dma_semaphore, #tpu.memory_space<semaphore_mem>>) src(%dma_wait3A_267 : memref<10000x128xf32, #tpu.memory_space<hbm>>) dst(%arg9 : memref<64x128xf32, #tpu.memory_space<vmem>>)
      %dma_start3A_268 = arith.constant 0 : i32
      %dma_start3A_269 = tpu.memref_slice %arg8[%add3A_261, %dma_start3A_268] : memref<40x64xi32, #tpu.memory_space<vmem>> -> memref<1x64xi32, #tpu.memory_space<vmem>>
      %dma_start3A_270 = tpu.memref_squeeze %dma_start3A_269 : memref<1x64xi32, #tpu.memory_space<vmem>> -> memref<64xi32, #tpu.memory_space<vmem>>
      %dma_start3A_271 = arith.constant 0 : i32
      %dma_start3A_272 = arith.constant 0 : i32
      %dma_start3A_273 = tpu.memref_slice %arg13[%dma_start3A_271, %dma_start3A_272] : memref<10240x128xf32, #tpu.memory_space<vmem_shared>> -> memref<10240x128xf32, #tpu.memory_space<vmem_shared>>
      tpu.enqueue_indirect_dma source(%arg9 : memref<64x128xf32, #tpu.memory_space<vmem>>) target(%dma_start3A_273 : memref<10240x128xf32, #tpu.memory_space<vmem_shared>>) offsets(%dma_start3A_270 : memref<64xi32, #tpu.memory_space<vmem>>) semaphore(%arg18 : memref<!tpu.dma_semaphore, #tpu.memory_space<semaphore_mem>>) {add = true}
      %mul3A_274 = arith.constant 4 : i32
      %mul3A_275 = arith.muli %mul3A_274, %scan3A_257 : i32
      %add3A_276 = arith.constant 1 : i32
      %add3A_277 = arith.addi %mul3A_275, %add3A_276 : i32
      %dma_wait3A_278 = arith.constant 0 : i32
      %dma_wait3A_279 = tpu.memref_slice %arg7[%add3A_277, %dma_wait3A_278] : memref<40x64xi32, #tpu.memory_space<vmem>> -> memref<1x64xi32, #tpu.memory_space<vmem>>
      %dma_wait3A_280 = tpu.memref_squeeze %dma_wait3A_279 : memref<1x64xi32, #tpu.memory_space<vmem>> -> memref<64xi32, #tpu.memory_space<vmem>>
      %dma_wait3A_281 = arith.constant 0 : i32
      %dma_wait3A_282 = arith.constant 0 : i32
      %dma_wait3A_283 = tpu.memref_slice %arg2[%dma_wait3A_281, %dma_wait3A_282] : memref<10000x128xf32, #tpu.memory_space<hbm>> -> memref<10000x128xf32, #tpu.memory_space<hbm>>
      tpu.wait_indirect_dma semaphore(%arg15 : memref<!tpu.dma_semaphore, #tpu.memory_space<semaphore_mem>>) src(%dma_wait3A_283 : memref<10000x128xf32, #tpu.memory_space<hbm>>) dst(%arg10 : memref<64x128xf32, #tpu.memory_space<vmem>>)
      %dma_start3A_284 = arith.constant 0 : i32
      %dma_start3A_285 = tpu.memref_slice %arg8[%add3A_277, %dma_start3A_284] : memref<40x64xi32, #tpu.memory_space<vmem>> -> memref<1x64xi32, #tpu.memory_space<vmem>>
      %dma_start3A_286 = tpu.memref_squeeze %dma_start3A_285 : memref<1x64xi32, #tpu.memory_space<vmem>> -> memref<64xi32, #tpu.memory_space<vmem>>
      %dma_start3A_287 = arith.constant 0 : i32
      %dma_start3A_288 = arith.constant 0 : i32
      %dma_start3A_289 = tpu.memref_slice %arg13[%dma_start3A_287, %dma_start3A_288] : memref<10240x128xf32, #tpu.memory_space<vmem_shared>> -> memref<10240x128xf32, #tpu.memory_space<vmem_shared>>
      tpu.enqueue_indirect_dma source(%arg10 : memref<64x128xf32, #tpu.memory_space<vmem>>) target(%dma_start3A_289 : memref<10240x128xf32, #tpu.memory_space<vmem_shared>>) offsets(%dma_start3A_286 : memref<64xi32, #tpu.memory_space<vmem>>) semaphore(%arg19 : memref<!tpu.dma_semaphore, #tpu.memory_space<semaphore_mem>>) {add = true}
      %mul3A_290 = arith.constant 4 : i32
      %mul3A_291 = arith.muli %mul3A_290, %scan3A_257 : i32
      %add3A_292 = arith.constant 2 : i32
      %add3A_293 = arith.addi %mul3A_291, %add3A_292 : i32
      %dma_wait3A_294 = arith.constant 0 : i32
      %dma_wait3A_295 = tpu.memref_slice %arg7[%add3A_293, %dma_wait3A_294] : memref<40x64xi32, #tpu.memory_space<vmem>> -> memref<1x64xi32, #tpu.memory_space<vmem>>
      %dma_wait3A_296 = tpu.memref_squeeze %dma_wait3A_295 : memref<1x64xi32, #tpu.memory_space<vmem>> -> memref<64xi32, #tpu.memory_space<vmem>>
      %dma_wait3A_297 = arith.constant 0 : i32
      %dma_wait3A_298 = arith.constant 0 : i32
      %dma_wait3A_299 = tpu.memref_slice %arg2[%dma_wait3A_297, %dma_wait3A_298] : memref<10000x128xf32, #tpu.memory_space<hbm>> -> memref<10000x128xf32, #tpu.memory_space<hbm>>
      tpu.wait_indirect_dma semaphore(%arg16 : memref<!tpu.dma_semaphore, #tpu.memory_space<semaphore_mem>>) src(%dma_wait3A_299 : memref<10000x128xf32, #tpu.memory_space<hbm>>) dst(%arg11 : memref<64x128xf32, #tpu.memory_space<vmem>>)
      %dma_start3A_300 = arith.constant 0 : i32
      %dma_start3A_301 = tpu.memref_slice %arg8[%add3A_293, %dma_start3A_300] : memref<40x64xi32, #tpu.memory_space<vmem>> -> memref<1x64xi32, #tpu.memory_space<vmem>>
      %dma_start3A_302 = tpu.memref_squeeze %dma_start3A_301 : memref<1x64xi32, #tpu.memory_space<vmem>> -> memref<64xi32, #tpu.memory_space<vmem>>
      %dma_start3A_303 = arith.constant 0 : i32
      %dma_start3A_304 = arith.constant 0 : i32
      %dma_start3A_305 = tpu.memref_slice %arg13[%dma_start3A_303, %dma_start3A_304] : memref<10240x128xf32, #tpu.memory_space<vmem_shared>> -> memref<10240x128xf32, #tpu.memory_space<vmem_shared>>
      tpu.enqueue_indirect_dma source(%arg11 : memref<64x128xf32, #tpu.memory_space<vmem>>) target(%dma_start3A_305 : memref<10240x128xf32, #tpu.memory_space<vmem_shared>>) offsets(%dma_start3A_302 : memref<64xi32, #tpu.memory_space<vmem>>) semaphore(%arg20 : memref<!tpu.dma_semaphore, #tpu.memory_space<semaphore_mem>>) {add = true}
      %mul3A_306 = arith.constant 4 : i32
      %mul3A_307 = arith.muli %mul3A_306, %scan3A_257 : i32
      %add3A_308 = arith.constant 3 : i32
      %add3A_309 = arith.addi %mul3A_307, %add3A_308 : i32
      %dma_wait3A_310 = arith.constant 0 : i32
      %dma_wait3A_311 = tpu.memref_slice %arg7[%add3A_309, %dma_wait3A_310] : memref<40x64xi32, #tpu.memory_space<vmem>> -> memref<1x64xi32, #tpu.memory_space<vmem>>
      %dma_wait3A_312 = tpu.memref_squeeze %dma_wait3A_311 : memref<1x64xi32, #tpu.memory_space<vmem>> -> memref<64xi32, #tpu.memory_space<vmem>>
      %dma_wait3A_313 = arith.constant 0 : i32
      %dma_wait3A_314 = arith.constant 0 : i32
      %dma_wait3A_315 = tpu.memref_slice %arg2[%dma_wait3A_313, %dma_wait3A_314] : memref<10000x128xf32, #tpu.memory_space<hbm>> -> memref<10000x128xf32, #tpu.memory_space<hbm>>
      tpu.wait_indirect_dma semaphore(%arg17 : memref<!tpu.dma_semaphore, #tpu.memory_space<semaphore_mem>>) src(%dma_wait3A_315 : memref<10000x128xf32, #tpu.memory_space<hbm>>) dst(%arg12 : memref<64x128xf32, #tpu.memory_space<vmem>>)
      %dma_start3A_316 = arith.constant 0 : i32
      %dma_start3A_317 = tpu.memref_slice %arg8[%add3A_309, %dma_start3A_316] : memref<40x64xi32, #tpu.memory_space<vmem>> -> memref<1x64xi32, #tpu.memory_space<vmem>>
      %dma_start3A_318 = tpu.memref_squeeze %dma_start3A_317 : memref<1x64xi32, #tpu.memory_space<vmem>> -> memref<64xi32, #tpu.memory_space<vmem>>
      %dma_start3A_319 = arith.constant 0 : i32
      %dma_start3A_320 = arith.constant 0 : i32
      %dma_start3A_321 = tpu.memref_slice %arg13[%dma_start3A_319, %dma_start3A_320] : memref<10240x128xf32, #tpu.memory_space<vmem_shared>> -> memref<10240x128xf32, #tpu.memory_space<vmem_shared>>
      tpu.enqueue_indirect_dma source(%arg12 : memref<64x128xf32, #tpu.memory_space<vmem>>) target(%dma_start3A_321 : memref<10240x128xf32, #tpu.memory_space<vmem_shared>>) offsets(%dma_start3A_318 : memref<64xi32, #tpu.memory_space<vmem>>) semaphore(%arg21 : memref<!tpu.dma_semaphore, #tpu.memory_space<semaphore_mem>>) {add = true}
      %eq3A = arith.constant 9 : i32
      %eq3A_322 = arith.cmpi eq, %scan3A_257, %eq3A : i32
      %convert_element_type3A = arith.extui %eq3A_322 : i1 to i32
      %cond3A = arith.constant 0 : i32
      %cond3A_323 = arith.cmpi ne, %convert_element_type3A, %cond3A : i32
      scf.if %cond3A_323 {
        %dma_start3A_388 = arith.constant 120 : i32
        %dma_start3A_389 = arith.constant 0 : i32
        %dma_start3A_390 = tpu.memref_slice %arg3[%add3A, %dma_start3A_388, %dma_start3A_389] : memref<32x160x64xi32, #tpu.memory_space<hbm>> -> memref<1x40x64xi32, #tpu.memory_space<hbm>>
        %dma_start3A_391 = tpu.memref_squeeze %dma_start3A_390 : memref<1x40x64xi32, #tpu.memory_space<hbm>> -> memref<40x64xi32, #tpu.memory_space<hbm>>
        %dma_start3A_392 = arith.constant 120 : i32
        %dma_start3A_393 = arith.constant 0 : i32
        %dma_start3A_394 = tpu.memref_slice %arg3[%add3A, %dma_start3A_392, %dma_start3A_393] : memref<32x160x64xi32, #tpu.memory_space<hbm>> -> memref<1x40x64xi32, #tpu.memory_space<hbm>>
        %dma_start3A_395 = tpu.memref_squeeze %dma_start3A_394 : memref<1x40x64xi32, #tpu.memory_space<hbm>> -> memref<40x64xi32, #tpu.memory_space<hbm>>
        tpu.enqueue_dma source(%dma_start3A_395 : memref<40x64xi32, #tpu.memory_space<hbm>>) target(%arg7 : memref<40x64xi32, #tpu.memory_space<vmem>>) target_semaphore(%arg22 : memref<!tpu.dma_semaphore, #tpu.memory_space<semaphore_mem>>)
      } else {
      }
      %mul3A_324 = arith.constant 4 : i32
      %mul3A_325 = arith.muli %mul3A_324, %scan3A_257 : i32
      %add3A_326 = arith.constant 0 : i32
      %add3A_327 = arith.addi %mul3A_325, %add3A_326 : i32
      %dma_wait3A_328 = arith.constant 0 : i32
      %dma_wait3A_329 = tpu.memref_slice %arg8[%add3A_327, %dma_wait3A_328] : memref<40x64xi32, #tpu.memory_space<vmem>> -> memref<1x64xi32, #tpu.memory_space<vmem>>
      %dma_wait3A_330 = tpu.memref_squeeze %dma_wait3A_329 : memref<1x64xi32, #tpu.memory_space<vmem>> -> memref<64xi32, #tpu.memory_space<vmem>>
      %dma_wait3A_331 = arith.constant 0 : i32
      %dma_wait3A_332 = arith.constant 0 : i32
      %dma_wait3A_333 = tpu.memref_slice %arg13[%dma_wait3A_331, %dma_wait3A_332] : memref<10240x128xf32, #tpu.memory_space<vmem_shared>> -> memref<10240x128xf32, #tpu.memory_space<vmem_shared>>
      tpu.wait_indirect_dma semaphore(%arg18 : memref<!tpu.dma_semaphore, #tpu.memory_space<semaphore_mem>>) src(%arg9 : memref<64x128xf32, #tpu.memory_space<vmem>>) dst(%dma_wait3A_333 : memref<10240x128xf32, #tpu.memory_space<vmem_shared>>)
      %lt3A = arith.constant 9 : i32
      %lt3A_334 = arith.cmpi slt, %scan3A_257, %lt3A : i32
      %convert_element_type3A_335 = arith.extui %lt3A_334 : i1 to i32
      %cond3A_336 = arith.constant 0 : i32
      %cond3A_337 = arith.cmpi ne, %convert_element_type3A_335, %cond3A_336 : i32
      scf.if %cond3A_337 {
        %add3A_388 = arith.constant 4 : i32
        %add3A_389 = arith.addi %add3A_327, %add3A_388 : i32
        %dma_start3A_390 = arith.constant 0 : i32
        %dma_start3A_391 = tpu.memref_slice %arg7[%add3A_389, %dma_start3A_390] : memref<40x64xi32, #tpu.memory_space<vmem>> -> memref<1x64xi32, #tpu.memory_space<vmem>>
        %dma_start3A_392 = tpu.memref_squeeze %dma_start3A_391 : memref<1x64xi32, #tpu.memory_space<vmem>> -> memref<64xi32, #tpu.memory_space<vmem>>
        %dma_start3A_393 = arith.constant 0 : i32
        %dma_start3A_394 = arith.constant 0 : i32
        %dma_start3A_395 = tpu.memref_slice %arg2[%dma_start3A_393, %dma_start3A_394] : memref<10000x128xf32, #tpu.memory_space<hbm>> -> memref<10000x128xf32, #tpu.memory_space<hbm>>
        tpu.enqueue_indirect_dma source(%dma_start3A_395 : memref<10000x128xf32, #tpu.memory_space<hbm>>) target(%arg9 : memref<64x128xf32, #tpu.memory_space<vmem>>) offsets(%dma_start3A_392 : memref<64xi32, #tpu.memory_space<vmem>>) semaphore(%arg14 : memref<!tpu.dma_semaphore, #tpu.memory_space<semaphore_mem>>)
      } else {
      }
      %mul3A_338 = arith.constant 4 : i32
      %mul3A_339 = arith.muli %mul3A_338, %scan3A_257 : i32
      %add3A_340 = arith.constant 1 : i32
      %add3A_341 = arith.addi %mul3A_339, %add3A_340 : i32
      %dma_wait3A_342 = arith.constant 0 : i32
      %dma_wait3A_343 = tpu.memref_slice %arg8[%add3A_341, %dma_wait3A_342] : memref<40x64xi32, #tpu.memory_space<vmem>> -> memref<1x64xi32, #tpu.memory_space<vmem>>
      %dma_wait3A_344 = tpu.memref_squeeze %dma_wait3A_343 : memref<1x64xi32, #tpu.memory_space<vmem>> -> memref<64xi32, #tpu.memory_space<vmem>>
      %dma_wait3A_345 = arith.constant 0 : i32
      %dma_wait3A_346 = arith.constant 0 : i32
      %dma_wait3A_347 = tpu.memref_slice %arg13[%dma_wait3A_345, %dma_wait3A_346] : memref<10240x128xf32, #tpu.memory_space<vmem_shared>> -> memref<10240x128xf32, #tpu.memory_space<vmem_shared>>
      tpu.wait_indirect_dma semaphore(%arg19 : memref<!tpu.dma_semaphore, #tpu.memory_space<semaphore_mem>>) src(%arg10 : memref<64x128xf32, #tpu.memory_space<vmem>>) dst(%dma_wait3A_347 : memref<10240x128xf32, #tpu.memory_space<vmem_shared>>)
      %lt3A_348 = arith.constant 9 : i32
      %lt3A_349 = arith.cmpi slt, %scan3A_257, %lt3A_348 : i32
      %convert_element_type3A_350 = arith.extui %lt3A_349 : i1 to i32
      %cond3A_351 = arith.constant 0 : i32
      %cond3A_352 = arith.cmpi ne, %convert_element_type3A_350, %cond3A_351 : i32
      scf.if %cond3A_352 {
        %add3A_388 = arith.constant 4 : i32
        %add3A_389 = arith.addi %add3A_341, %add3A_388 : i32
        %dma_start3A_390 = arith.constant 0 : i32
        %dma_start3A_391 = tpu.memref_slice %arg7[%add3A_389, %dma_start3A_390] : memref<40x64xi32, #tpu.memory_space<vmem>> -> memref<1x64xi32, #tpu.memory_space<vmem>>
        %dma_start3A_392 = tpu.memref_squeeze %dma_start3A_391 : memref<1x64xi32, #tpu.memory_space<vmem>> -> memref<64xi32, #tpu.memory_space<vmem>>
        %dma_start3A_393 = arith.constant 0 : i32
        %dma_start3A_394 = arith.constant 0 : i32
        %dma_start3A_395 = tpu.memref_slice %arg2[%dma_start3A_393, %dma_start3A_394] : memref<10000x128xf32, #tpu.memory_space<hbm>> -> memref<10000x128xf32, #tpu.memory_space<hbm>>
        tpu.enqueue_indirect_dma source(%dma_start3A_395 : memref<10000x128xf32, #tpu.memory_space<hbm>>) target(%arg10 : memref<64x128xf32, #tpu.memory_space<vmem>>) offsets(%dma_start3A_392 : memref<64xi32, #tpu.memory_space<vmem>>) semaphore(%arg15 : memref<!tpu.dma_semaphore, #tpu.memory_space<semaphore_mem>>)
      } else {
      }
      %mul3A_353 = arith.constant 4 : i32
      %mul3A_354 = arith.muli %mul3A_353, %scan3A_257 : i32
      %add3A_355 = arith.constant 2 : i32
      %add3A_356 = arith.addi %mul3A_354, %add3A_355 : i32
      %dma_wait3A_357 = arith.constant 0 : i32
      %dma_wait3A_358 = tpu.memref_slice %arg8[%add3A_356, %dma_wait3A_357] : memref<40x64xi32, #tpu.memory_space<vmem>> -> memref<1x64xi32, #tpu.memory_space<vmem>>
      %dma_wait3A_359 = tpu.memref_squeeze %dma_wait3A_358 : memref<1x64xi32, #tpu.memory_space<vmem>> -> memref<64xi32, #tpu.memory_space<vmem>>
      %dma_wait3A_360 = arith.constant 0 : i32
      %dma_wait3A_361 = arith.constant 0 : i32
      %dma_wait3A_362 = tpu.memref_slice %arg13[%dma_wait3A_360, %dma_wait3A_361] : memref<10240x128xf32, #tpu.memory_space<vmem_shared>> -> memref<10240x128xf32, #tpu.memory_space<vmem_shared>>
      tpu.wait_indirect_dma semaphore(%arg20 : memref<!tpu.dma_semaphore, #tpu.memory_space<semaphore_mem>>) src(%arg11 : memref<64x128xf32, #tpu.memory_space<vmem>>) dst(%dma_wait3A_362 : memref<10240x128xf32, #tpu.memory_space<vmem_shared>>)
      %lt3A_363 = arith.constant 9 : i32
      %lt3A_364 = arith.cmpi slt, %scan3A_257, %lt3A_363 : i32
      %convert_element_type3A_365 = arith.extui %lt3A_364 : i1 to i32
      %cond3A_366 = arith.constant 0 : i32
      %cond3A_367 = arith.cmpi ne, %convert_element_type3A_365, %cond3A_366 : i32
      scf.if %cond3A_367 {
        %add3A_388 = arith.constant 4 : i32
        %add3A_389 = arith.addi %add3A_356, %add3A_388 : i32
        %dma_start3A_390 = arith.constant 0 : i32
        %dma_start3A_391 = tpu.memref_slice %arg7[%add3A_389, %dma_start3A_390] : memref<40x64xi32, #tpu.memory_space<vmem>> -> memref<1x64xi32, #tpu.memory_space<vmem>>
        %dma_start3A_392 = tpu.memref_squeeze %dma_start3A_391 : memref<1x64xi32, #tpu.memory_space<vmem>> -> memref<64xi32, #tpu.memory_space<vmem>>
        %dma_start3A_393 = arith.constant 0 : i32
        %dma_start3A_394 = arith.constant 0 : i32
        %dma_start3A_395 = tpu.memref_slice %arg2[%dma_start3A_393, %dma_start3A_394] : memref<10000x128xf32, #tpu.memory_space<hbm>> -> memref<10000x128xf32, #tpu.memory_space<hbm>>
        tpu.enqueue_indirect_dma source(%dma_start3A_395 : memref<10000x128xf32, #tpu.memory_space<hbm>>) target(%arg11 : memref<64x128xf32, #tpu.memory_space<vmem>>) offsets(%dma_start3A_392 : memref<64xi32, #tpu.memory_space<vmem>>) semaphore(%arg16 : memref<!tpu.dma_semaphore, #tpu.memory_space<semaphore_mem>>)
      } else {
      }
      %mul3A_368 = arith.constant 4 : i32
      %mul3A_369 = arith.muli %mul3A_368, %scan3A_257 : i32
      %add3A_370 = arith.constant 3 : i32
      %add3A_371 = arith.addi %mul3A_369, %add3A_370 : i32
      %dma_wait3A_372 = arith.constant 0 : i32
      %dma_wait3A_373 = tpu.memref_slice %arg8[%add3A_371, %dma_wait3A_372] : memref<40x64xi32, #tpu.memory_space<vmem>> -> memref<1x64xi32, #tpu.memory_space<vmem>>
      %dma_wait3A_374 = tpu.memref_squeeze %dma_wait3A_373 : memref<1x64xi32, #tpu.memory_space<vmem>> -> memref<64xi32, #tpu.memory_space<vmem>>
      %dma_wait3A_375 = arith.constant 0 : i32
      %dma_wait3A_376 = arith.constant 0 : i32
      %dma_wait3A_377 = tpu.memref_slice %arg13[%dma_wait3A_375, %dma_wait3A_376] : memref<10240x128xf32, #tpu.memory_space<vmem_shared>> -> memref<10240x128xf32, #tpu.memory_space<vmem_shared>>
      tpu.wait_indirect_dma semaphore(%arg21 : memref<!tpu.dma_semaphore, #tpu.memory_space<semaphore_mem>>) src(%arg12 : memref<64x128xf32, #tpu.memory_space<vmem>>) dst(%dma_wait3A_377 : memref<10240x128xf32, #tpu.memory_space<vmem_shared>>)
      %lt3A_378 = arith.constant 9 : i32
      %lt3A_379 = arith.cmpi slt, %scan3A_257, %lt3A_378 : i32
      %convert_element_type3A_380 = arith.extui %lt3A_379 : i1 to i32
      %cond3A_381 = arith.constant 0 : i32
      %cond3A_382 = arith.cmpi ne, %convert_element_type3A_380, %cond3A_381 : i32
      scf.if %cond3A_382 {
        %add3A_388 = arith.constant 4 : i32
        %add3A_389 = arith.addi %add3A_371, %add3A_388 : i32
        %dma_start3A_390 = arith.constant 0 : i32
        %dma_start3A_391 = tpu.memref_slice %arg7[%add3A_389, %dma_start3A_390] : memref<40x64xi32, #tpu.memory_space<vmem>> -> memref<1x64xi32, #tpu.memory_space<vmem>>
        %dma_start3A_392 = tpu.memref_squeeze %dma_start3A_391 : memref<1x64xi32, #tpu.memory_space<vmem>> -> memref<64xi32, #tpu.memory_space<vmem>>
        %dma_start3A_393 = arith.constant 0 : i32
        %dma_start3A_394 = arith.constant 0 : i32
        %dma_start3A_395 = tpu.memref_slice %arg2[%dma_start3A_393, %dma_start3A_394] : memref<10000x128xf32, #tpu.memory_space<hbm>> -> memref<10000x128xf32, #tpu.memory_space<hbm>>
        tpu.enqueue_indirect_dma source(%dma_start3A_395 : memref<10000x128xf32, #tpu.memory_space<hbm>>) target(%arg12 : memref<64x128xf32, #tpu.memory_space<vmem>>) offsets(%dma_start3A_392 : memref<64xi32, #tpu.memory_space<vmem>>) semaphore(%arg17 : memref<!tpu.dma_semaphore, #tpu.memory_space<semaphore_mem>>)
      } else {
      }
      %eq3A_383 = arith.constant 9 : i32
      %eq3A_384 = arith.cmpi eq, %scan3A_257, %eq3A_383 : i32
      %convert_element_type3A_385 = arith.extui %eq3A_384 : i1 to i32
      %cond3A_386 = arith.constant 0 : i32
      %cond3A_387 = arith.cmpi ne, %convert_element_type3A_385, %cond3A_386 : i32
      scf.if %cond3A_387 {
        %dma_start3A_388 = arith.constant 120 : i32
        %dma_start3A_389 = arith.constant 0 : i32
        %dma_start3A_390 = tpu.memref_slice %arg4[%add3A, %dma_start3A_388, %dma_start3A_389] : memref<32x160x64xi32, #tpu.memory_space<hbm>> -> memref<1x40x64xi32, #tpu.memory_space<hbm>>
        %dma_start3A_391 = tpu.memref_squeeze %dma_start3A_390 : memref<1x40x64xi32, #tpu.memory_space<hbm>> -> memref<40x64xi32, #tpu.memory_space<hbm>>
        %dma_start3A_392 = arith.constant 120 : i32
        %dma_start3A_393 = arith.constant 0 : i32
        %dma_start3A_394 = tpu.memref_slice %arg4[%add3A, %dma_start3A_392, %dma_start3A_393] : memref<32x160x64xi32, #tpu.memory_space<hbm>> -> memref<1x40x64xi32, #tpu.memory_space<hbm>>
        %dma_start3A_395 = tpu.memref_squeeze %dma_start3A_394 : memref<1x40x64xi32, #tpu.memory_space<hbm>> -> memref<40x64xi32, #tpu.memory_space<hbm>>
        tpu.enqueue_dma source(%dma_start3A_395 : memref<40x64xi32, #tpu.memory_space<hbm>>) target(%arg8 : memref<40x64xi32, #tpu.memory_space<vmem>>) target_semaphore(%arg23 : memref<!tpu.dma_semaphore, #tpu.memory_space<semaphore_mem>>)
      } else {
      }
    }
    %scan3A_203 = arith.constant 10 : i32
    %dma_wait3A_204 = arith.constant 120 : i32
    %dma_wait3A_205 = arith.constant 0 : i32
    %dma_wait3A_206 = tpu.memref_slice %arg3[%add3A, %dma_wait3A_204, %dma_wait3A_205] : memref<32x160x64xi32, #tpu.memory_space<hbm>> -> memref<1x40x64xi32, #tpu.memory_space<hbm>>
    %dma_wait3A_207 = tpu.memref_squeeze %dma_wait3A_206 : memref<1x40x64xi32, #tpu.memory_space<hbm>> -> memref<40x64xi32, #tpu.memory_space<hbm>>
    %dma_wait3A_208 = arith.constant 120 : i32
    %dma_wait3A_209 = arith.constant 0 : i32
    %dma_wait3A_210 = tpu.memref_slice %arg3[%add3A, %dma_wait3A_208, %dma_wait3A_209] : memref<32x160x64xi32, #tpu.memory_space<hbm>> -> memref<1x40x64xi32, #tpu.memory_space<hbm>>
    %dma_wait3A_211 = tpu.memref_squeeze %dma_wait3A_210 : memref<1x40x64xi32, #tpu.memory_space<hbm>> -> memref<40x64xi32, #tpu.memory_space<hbm>>
    tpu.wait_dma2 semaphore(%arg22 : memref<!tpu.dma_semaphore, #tpu.memory_space<semaphore_mem>>) src(%dma_wait3A_211 : memref<40x64xi32, #tpu.memory_space<hbm>>) dst(%arg7 : memref<40x64xi32, #tpu.memory_space<vmem>>)
    %dma_start3A_212 = arith.constant 0 : i32
    %dma_start3A_213 = arith.constant 0 : i32
    %dma_start3A_214 = tpu.memref_slice %arg7[%dma_start3A_212, %dma_start3A_213] : memref<40x64xi32, #tpu.memory_space<vmem>> -> memref<1x64xi32, #tpu.memory_space<vmem>>
    %dma_start3A_215 = tpu.memref_squeeze %dma_start3A_214 : memref<1x64xi32, #tpu.memory_space<vmem>> -> memref<64xi32, #tpu.memory_space<vmem>>
    %dma_start3A_216 = arith.constant 0 : i32
    %dma_start3A_217 = arith.constant 0 : i32
    %dma_start3A_218 = tpu.memref_slice %arg2[%dma_start3A_216, %dma_start3A_217] : memref<10000x128xf32, #tpu.memory_space<hbm>> -> memref<10000x128xf32, #tpu.memory_space<hbm>>
    tpu.enqueue_indirect_dma source(%dma_start3A_218 : memref<10000x128xf32, #tpu.memory_space<hbm>>) target(%arg9 : memref<64x128xf32, #tpu.memory_space<vmem>>) offsets(%dma_start3A_215 : memref<64xi32, #tpu.memory_space<vmem>>) semaphore(%arg14 : memref<!tpu.dma_semaphore, #tpu.memory_space<semaphore_mem>>)
    %dma_start3A_219 = arith.constant 1 : i32
    %dma_start3A_220 = arith.constant 0 : i32
    %dma_start3A_221 = tpu.memref_slice %arg7[%dma_start3A_219, %dma_start3A_220] : memref<40x64xi32, #tpu.memory_space<vmem>> -> memref<1x64xi32, #tpu.memory_space<vmem>>
    %dma_start3A_222 = tpu.memref_squeeze %dma_start3A_221 : memref<1x64xi32, #tpu.memory_space<vmem>> -> memref<64xi32, #tpu.memory_space<vmem>>
    %dma_start3A_223 = arith.constant 0 : i32
    %dma_start3A_224 = arith.constant 0 : i32
    %dma_start3A_225 = tpu.memref_slice %arg2[%dma_start3A_223, %dma_start3A_224] : memref<10000x128xf32, #tpu.memory_space<hbm>> -> memref<10000x128xf32, #tpu.memory_space<hbm>>
    tpu.enqueue_indirect_dma source(%dma_start3A_225 : memref<10000x128xf32, #tpu.memory_space<hbm>>) target(%arg10 : memref<64x128xf32, #tpu.memory_space<vmem>>) offsets(%dma_start3A_222 : memref<64xi32, #tpu.memory_space<vmem>>) semaphore(%arg15 : memref<!tpu.dma_semaphore, #tpu.memory_space<semaphore_mem>>)
    %dma_start3A_226 = arith.constant 2 : i32
    %dma_start3A_227 = arith.constant 0 : i32
    %dma_start3A_228 = tpu.memref_slice %arg7[%dma_start3A_226, %dma_start3A_227] : memref<40x64xi32, #tpu.memory_space<vmem>> -> memref<1x64xi32, #tpu.memory_space<vmem>>
    %dma_start3A_229 = tpu.memref_squeeze %dma_start3A_228 : memref<1x64xi32, #tpu.memory_space<vmem>> -> memref<64xi32, #tpu.memory_space<vmem>>
    %dma_start3A_230 = arith.constant 0 : i32
    %dma_start3A_231 = arith.constant 0 : i32
    %dma_start3A_232 = tpu.memref_slice %arg2[%dma_start3A_230, %dma_start3A_231] : memref<10000x128xf32, #tpu.memory_space<hbm>> -> memref<10000x128xf32, #tpu.memory_space<hbm>>
    tpu.enqueue_indirect_dma source(%dma_start3A_232 : memref<10000x128xf32, #tpu.memory_space<hbm>>) target(%arg11 : memref<64x128xf32, #tpu.memory_space<vmem>>) offsets(%dma_start3A_229 : memref<64xi32, #tpu.memory_space<vmem>>) semaphore(%arg16 : memref<!tpu.dma_semaphore, #tpu.memory_space<semaphore_mem>>)
    %dma_start3A_233 = arith.constant 3 : i32
    %dma_start3A_234 = arith.constant 0 : i32
    %dma_start3A_235 = tpu.memref_slice %arg7[%dma_start3A_233, %dma_start3A_234] : memref<40x64xi32, #tpu.memory_space<vmem>> -> memref<1x64xi32, #tpu.memory_space<vmem>>
    %dma_start3A_236 = tpu.memref_squeeze %dma_start3A_235 : memref<1x64xi32, #tpu.memory_space<vmem>> -> memref<64xi32, #tpu.memory_space<vmem>>
    %dma_start3A_237 = arith.constant 0 : i32
    %dma_start3A_238 = arith.constant 0 : i32
    %dma_start3A_239 = tpu.memref_slice %arg2[%dma_start3A_237, %dma_start3A_238] : memref<10000x128xf32, #tpu.memory_space<hbm>> -> memref<10000x128xf32, #tpu.memory_space<hbm>>
    tpu.enqueue_indirect_dma source(%dma_start3A_239 : memref<10000x128xf32, #tpu.memory_space<hbm>>) target(%arg12 : memref<64x128xf32, #tpu.memory_space<vmem>>) offsets(%dma_start3A_236 : memref<64xi32, #tpu.memory_space<vmem>>) semaphore(%arg17 : memref<!tpu.dma_semaphore, #tpu.memory_space<semaphore_mem>>)
    %dma_wait3A_240 = arith.constant 120 : i32
    %dma_wait3A_241 = arith.constant 0 : i32
    %dma_wait3A_242 = tpu.memref_slice %arg4[%add3A, %dma_wait3A_240, %dma_wait3A_241] : memref<32x160x64xi32, #tpu.memory_space<hbm>> -> memref<1x40x64xi32, #tpu.memory_space<hbm>>
    %dma_wait3A_243 = tpu.memref_squeeze %dma_wait3A_242 : memref<1x40x64xi32, #tpu.memory_space<hbm>> -> memref<40x64xi32, #tpu.memory_space<hbm>>
    %dma_wait3A_244 = arith.constant 120 : i32
    %dma_wait3A_245 = arith.constant 0 : i32
    %dma_wait3A_246 = tpu.memref_slice %arg4[%add3A, %dma_wait3A_244, %dma_wait3A_245] : memref<32x160x64xi32, #tpu.memory_space<hbm>> -> memref<1x40x64xi32, #tpu.memory_space<hbm>>
    %dma_wait3A_247 = tpu.memref_squeeze %dma_wait3A_246 : memref<1x40x64xi32, #tpu.memory_space<hbm>> -> memref<40x64xi32, #tpu.memory_space<hbm>>
    tpu.wait_dma2 semaphore(%arg23 : memref<!tpu.dma_semaphore, #tpu.memory_space<semaphore_mem>>) src(%dma_wait3A_247 : memref<40x64xi32, #tpu.memory_space<hbm>>) dst(%arg8 : memref<40x64xi32, #tpu.memory_space<vmem>>)
    %scan3A_248 = arith.constant 0 : i32
    %scan3A_249 = arith.constant 0 : i32
    %scan3A_250 = arith.constant 10 : i32
    %scan3A_251 = arith.addi %scan3A_249, %scan3A_250 : i32
    %scan3A_252 = arith.constant 1 : i32
    scf.for %scan3A_257 = %scan3A_249 to %scan3A_251 step %scan3A_252  : i32 {
      %mul3A_258 = arith.constant 4 : i32
      %mul3A_259 = arith.muli %mul3A_258, %scan3A_257 : i32
      %add3A_260 = arith.constant 0 : i32
      %add3A_261 = arith.addi %mul3A_259, %add3A_260 : i32
      %dma_wait3A_262 = arith.constant 0 : i32
      %dma_wait3A_263 = tpu.memref_slice %arg7[%add3A_261, %dma_wait3A_262] : memref<40x64xi32, #tpu.memory_space<vmem>> -> memref<1x64xi32, #tpu.memory_space<vmem>>
      %dma_wait3A_264 = tpu.memref_squeeze %dma_wait3A_263 : memref<1x64xi32, #tpu.memory_space<vmem>> -> memref<64xi32, #tpu.memory_space<vmem>>
      %dma_wait3A_265 = arith.constant 0 : i32
      %dma_wait3A_266 = arith.constant 0 : i32
      %dma_wait3A_267 = tpu.memref_slice %arg2[%dma_wait3A_265, %dma_wait3A_266] : memref<10000x128xf32, #tpu.memory_space<hbm>> -> memref<10000x128xf32, #tpu.memory_space<hbm>>
      tpu.wait_indirect_dma semaphore(%arg14 : memref<!tpu.dma_semaphore, #tpu.memory_space<semaphore_mem>>) src(%dma_wait3A_267 : memref<10000x128xf32, #tpu.memory_space<hbm>>) dst(%arg9 : memref<64x128xf32, #tpu.memory_space<vmem>>)
      %dma_start3A_268 = arith.constant 0 : i32
      %dma_start3A_269 = tpu.memref_slice %arg8[%add3A_261, %dma_start3A_268] : memref<40x64xi32, #tpu.memory_space<vmem>> -> memref<1x64xi32, #tpu.memory_space<vmem>>
      %dma_start3A_270 = tpu.memref_squeeze %dma_start3A_269 : memref<1x64xi32, #tpu.memory_space<vmem>> -> memref<64xi32, #tpu.memory_space<vmem>>
      %dma_start3A_271 = arith.constant 0 : i32
      %dma_start3A_272 = arith.constant 0 : i32
      %dma_start3A_273 = tpu.memref_slice %arg13[%dma_start3A_271, %dma_start3A_272] : memref<10240x128xf32, #tpu.memory_space<vmem_shared>> -> memref<10240x128xf32, #tpu.memory_space<vmem_shared>>
      tpu.enqueue_indirect_dma source(%arg9 : memref<64x128xf32, #tpu.memory_space<vmem>>) target(%dma_start3A_273 : memref<10240x128xf32, #tpu.memory_space<vmem_shared>>) offsets(%dma_start3A_270 : memref<64xi32, #tpu.memory_space<vmem>>) semaphore(%arg18 : memref<!tpu.dma_semaphore, #tpu.memory_space<semaphore_mem>>) {add = true}
      %mul3A_274 = arith.constant 4 : i32
      %mul3A_275 = arith.muli %mul3A_274, %scan3A_257 : i32
      %add3A_276 = arith.constant 1 : i32
      %add3A_277 = arith.addi %mul3A_275, %add3A_276 : i32
      %dma_wait3A_278 = arith.constant 0 : i32
      %dma_wait3A_279 = tpu.memref_slice %arg7[%add3A_277, %dma_wait3A_278] : memref<40x64xi32, #tpu.memory_space<vmem>> -> memref<1x64xi32, #tpu.memory_space<vmem>>
      %dma_wait3A_280 = tpu.memref_squeeze %dma_wait3A_279 : memref<1x64xi32, #tpu.memory_space<vmem>> -> memref<64xi32, #tpu.memory_space<vmem>>
      %dma_wait3A_281 = arith.constant 0 : i32
      %dma_wait3A_282 = arith.constant 0 : i32
      %dma_wait3A_283 = tpu.memref_slice %arg2[%dma_wait3A_281, %dma_wait3A_282] : memref<10000x128xf32, #tpu.memory_space<hbm>> -> memref<10000x128xf32, #tpu.memory_space<hbm>>
      tpu.wait_indirect_dma semaphore(%arg15 : memref<!tpu.dma_semaphore, #tpu.memory_space<semaphore_mem>>) src(%dma_wait3A_283 : memref<10000x128xf32, #tpu.memory_space<hbm>>) dst(%arg10 : memref<64x128xf32, #tpu.memory_space<vmem>>)
      %dma_start3A_284 = arith.constant 0 : i32
      %dma_start3A_285 = tpu.memref_slice %arg8[%add3A_277, %dma_start3A_284] : memref<40x64xi32, #tpu.memory_space<vmem>> -> memref<1x64xi32, #tpu.memory_space<vmem>>
      %dma_start3A_286 = tpu.memref_squeeze %dma_start3A_285 : memref<1x64xi32, #tpu.memory_space<vmem>> -> memref<64xi32, #tpu.memory_space<vmem>>
      %dma_start3A_287 = arith.constant 0 : i32
      %dma_start3A_288 = arith.constant 0 : i32
      %dma_start3A_289 = tpu.memref_slice %arg13[%dma_start3A_287, %dma_start3A_288] : memref<10240x128xf32, #tpu.memory_space<vmem_shared>> -> memref<10240x128xf32, #tpu.memory_space<vmem_shared>>
      tpu.enqueue_indirect_dma source(%arg10 : memref<64x128xf32, #tpu.memory_space<vmem>>) target(%dma_start3A_289 : memref<10240x128xf32, #tpu.memory_space<vmem_shared>>) offsets(%dma_start3A_286 : memref<64xi32, #tpu.memory_space<vmem>>) semaphore(%arg19 : memref<!tpu.dma_semaphore, #tpu.memory_space<semaphore_mem>>) {add = true}
      %mul3A_290 = arith.constant 4 : i32
      %mul3A_291 = arith.muli %mul3A_290, %scan3A_257 : i32
      %add3A_292 = arith.constant 2 : i32
      %add3A_293 = arith.addi %mul3A_291, %add3A_292 : i32
      %dma_wait3A_294 = arith.constant 0 : i32
      %dma_wait3A_295 = tpu.memref_slice %arg7[%add3A_293, %dma_wait3A_294] : memref<40x64xi32, #tpu.memory_space<vmem>> -> memref<1x64xi32, #tpu.memory_space<vmem>>
      %dma_wait3A_296 = tpu.memref_squeeze %dma_wait3A_295 : memref<1x64xi32, #tpu.memory_space<vmem>> -> memref<64xi32, #tpu.memory_space<vmem>>
      %dma_wait3A_297 = arith.constant 0 : i32
      %dma_wait3A_298 = arith.constant 0 : i32
      %dma_wait3A_299 = tpu.memref_slice %arg2[%dma_wait3A_297, %dma_wait3A_298] : memref<10000x128xf32, #tpu.memory_space<hbm>> -> memref<10000x128xf32, #tpu.memory_space<hbm>>
      tpu.wait_indirect_dma semaphore(%arg16 : memref<!tpu.dma_semaphore, #tpu.memory_space<semaphore_mem>>) src(%dma_wait3A_299 : memref<10000x128xf32, #tpu.memory_space<hbm>>) dst(%arg11 : memref<64x128xf32, #tpu.memory_space<vmem>>)
      %dma_start3A_300 = arith.constant 0 : i32
      %dma_start3A_301 = tpu.memref_slice %arg8[%add3A_293, %dma_start3A_300] : memref<40x64xi32, #tpu.memory_space<vmem>> -> memref<1x64xi32, #tpu.memory_space<vmem>>
      %dma_start3A_302 = tpu.memref_squeeze %dma_start3A_301 : memref<1x64xi32, #tpu.memory_space<vmem>> -> memref<64xi32, #tpu.memory_space<vmem>>
      %dma_start3A_303 = arith.constant 0 : i32
      %dma_start3A_304 = arith.constant 0 : i32
      %dma_start3A_305 = tpu.memref_slice %arg13[%dma_start3A_303, %dma_start3A_304] : memref<10240x128xf32, #tpu.memory_space<vmem_shared>> -> memref<10240x128xf32, #tpu.memory_space<vmem_shared>>
      tpu.enqueue_indirect_dma source(%arg11 : memref<64x128xf32, #tpu.memory_space<vmem>>) target(%dma_start3A_305 : memref<10240x128xf32, #tpu.memory_space<vmem_shared>>) offsets(%dma_start3A_302 : memref<64xi32, #tpu.memory_space<vmem>>) semaphore(%arg20 : memref<!tpu.dma_semaphore, #tpu.memory_space<semaphore_mem>>) {add = true}
      %mul3A_306 = arith.constant 4 : i32
      %mul3A_307 = arith.muli %mul3A_306, %scan3A_257 : i32
      %add3A_308 = arith.constant 3 : i32
      %add3A_309 = arith.addi %mul3A_307, %add3A_308 : i32
      %dma_wait3A_310 = arith.constant 0 : i32
      %dma_wait3A_311 = tpu.memref_slice %arg7[%add3A_309, %dma_wait3A_310] : memref<40x64xi32, #tpu.memory_space<vmem>> -> memref<1x64xi32, #tpu.memory_space<vmem>>
      %dma_wait3A_312 = tpu.memref_squeeze %dma_wait3A_311 : memref<1x64xi32, #tpu.memory_space<vmem>> -> memref<64xi32, #tpu.memory_space<vmem>>
      %dma_wait3A_313 = arith.constant 0 : i32
      %dma_wait3A_314 = arith.constant 0 : i32
      %dma_wait3A_315 = tpu.memref_slice %arg2[%dma_wait3A_313, %dma_wait3A_314] : memref<10000x128xf32, #tpu.memory_space<hbm>> -> memref<10000x128xf32, #tpu.memory_space<hbm>>
      tpu.wait_indirect_dma semaphore(%arg17 : memref<!tpu.dma_semaphore, #tpu.memory_space<semaphore_mem>>) src(%dma_wait3A_315 : memref<10000x128xf32, #tpu.memory_space<hbm>>) dst(%arg12 : memref<64x128xf32, #tpu.memory_space<vmem>>)
      %dma_start3A_316 = arith.constant 0 : i32
      %dma_start3A_317 = tpu.memref_slice %arg8[%add3A_309, %dma_start3A_316] : memref<40x64xi32, #tpu.memory_space<vmem>> -> memref<1x64xi32, #tpu.memory_space<vmem>>
      %dma_start3A_318 = tpu.memref_squeeze %dma_start3A_317 : memref<1x64xi32, #tpu.memory_space<vmem>> -> memref<64xi32, #tpu.memory_space<vmem>>
      %dma_start3A_319 = arith.constant 0 : i32
      %dma_start3A_320 = arith.constant 0 : i32
      %dma_start3A_321 = tpu.memref_slice %arg13[%dma_start3A_319, %dma_start3A_320] : memref<10240x128xf32, #tpu.memory_space<vmem_shared>> -> memref<10240x128xf32, #tpu.memory_space<vmem_shared>>
      tpu.enqueue_indirect_dma source(%arg12 : memref<64x128xf32, #tpu.memory_space<vmem>>) target(%dma_start3A_321 : memref<10240x128xf32, #tpu.memory_space<vmem_shared>>) offsets(%dma_start3A_318 : memref<64xi32, #tpu.memory_space<vmem>>) semaphore(%arg21 : memref<!tpu.dma_semaphore, #tpu.memory_space<semaphore_mem>>) {add = true}
      %mul3A_322 = arith.constant 4 : i32
      %mul3A_323 = arith.muli %mul3A_322, %scan3A_257 : i32
      %add3A_324 = arith.constant 0 : i32
      %add3A_325 = arith.addi %mul3A_323, %add3A_324 : i32
      %dma_wait3A_326 = arith.constant 0 : i32
      %dma_wait3A_327 = tpu.memref_slice %arg8[%add3A_325, %dma_wait3A_326] : memref<40x64xi32, #tpu.memory_space<vmem>> -> memref<1x64xi32, #tpu.memory_space<vmem>>
      %dma_wait3A_328 = tpu.memref_squeeze %dma_wait3A_327 : memref<1x64xi32, #tpu.memory_space<vmem>> -> memref<64xi32, #tpu.memory_space<vmem>>
      %dma_wait3A_329 = arith.constant 0 : i32
      %dma_wait3A_330 = arith.constant 0 : i32
      %dma_wait3A_331 = tpu.memref_slice %arg13[%dma_wait3A_329, %dma_wait3A_330] : memref<10240x128xf32, #tpu.memory_space<vmem_shared>> -> memref<10240x128xf32, #tpu.memory_space<vmem_shared>>
      tpu.wait_indirect_dma semaphore(%arg18 : memref<!tpu.dma_semaphore, #tpu.memory_space<semaphore_mem>>) src(%arg9 : memref<64x128xf32, #tpu.memory_space<vmem>>) dst(%dma_wait3A_331 : memref<10240x128xf32, #tpu.memory_space<vmem_shared>>)
      %lt3A = arith.constant 9 : i32
      %lt3A_332 = arith.cmpi slt, %scan3A_257, %lt3A : i32
      %convert_element_type3A = arith.extui %lt3A_332 : i1 to i32
      %cond3A = arith.constant 0 : i32
      %cond3A_333 = arith.cmpi ne, %convert_element_type3A, %cond3A : i32
      scf.if %cond3A_333 {
        %add3A_379 = arith.constant 4 : i32
        %add3A_380 = arith.addi %add3A_325, %add3A_379 : i32
        %dma_start3A_381 = arith.constant 0 : i32
        %dma_start3A_382 = tpu.memref_slice %arg7[%add3A_380, %dma_start3A_381] : memref<40x64xi32, #tpu.memory_space<vmem>> -> memref<1x64xi32, #tpu.memory_space<vmem>>
        %dma_start3A_383 = tpu.memref_squeeze %dma_start3A_382 : memref<1x64xi32, #tpu.memory_space<vmem>> -> memref<64xi32, #tpu.memory_space<vmem>>
        %dma_start3A_384 = arith.constant 0 : i32
        %dma_start3A_385 = arith.constant 0 : i32
        %dma_start3A_386 = tpu.memref_slice %arg2[%dma_start3A_384, %dma_start3A_385] : memref<10000x128xf32, #tpu.memory_space<hbm>> -> memref<10000x128xf32, #tpu.memory_space<hbm>>
        tpu.enqueue_indirect_dma source(%dma_start3A_386 : memref<10000x128xf32, #tpu.memory_space<hbm>>) target(%arg9 : memref<64x128xf32, #tpu.memory_space<vmem>>) offsets(%dma_start3A_383 : memref<64xi32, #tpu.memory_space<vmem>>) semaphore(%arg14 : memref<!tpu.dma_semaphore, #tpu.memory_space<semaphore_mem>>)
      } else {
      }
      %mul3A_334 = arith.constant 4 : i32
      %mul3A_335 = arith.muli %mul3A_334, %scan3A_257 : i32
      %add3A_336 = arith.constant 1 : i32
      %add3A_337 = arith.addi %mul3A_335, %add3A_336 : i32
      %dma_wait3A_338 = arith.constant 0 : i32
      %dma_wait3A_339 = tpu.memref_slice %arg8[%add3A_337, %dma_wait3A_338] : memref<40x64xi32, #tpu.memory_space<vmem>> -> memref<1x64xi32, #tpu.memory_space<vmem>>
      %dma_wait3A_340 = tpu.memref_squeeze %dma_wait3A_339 : memref<1x64xi32, #tpu.memory_space<vmem>> -> memref<64xi32, #tpu.memory_space<vmem>>
      %dma_wait3A_341 = arith.constant 0 : i32
      %dma_wait3A_342 = arith.constant 0 : i32
      %dma_wait3A_343 = tpu.memref_slice %arg13[%dma_wait3A_341, %dma_wait3A_342] : memref<10240x128xf32, #tpu.memory_space<vmem_shared>> -> memref<10240x128xf32, #tpu.memory_space<vmem_shared>>
      tpu.wait_indirect_dma semaphore(%arg19 : memref<!tpu.dma_semaphore, #tpu.memory_space<semaphore_mem>>) src(%arg10 : memref<64x128xf32, #tpu.memory_space<vmem>>) dst(%dma_wait3A_343 : memref<10240x128xf32, #tpu.memory_space<vmem_shared>>)
      %lt3A_344 = arith.constant 9 : i32
      %lt3A_345 = arith.cmpi slt, %scan3A_257, %lt3A_344 : i32
      %convert_element_type3A_346 = arith.extui %lt3A_345 : i1 to i32
      %cond3A_347 = arith.constant 0 : i32
      %cond3A_348 = arith.cmpi ne, %convert_element_type3A_346, %cond3A_347 : i32
      scf.if %cond3A_348 {
        %add3A_379 = arith.constant 4 : i32
        %add3A_380 = arith.addi %add3A_337, %add3A_379 : i32
        %dma_start3A_381 = arith.constant 0 : i32
        %dma_start3A_382 = tpu.memref_slice %arg7[%add3A_380, %dma_start3A_381] : memref<40x64xi32, #tpu.memory_space<vmem>> -> memref<1x64xi32, #tpu.memory_space<vmem>>
        %dma_start3A_383 = tpu.memref_squeeze %dma_start3A_382 : memref<1x64xi32, #tpu.memory_space<vmem>> -> memref<64xi32, #tpu.memory_space<vmem>>
        %dma_start3A_384 = arith.constant 0 : i32
        %dma_start3A_385 = arith.constant 0 : i32
        %dma_start3A_386 = tpu.memref_slice %arg2[%dma_start3A_384, %dma_start3A_385] : memref<10000x128xf32, #tpu.memory_space<hbm>> -> memref<10000x128xf32, #tpu.memory_space<hbm>>
        tpu.enqueue_indirect_dma source(%dma_start3A_386 : memref<10000x128xf32, #tpu.memory_space<hbm>>) target(%arg10 : memref<64x128xf32, #tpu.memory_space<vmem>>) offsets(%dma_start3A_383 : memref<64xi32, #tpu.memory_space<vmem>>) semaphore(%arg15 : memref<!tpu.dma_semaphore, #tpu.memory_space<semaphore_mem>>)
      } else {
      }
      %mul3A_349 = arith.constant 4 : i32
      %mul3A_350 = arith.muli %mul3A_349, %scan3A_257 : i32
      %add3A_351 = arith.constant 2 : i32
      %add3A_352 = arith.addi %mul3A_350, %add3A_351 : i32
      %dma_wait3A_353 = arith.constant 0 : i32
      %dma_wait3A_354 = tpu.memref_slice %arg8[%add3A_352, %dma_wait3A_353] : memref<40x64xi32, #tpu.memory_space<vmem>> -> memref<1x64xi32, #tpu.memory_space<vmem>>
      %dma_wait3A_355 = tpu.memref_squeeze %dma_wait3A_354 : memref<1x64xi32, #tpu.memory_space<vmem>> -> memref<64xi32, #tpu.memory_space<vmem>>
      %dma_wait3A_356 = arith.constant 0 : i32
      %dma_wait3A_357 = arith.constant 0 : i32
      %dma_wait3A_358 = tpu.memref_slice %arg13[%dma_wait3A_356, %dma_wait3A_357] : memref<10240x128xf32, #tpu.memory_space<vmem_shared>> -> memref<10240x128xf32, #tpu.memory_space<vmem_shared>>
      tpu.wait_indirect_dma semaphore(%arg20 : memref<!tpu.dma_semaphore, #tpu.memory_space<semaphore_mem>>) src(%arg11 : memref<64x128xf32, #tpu.memory_space<vmem>>) dst(%dma_wait3A_358 : memref<10240x128xf32, #tpu.memory_space<vmem_shared>>)
      %lt3A_359 = arith.constant 9 : i32
      %lt3A_360 = arith.cmpi slt, %scan3A_257, %lt3A_359 : i32
      %convert_element_type3A_361 = arith.extui %lt3A_360 : i1 to i32
      %cond3A_362 = arith.constant 0 : i32
      %cond3A_363 = arith.cmpi ne, %convert_element_type3A_361, %cond3A_362 : i32
      scf.if %cond3A_363 {
        %add3A_379 = arith.constant 4 : i32
        %add3A_380 = arith.addi %add3A_352, %add3A_379 : i32
        %dma_start3A_381 = arith.constant 0 : i32
        %dma_start3A_382 = tpu.memref_slice %arg7[%add3A_380, %dma_start3A_381] : memref<40x64xi32, #tpu.memory_space<vmem>> -> memref<1x64xi32, #tpu.memory_space<vmem>>
        %dma_start3A_383 = tpu.memref_squeeze %dma_start3A_382 : memref<1x64xi32, #tpu.memory_space<vmem>> -> memref<64xi32, #tpu.memory_space<vmem>>
        %dma_start3A_384 = arith.constant 0 : i32
        %dma_start3A_385 = arith.constant 0 : i32
        %dma_start3A_386 = tpu.memref_slice %arg2[%dma_start3A_384, %dma_start3A_385] : memref<10000x128xf32, #tpu.memory_space<hbm>> -> memref<10000x128xf32, #tpu.memory_space<hbm>>
        tpu.enqueue_indirect_dma source(%dma_start3A_386 : memref<10000x128xf32, #tpu.memory_space<hbm>>) target(%arg11 : memref<64x128xf32, #tpu.memory_space<vmem>>) offsets(%dma_start3A_383 : memref<64xi32, #tpu.memory_space<vmem>>) semaphore(%arg16 : memref<!tpu.dma_semaphore, #tpu.memory_space<semaphore_mem>>)
      } else {
      }
      %mul3A_364 = arith.constant 4 : i32
      %mul3A_365 = arith.muli %mul3A_364, %scan3A_257 : i32
      %add3A_366 = arith.constant 3 : i32
      %add3A_367 = arith.addi %mul3A_365, %add3A_366 : i32
      %dma_wait3A_368 = arith.constant 0 : i32
      %dma_wait3A_369 = tpu.memref_slice %arg8[%add3A_367, %dma_wait3A_368] : memref<40x64xi32, #tpu.memory_space<vmem>> -> memref<1x64xi32, #tpu.memory_space<vmem>>
      %dma_wait3A_370 = tpu.memref_squeeze %dma_wait3A_369 : memref<1x64xi32, #tpu.memory_space<vmem>> -> memref<64xi32, #tpu.memory_space<vmem>>
      %dma_wait3A_371 = arith.constant 0 : i32
      %dma_wait3A_372 = arith.constant 0 : i32
      %dma_wait3A_373 = tpu.memref_slice %arg13[%dma_wait3A_371, %dma_wait3A_372] : memref<10240x128xf32, #tpu.memory_space<vmem_shared>> -> memref<10240x128xf32, #tpu.memory_space<vmem_shared>>
      tpu.wait_indirect_dma semaphore(%arg21 : memref<!tpu.dma_semaphore, #tpu.memory_space<semaphore_mem>>) src(%arg12 : memref<64x128xf32, #tpu.memory_space<vmem>>) dst(%dma_wait3A_373 : memref<10240x128xf32, #tpu.memory_space<vmem_shared>>)
      %lt3A_374 = arith.constant 9 : i32
      %lt3A_375 = arith.cmpi slt, %scan3A_257, %lt3A_374 : i32
      %convert_element_type3A_376 = arith.extui %lt3A_375 : i1 to i32
      %cond3A_377 = arith.constant 0 : i32
      %cond3A_378 = arith.cmpi ne, %convert_element_type3A_376, %cond3A_377 : i32
      scf.if %cond3A_378 {
        %add3A_379 = arith.constant 4 : i32
        %add3A_380 = arith.addi %add3A_367, %add3A_379 : i32
        %dma_start3A_381 = arith.constant 0 : i32
        %dma_start3A_382 = tpu.memref_slice %arg7[%add3A_380, %dma_start3A_381] : memref<40x64xi32, #tpu.memory_space<vmem>> -> memref<1x64xi32, #tpu.memory_space<vmem>>
        %dma_start3A_383 = tpu.memref_squeeze %dma_start3A_382 : memref<1x64xi32, #tpu.memory_space<vmem>> -> memref<64xi32, #tpu.memory_space<vmem>>
        %dma_start3A_384 = arith.constant 0 : i32
        %dma_start3A_385 = arith.constant 0 : i32
        %dma_start3A_386 = tpu.memref_slice %arg2[%dma_start3A_384, %dma_start3A_385] : memref<10000x128xf32, #tpu.memory_space<hbm>> -> memref<10000x128xf32, #tpu.memory_space<hbm>>
        tpu.enqueue_indirect_dma source(%dma_start3A_386 : memref<10000x128xf32, #tpu.memory_space<hbm>>) target(%arg12 : memref<64x128xf32, #tpu.memory_space<vmem>>) offsets(%dma_start3A_383 : memref<64xi32, #tpu.memory_space<vmem>>) semaphore(%arg17 : memref<!tpu.dma_semaphore, #tpu.memory_space<semaphore_mem>>)
      } else {
      }
    }
    %scan3A_253 = arith.constant 10 : i32
    %barrier3A_254 = arith.constant 0 : index
    tpu.barrier barrier_id(%barrier3A_254)
    %mul3A_255 = arith.constant 640 : i32
    %mul3A_256 = arith.muli %arg1, %mul3A_255 : i32
    "tpu.region"() ({
      %run_scoped3A = tpu.sem_alloc : memref<!tpu.dma_semaphore, #tpu.memory_space<semaphore_mem>>
      %dma_start3A_257 = arith.constant 0 : i32
      %dma_start3A_258 = tpu.memref_slice %arg6[%arg0, %mul3A_256, %dma_start3A_257] : memref<2x10240x128xf32, #tpu.memory_space<hbm>> -> memref<1x640x128xf32, #tpu.memory_space<hbm>>
      %dma_start3A_259 = tpu.memref_squeeze %dma_start3A_258 : memref<1x640x128xf32, #tpu.memory_space<hbm>> -> memref<640x128xf32, #tpu.memory_space<hbm>>
      %dma_start3A_260 = arith.constant 0 : i32
      %dma_start3A_261 = tpu.memref_slice %arg13[%mul3A_256, %dma_start3A_260] : memref<10240x128xf32, #tpu.memory_space<vmem_shared>> -> memref<640x128xf32, #tpu.memory_space<vmem_shared>>
      tpu.enqueue_dma source(%dma_start3A_261 : memref<640x128xf32, #tpu.memory_space<vmem_shared>>) target(%dma_start3A_259 : memref<640x128xf32, #tpu.memory_space<hbm>>) target_semaphore(%run_scoped3A : memref<!tpu.dma_semaphore, #tpu.memory_space<semaphore_mem>>)
      %dma_wait3A_262 = arith.constant 0 : i32
      %dma_wait3A_263 = tpu.memref_slice %arg6[%arg0, %mul3A_256, %dma_wait3A_262] : memref<2x10240x128xf32, #tpu.memory_space<hbm>> -> memref<1x640x128xf32, #tpu.memory_space<hbm>>
      %dma_wait3A_264 = tpu.memref_squeeze %dma_wait3A_263 : memref<1x640x128xf32, #tpu.memory_space<hbm>> -> memref<640x128xf32, #tpu.memory_space<hbm>>
      %dma_wait3A_265 = arith.constant 0 : i32
      %dma_wait3A_266 = tpu.memref_slice %arg13[%mul3A_256, %dma_wait3A_265] : memref<10240x128xf32, #tpu.memory_space<vmem_shared>> -> memref<640x128xf32, #tpu.memory_space<vmem_shared>>
      tpu.wait_dma2 semaphore(%run_scoped3A : memref<!tpu.dma_semaphore, #tpu.memory_space<semaphore_mem>>) src(%dma_wait3A_266 : memref<640x128xf32, #tpu.memory_space<vmem_shared>>) dst(%dma_wait3A_264 : memref<640x128xf32, #tpu.memory_space<hbm>>)
      tpu.yield
    }) : () -> ()
    return
  }
}

module attributes {stable_mosaic.version = 14 : i64} {
  func.func @_lin_body(%arg0: i32, %arg1: memref<1000x128xf32, #tpu.memory_space<vmem>>, %arg2: memref<128x128xf32, #tpu.memory_space<vmem>>, %arg3: memref<128xf32, #tpu.memory_space<vmem>>, %arg4: memref<1000x128xf32, #tpu.memory_space<vmem>>) attributes {dimension_semantics = [#tpu.dimension_semantics<arbitrary>], iteration_bounds = array<i64: 10>, scalar_prefetch = 0 : i64, scratch_operands = 0 : i64, tpu.core_type = #tpu.core_type<tc>, window_params = [{transform_indices = @transform_0, window_bounds = array<i64: 1000, 128>}, {pipeline_mode = #tpu.pipeline_mode<synchronous>, transform_indices = @transform_1, window_bounds = array<i64: 128, 128>}, {pipeline_mode = #tpu.pipeline_mode<synchronous>, transform_indices = @transform_2, window_bounds = array<i64: 128>}, {transform_indices = @transform_3, window_bounds = array<i64: 1000, 128>}]} {
    %get3A = arith.constant 0 : index
    %get3A_0 = arith.constant 0 : index
    %get3A_1 = vector.load %arg1[%get3A, %get3A_0] : memref<1000x128xf32, #tpu.memory_space<vmem>>, vector<1000x128xf32>
    %get3A_2 = arith.constant 0 : index
    %get3A_3 = arith.constant 0 : index
    %get3A_4 = vector.load %arg2[%get3A_2, %get3A_3] : memref<128x128xf32, #tpu.memory_space<vmem>>, vector<128x128xf32>
    %dot_general3A = arith.constant dense<0.000000e+00> : vector<1000x128xf32>
    %dot_general3A_5 = tpu.matmul %get3A_1, %get3A_4, %dot_general3A {dimension_numbers = #tpu.dot_dimension_numbers<[1], [1], [0], [0], [0, 0, 1, 0], [], []>, transpose_lhs_hint = false} : vector<1000x128xf32>, vector<128x128xf32>, vector<1000x128xf32> -> vector<1000x128xf32>
    %get3A_6 = arith.constant 0 : index
    %get3A_7 = vector.load %arg3[%get3A_6] : memref<128xf32, #tpu.memory_space<vmem>>, vector<128xf32>
    %broadcast_in_dim3A = vector.shape_cast %get3A_7 : vector<128xf32> to vector<1x128xf32>
    %add3A = vector.broadcast %broadcast_in_dim3A : vector<1x128xf32> to vector<1000x128xf32>
    %add3A_8 = arith.addf %dot_general3A_5, %add3A : vector<1000x128xf32>
    %swap3A = arith.constant 0 : index
    %swap3A_9 = arith.constant 0 : index
    %swap3A_10 = vector.load %arg4[%swap3A, %swap3A_9] : memref<1000x128xf32, #tpu.memory_space<vmem>>, vector<1000x128xf32>
    tpu.vector_store %arg4[%swap3A, %swap3A_9], %add3A_8 {strides = array<i32>} : memref<1000x128xf32, #tpu.memory_space<vmem>>, vector<1000x128xf32>,
    return
  }
  func.func @transform_0(%arg0: i32) -> (i32, i32) {
    %c0_i32 = arith.constant 0 : i32
    %c0_i32_0 = arith.constant 0 : i32
    return %arg0, %c0_i32 : i32, i32
  }
  func.func @transform_1(%arg0: i32) -> (i32, i32) {
    %c0_i32 = arith.constant 0 : i32
    %c0_i32_0 = arith.constant 0 : i32
    %c0_i32_1 = arith.constant 0 : i32
    return %c0_i32, %c0_i32_0 : i32, i32
  }
  func.func @transform_2(%arg0: i32) -> i32 {
    %c0_i32 = arith.constant 0 : i32
    %c0_i32_0 = arith.constant 0 : i32
    return %c0_i32 : i32
  }
  func.func @transform_3(%arg0: i32) -> (i32, i32) {
    %c0_i32 = arith.constant 0 : i32
    %c0_i32_0 = arith.constant 0 : i32
    return %arg0, %c0_i32 : i32, i32
  }
}

module attributes {stable_mosaic.version = 14 : i64} {
  func.func @_comb_body(%arg0: i32, %arg1: i32, %arg2: memref<2x1000x128xf32, #tpu.memory_space<vmem>>, %arg3: memref<1000x128xf32, #tpu.memory_space<vmem>>, %arg4: memref<128x128xf32, #tpu.memory_space<vmem>>, %arg5: memref<128xf32, #tpu.memory_space<vmem>>, %arg6: memref<128xf32, #tpu.memory_space<vmem>>, %arg7: memref<128xf32, #tpu.memory_space<vmem>>, %arg8: memref<1000x128xf32, #tpu.memory_space<vmem>>, %arg9: memref<10000x128xf32, #tpu.memory_space<vmem>>, %arg10: memref<10x128xf32, #tpu.memory_space<vmem>>, %arg11: memref<10x128xf32, #tpu.memory_space<vmem>>) attributes {dimension_semantics = [#tpu.dimension_semantics<arbitrary>, #tpu.dimension_semantics<arbitrary>], iteration_bounds = array<i64: 2, 10>, scalar_prefetch = 0 : i64, scratch_operands = 3 : i64, tpu.core_type = #tpu.core_type<tc>, window_params = [{transform_indices = @transform_0, window_bounds = array<i64: 2, 1000, 128>}, {transform_indices = @transform_1, window_bounds = array<i64: 1000, 128>}, {pipeline_mode = #tpu.pipeline_mode<synchronous>, transform_indices = @transform_2, window_bounds = array<i64: 128, 128>}, {pipeline_mode = #tpu.pipeline_mode<synchronous>, transform_indices = @transform_3, window_bounds = array<i64: 128>}, {pipeline_mode = #tpu.pipeline_mode<synchronous>, transform_indices = @transform_4, window_bounds = array<i64: 128>}, {pipeline_mode = #tpu.pipeline_mode<synchronous>, transform_indices = @transform_5, window_bounds = array<i64: 128>}, {transform_indices = @transform_6, window_bounds = array<i64: 1000, 128>}]} {
    %eq3A = arith.constant 0 : i32
    %eq3A_0 = arith.cmpi eq, %arg0, %eq3A : i32
    %convert_element_type3A = arith.extui %eq3A_0 : i1 to i32
    %cond3A = arith.constant 0 : i32
    %cond3A_1 = arith.cmpi ne, %convert_element_type3A, %cond3A : i32
    scf.if %cond3A_1 {
      %get3A = arith.constant 0 : index
      %get3A_7 = arith.constant 0 : index
      %get3A_8 = arith.constant 0 : index
      %get3A_9 = vector.load %arg2[%get3A, %get3A_7, %get3A_8] : memref<2x1000x128xf32, #tpu.memory_space<vmem>>, vector<1x1000x128xf32>
      %get3A_10 = vector.shape_cast %get3A_9 : vector<1x1000x128xf32> to vector<1000x128xf32>
      %get3A_11 = arith.constant 1 : index
      %get3A_12 = arith.constant 0 : index
      %get3A_13 = arith.constant 0 : index
      %get3A_14 = vector.load %arg2[%get3A_11, %get3A_12, %get3A_13] : memref<2x1000x128xf32, #tpu.memory_space<vmem>>, vector<1x1000x128xf32>
      %get3A_15 = vector.shape_cast %get3A_14 : vector<1x1000x128xf32> to vector<1000x128xf32>
      %add3A = arith.addf %get3A_10, %get3A_15 : vector<1000x128xf32>
      %max3A = arith.constant 0.000000e+00 : f32
      %max3A_16 = vector.broadcast %max3A : f32 to vector<1000x128xf32>
      %max3A_17 = arith.maximumf %add3A, %max3A_16 : vector<1000x128xf32>
      %get3A_18 = arith.constant 0 : index
      %get3A_19 = arith.constant 0 : index
      %get3A_20 = vector.load %arg3[%get3A_18, %get3A_19] : memref<1000x128xf32, #tpu.memory_space<vmem>>, vector<1000x128xf32>
      %get3A_21 = arith.constant 0 : index
      %get3A_22 = arith.constant 0 : index
      %get3A_23 = vector.load %arg4[%get3A_21, %get3A_22] : memref<128x128xf32, #tpu.memory_space<vmem>>, vector<128x128xf32>
      %dot_general3A = arith.constant dense<0.000000e+00> : vector<1000x128xf32>
      %dot_general3A_24 = tpu.matmul %get3A_20, %get3A_23, %dot_general3A {dimension_numbers = #tpu.dot_dimension_numbers<[1], [1], [0], [0], [0, 0, 1, 0], [], []>, transpose_lhs_hint = false} : vector<1000x128xf32>, vector<128x128xf32>, vector<1000x128xf32> -> vector<1000x128xf32>
      %get3A_25 = arith.constant 0 : index
      %get3A_26 = vector.load %arg5[%get3A_25] : memref<128xf32, #tpu.memory_space<vmem>>, vector<128xf32>
      %broadcast_in_dim3A = vector.shape_cast %get3A_26 : vector<128xf32> to vector<1x128xf32>
      %add3A_27 = vector.broadcast %broadcast_in_dim3A : vector<1x128xf32> to vector<1000x128xf32>
      %add3A_28 = arith.addf %dot_general3A_24, %add3A_27 : vector<1000x128xf32>
      %max3A_29 = arith.constant 0.000000e+00 : f32
      %max3A_30 = vector.broadcast %max3A_29 : f32 to vector<1000x128xf32>
      %max3A_31 = arith.maximumf %add3A_28, %max3A_30 : vector<1000x128xf32>
      %add3A_32 = arith.addf %max3A_17, %max3A_31 : vector<1000x128xf32>
      %mul3A = arith.constant 1000 : i32
      %mul3A_33 = arith.muli %arg1, %mul3A : i32
      %swap3A = arith.index_cast %mul3A_33 : i32 to index
      %swap3A_34 = arith.constant 0 : index
      %swap3A_35 = vector.load %arg9[%swap3A, %swap3A_34] : memref<10000x128xf32, #tpu.memory_space<vmem>>, vector<1000x128xf32>
      tpu.vector_store %arg9[%swap3A, %swap3A_34], %add3A_32 {strides = array<i32>} : memref<10000x128xf32, #tpu.memory_space<vmem>>, vector<1000x128xf32>,
      %reduce_sum3A = arith.constant dense<0.000000e+00> : vector<128xf32>
      %reduce_sum3A_36 = vector.multi_reduction <add>, %add3A_32, %reduce_sum3A [0] : vector<1000x128xf32> to vector<128xf32>
      %broadcast_in_dim3A_37 = vector.shape_cast %reduce_sum3A_36 : vector<128xf32> to vector<1x128xf32>
      %swap3A_38 = arith.index_cast %arg1 : i32 to index
      %swap3A_39 = arith.constant 0 : index
      %swap3A_40 = vector.load %arg10[%swap3A_38, %swap3A_39] : memref<10x128xf32, #tpu.memory_space<vmem>>, vector<1x128xf32>
      tpu.vector_store %arg10[%swap3A_38, %swap3A_39], %broadcast_in_dim3A_37 {strides = array<i32>} : memref<10x128xf32, #tpu.memory_space<vmem>>, vector<1x128xf32>,
      %mul3A_41 = arith.mulf %add3A_32, %add3A_32 : vector<1000x128xf32>
      %reduce_sum3A_42 = arith.constant dense<0.000000e+00> : vector<128xf32>
      %reduce_sum3A_43 = vector.multi_reduction <add>, %mul3A_41, %reduce_sum3A_42 [0] : vector<1000x128xf32> to vector<128xf32>
      %broadcast_in_dim3A_44 = vector.shape_cast %reduce_sum3A_43 : vector<128xf32> to vector<1x128xf32>
      %swap3A_45 = arith.index_cast %arg1 : i32 to index
      %swap3A_46 = arith.constant 0 : index
      %swap3A_47 = vector.load %arg11[%swap3A_45, %swap3A_46] : memref<10x128xf32, #tpu.memory_space<vmem>>, vector<1x128xf32>
      tpu.vector_store %arg11[%swap3A_45, %swap3A_46], %broadcast_in_dim3A_44 {strides = array<i32>} : memref<10x128xf32, #tpu.memory_space<vmem>>, vector<1x128xf32>,
    } else {
    }
    %eq3A_2 = arith.constant 1 : i32
    %eq3A_3 = arith.cmpi eq, %arg0, %eq3A_2 : i32
    %convert_element_type3A_4 = arith.extui %eq3A_3 : i1 to i32
    %cond3A_5 = arith.constant 0 : i32
    %cond3A_6 = arith.cmpi ne, %convert_element_type3A_4, %cond3A_5 : i32
    scf.if %cond3A_6 {
      %get3A = arith.constant 0 : index
      %get3A_7 = arith.constant 0 : index
      %get3A_8 = vector.load %arg10[%get3A, %get3A_7] : memref<10x128xf32, #tpu.memory_space<vmem>>, vector<10x128xf32>
      %reduce_sum3A = arith.constant dense<0.000000e+00> : vector<128xf32>
      %reduce_sum3A_9 = vector.multi_reduction <add>, %get3A_8, %reduce_sum3A [0] : vector<10x128xf32> to vector<128xf32>
      %broadcast_in_dim3A = vector.shape_cast %reduce_sum3A_9 : vector<128xf32> to vector<1x128xf32>
      %div3A = arith.constant 1.000000e+04 : f32
      %div3A_10 = vector.broadcast %div3A : f32 to vector<1x128xf32>
      %div3A_11 = arith.divf %broadcast_in_dim3A, %div3A_10 : vector<1x128xf32>
      %get3A_12 = arith.constant 0 : index
      %get3A_13 = arith.constant 0 : index
      %get3A_14 = vector.load %arg11[%get3A_12, %get3A_13] : memref<10x128xf32, #tpu.memory_space<vmem>>, vector<10x128xf32>
      %reduce_sum3A_15 = arith.constant dense<0.000000e+00> : vector<128xf32>
      %reduce_sum3A_16 = vector.multi_reduction <add>, %get3A_14, %reduce_sum3A_15 [0] : vector<10x128xf32> to vector<128xf32>
      %broadcast_in_dim3A_17 = vector.shape_cast %reduce_sum3A_16 : vector<128xf32> to vector<1x128xf32>
      %div3A_18 = arith.constant 1.000000e+04 : f32
      %div3A_19 = vector.broadcast %div3A_18 : f32 to vector<1x128xf32>
      %div3A_20 = arith.divf %broadcast_in_dim3A_17, %div3A_19 : vector<1x128xf32>
      %mul3A = arith.mulf %div3A_11, %div3A_11 : vector<1x128xf32>
      %sub3A = arith.subf %div3A_20, %mul3A : vector<1x128xf32>
      %add3A = arith.constant 9.99999974E-6 : f32
      %add3A_21 = vector.broadcast %add3A : f32 to vector<1x128xf32>
      %add3A_22 = arith.addf %sub3A, %add3A_21 : vector<1x128xf32>
      %rsqrt3A = math.rsqrt %add3A_22 : vector<1x128xf32>
      %mul3A_23 = arith.constant 1000 : i32
      %mul3A_24 = arith.muli %arg1, %mul3A_23 : i32
      %get3A_25 = arith.index_cast %mul3A_24 : i32 to index
      %get3A_26 = arith.constant 0 : index
      %get3A_27 = vector.load %arg9[%get3A_25, %get3A_26] : memref<10000x128xf32, #tpu.memory_space<vmem>>, vector<1000x128xf32>
      %sub3A_28 = vector.broadcast %div3A_11 : vector<1x128xf32> to vector<1000x128xf32>
      %sub3A_29 = arith.subf %get3A_27, %sub3A_28 : vector<1000x128xf32>
      %get3A_30 = arith.constant 0 : index
      %get3A_31 = vector.load %arg6[%get3A_30] : memref<128xf32, #tpu.memory_space<vmem>>, vector<128xf32>
      %broadcast_in_dim3A_32 = vector.shape_cast %get3A_31 : vector<128xf32> to vector<1x128xf32>
      %mul3A_33 = arith.mulf %rsqrt3A, %broadcast_in_dim3A_32 : vector<1x128xf32>
      %mul3A_34 = vector.broadcast %mul3A_33 : vector<1x128xf32> to vector<1000x128xf32>
      %mul3A_35 = arith.mulf %sub3A_29, %mul3A_34 : vector<1000x128xf32>
      %get3A_36 = arith.constant 0 : index
      %get3A_37 = vector.load %arg7[%get3A_36] : memref<128xf32, #tpu.memory_space<vmem>>, vector<128xf32>
      %broadcast_in_dim3A_38 = vector.shape_cast %get3A_37 : vector<128xf32> to vector<1x128xf32>
      %add3A_39 = vector.broadcast %broadcast_in_dim3A_38 : vector<1x128xf32> to vector<1000x128xf32>
      %add3A_40 = arith.addf %mul3A_35, %add3A_39 : vector<1000x128xf32>
      %swap3A = arith.constant 0 : index
      %swap3A_41 = arith.constant 0 : index
      %swap3A_42 = vector.load %arg8[%swap3A, %swap3A_41] : memref<1000x128xf32, #tpu.memory_space<vmem>>, vector<1000x128xf32>
      tpu.vector_store %arg8[%swap3A, %swap3A_41], %add3A_40 {strides = array<i32>} : memref<1000x128xf32, #tpu.memory_space<vmem>>, vector<1000x128xf32>,
    } else {
    }
    return
  }
  func.func @transform_0(%arg0: i32, %arg1: i32) -> (i32, i32, i32) {
    %sub3A = arith.constant 1 : i32
    %sub3A_0 = arith.subi %sub3A, %arg0 : i32
    %mul3A = arith.muli %sub3A_0, %arg1 : i32
    %c0_i32 = arith.constant 0 : i32
    %c0_i32_1 = arith.constant 0 : i32
    %c0_i32_2 = arith.constant 0 : i32
    return %c0_i32, %mul3A, %c0_i32_1 : i32, i32, i32
  }
  func.func @transform_1(%arg0: i32, %arg1: i32) -> (i32, i32) {
    %sub3A = arith.constant 1 : i32
    %sub3A_0 = arith.subi %sub3A, %arg0 : i32
    %mul3A = arith.muli %sub3A_0, %arg1 : i32
    %c0_i32 = arith.constant 0 : i32
    %c0_i32_1 = arith.constant 0 : i32
    return %mul3A, %c0_i32 : i32, i32
  }
  func.func @transform_2(%arg0: i32, %arg1: i32) -> (i32, i32) {
    %c0_i32 = arith.constant 0 : i32
    %c0_i32_0 = arith.constant 0 : i32
    %c0_i32_1 = arith.constant 0 : i32
    return %c0_i32, %c0_i32_0 : i32, i32
  }
  func.func @transform_3(%arg0: i32, %arg1: i32) -> i32 {
    %c0_i32 = arith.constant 0 : i32
    %c0_i32_0 = arith.constant 0 : i32
    return %c0_i32 : i32
  }
  func.func @transform_4(%arg0: i32, %arg1: i32) -> i32 {
    %c0_i32 = arith.constant 0 : i32
    %c0_i32_0 = arith.constant 0 : i32
    return %c0_i32 : i32
  }
  func.func @transform_5(%arg0: i32, %arg1: i32) -> i32 {
    %c0_i32 = arith.constant 0 : i32
    %c0_i32_0 = arith.constant 0 : i32
    return %c0_i32 : i32
  }
  func.func @transform_6(%arg0: i32, %arg1: i32) -> (i32, i32) {
    %mul3A = arith.muli %arg0, %arg1 : i32
    %c0_i32 = arith.constant 0 : i32
    %c0_i32_0 = arith.constant 0 : i32
    return %mul3A, %c0_i32 : i32, i32
  }
}

</mosaic_0001>

<sc_bundles>
// kernel: kernel.5.cloned.1.call-start
scs
__scs_entry_jumppad:
0x0: {  	(pc) =	sbr.rel $0x88, $3  }
0x1: {  	(tag) =	ssettag $0x0;
	lr =	simm.s32 $0x1  }
0x2: {  	[smem:$0x3F99] =	sst lr;
	_ =	strace $0xD0000000  }
0x3: {  	_ = 	snop  }
0x4: {  	_ = 	snop  }
0x5: {  	_ = 	snop  }
0x6: {  	_ = 	snop  }
0x7: {  	_ = 	snop  }
__scs_overlays_trampoline_lowered:
0x8: {  	[smem:$0x3FA8] =	sst s0  }
0x9: {  	[smem:$0x3FA9] =	sst s1  }
0xa: {  	[smem:$0x3FAA] =	sst s2  }
0xb: {  	[smem:$0x3FAB] =	sst s3  }
0xc: {  	[smem:$0x3FAC] =	sst s4  }
0xd: {  	[smem:$0x3FAD] =	sst s5  }
0xe: {  	[smem:$0x3FAE] =	sst s6  }
0xf: {  	[smem:$0x3FAF] =	sst s7  }
0x10: {  	[smem:$0x3FB0] =	sst s8  }
0x11: {  	[smem:$0x3FB1] =	sst s9;
	s0 =	simm.s32 @!p0 $0x0  }
0x12: {  	s1 =	sld [smem:$0x3F97];
	s0 =	simm.s32 @p0 $0x1  }
0x13: {  	[smem:$0x3FB2] =	sst s0;
	s0 =	simm.s32 @!p1 $0x0  }
0x14: {  	s2 =	sld [smem:$0x3F96];
	s0 =	simm.s32 @p1 $0x1  }
0x15: {  	[smem:$0x3FB3] =	sst s0;
	s0 =	simm.s32 @!p2 $0x0  }
0x16: {  	s3 =	sld [smem:$0x3FDB];
	s0 =	simm.s32 @p2 $0x1  }
0x17: {  	s4 =	simm.s32 $0x1BF5;
	[smem:$0x3FB5] =	sst s0  }
0x18: {  	s0 =	sld [smem:$0x3F98];
	_ =	swait.ge [sflag:s4], $0x0  }
0x19: {  	s7 =	sld [smem:$0x3F99]  }
0x1a: {  	s8 =	sadd.s32 $0xFFFFE003, lr  }
0x1b: {  	s9 =	sadd.s32 $0xFFFFFEF7, lr;
	s5 =	simm.s32 $0xFFFFFFFF;
	p2 =	slt.u32 s8, $0xFFFFF086  }
0x1c: {  	p1 =	slt.u32 s9, $0xF7A;
	s5 =	simm.s32 @!p2 $0x0  }
0x1d: {  	s5 =	simm.s32 @p1 $0x1;
	p0 =	seq.s32 s7, s2  }
0x1e: {  	s7 =	smul.u32 @!p0 $0xF7A, s2;
	p2 =	seq.s32 @!p0 s5, $0x0  }
0x1f: {  	s9 =	smul.u32 $0xF7A, s1;
	s8 =	simm.s32 @!p0 $0x1BF5;
	p2 =	por !p2, p0  }
0x20: {  	[sflag:s8] =	ssyncset.s32 @!p0 $0xFFFFF086;
	s6 =	sadd.s32 @!p0 s3, s7;
	s7 =	simm.s32 @!p0 $0x108  }
0x21: {  	s3 =	sadd.s32 s3, s9;
	s6 =	sadd.s32 @!p0 $0x88, s6;
	s7 =	simm.s32 @p2 $0x1082  }
0x22: {  	[simem:s7], [sflag:s8] =	dma.local @!p0 [hbm:s6], $0xF7A  }
0x23: {  	s9 =	sor.u32 $0xD0000000, s2;
	s6 =	simm.s32 $0x108;
	_ =	swait.ge @!p0 [sflag:s8], $0x0  }
0x24: {  	s3 =	sadd.s32 $0x88, s3;
	s6 =	simm.s32 @!p1 $0x1082;
	[sflag:s4] =	ssyncset.s32 $0xFFFFF086  }
0x25: {  	[simem:s6], [sflag:s4] =	dma.local [hbm:s3], $0xF7A  }
0x26: {  	[smem:$0x3F99] =	sst s1;
	(tag) =	ssettag s2;
	_ =	strace s9  }
0x27: {  	s1 =	sld [smem:$0x3FA9]  }
0x28: {  	s2 =	sld [smem:$0x3FAA]  }
0x29: {  	s4 =	sld [smem:$0x3FAC]  }
0x2a: {  	p0 =	seq.s32 s5, $0x0;
	s5 =	sld [smem:$0x3FAD]  }
0x2b: {  	s6 =	sld [smem:$0x3FAE]  }
0x2c: {  	s7 =	sld [smem:$0x3FAF]  }
0x2d: {  	s3 =	simm.s32 $0x108;
	s8 =	sld [smem:$0x3FB0]  }
0x2e: {  	s3 =	simm.s32 @!p0 $0x1082;
	s9 =	sld [smem:$0x3FB1]  }
0x2f: {  	lr =	sadd.s32 s0, s3;
	s0 =	sld [smem:$0x3FA8]  }
0x30: {  	s3 =	sld [smem:$0x3FAB]  }
0x31: {  	[smem:$0x3FB4] =	sst s10  }
0x32: {  	s10 =	sld [smem:$0x3FB2];
	_ =	sdelay $0x3  }
0x33: {  	p0 =	seq.s32 s10, $0x1;
	s10 =	sld [smem:$0x3FB4];
	_ =	sdelay $0x3  }
0x34: {  	[smem:$0x3FB4] =	sst s10  }
0x35: {  	s10 =	sld [smem:$0x3FB3];
	_ =	sdelay $0x3  }
0x36: {  	p1 =	seq.s32 s10, $0x1;
	s10 =	sld [smem:$0x3FB4];
	_ =	sdelay $0x3  }
0x37: {  	[smem:$0x3FB4] =	sst s10  }
0x38: {  	s10 =	sld [smem:$0x3FB5]  }
0x39: {  	_ = 	snop;
	(pc) =	sbr.ind lr, $3  }
0x3a: {  	_ = 	snop  }
0x3b: {  	_ = 	snop  }
0x3c: {  	p2 =	seq.s32 s10, $0x1;
	s10 =	sld [smem:$0x3FB4]  }
0x3d: {  	_ =	shalt  }
0x3e: {  	_ =	shalt  }
0x3f: {  	_ =	shalt  }
0x40: {  	_ =	shalt  }
0x41: {  	_ =	shalt  }
0x42: {  	_ =	shalt  }
0x43: {  	_ =	shalt  }
0x44: {  	_ =	shalt  }
0x45: {  	_ =	shalt  }
0x46: {  	_ =	shalt  }
0x47: {  	_ =	shalt  }
0x48: {  	_ =	shalt  }
0x49: {  	_ =	shalt  }
0x4a: {  	_ =	shalt  }
0x4b: {  	_ =	shalt  }
0x4c: {  	_ =	shalt  }
0x4d: {  	_ =	shalt  }
0x4e: {  	_ =	shalt  }
0x4f: {  	_ =	shalt  }
0x50: {  	_ =	shalt  }
0x51: {  	_ =	shalt  }
0x52: {  	_ =	shalt  }
0x53: {  	_ =	shalt  }
0x54: {  	_ =	shalt  }
0x55: {  	_ =	shalt  }
0x56: {  	_ =	shalt  }
0x57: {  	_ =	shalt  }
0x58: {  	_ =	shalt  }
0x59: {  	_ =	shalt  }
0x5a: {  	_ =	shalt  }
0x5b: {  	_ =	shalt  }
0x5c: {  	_ =	shalt  }
0x5d: {  	_ =	shalt  }
0x5e: {  	_ =	shalt  }
0x5f: {  	_ =	shalt  }
0x60: {  	_ =	shalt  }
0x61: {  	_ =	shalt  }
0x62: {  	_ =	shalt  }
0x63: {  	_ =	shalt  }
0x64: {  	_ =	shalt  }
0x65: {  	_ =	shalt  }
0x66: {  	_ =	shalt  }
0x67: {  	_ =	shalt  }
0x68: {  	_ =	shalt  }
0x69: {  	_ =	shalt  }
0x6a: {  	_ =	shalt  }
0x6b: {  	_ =	shalt  }
0x6c: {  	_ =	shalt  }
0x6d: {  	_ =	shalt  }
0x6e: {  	_ =	shalt  }
0x6f: {  	_ =	shalt  }
0x70: {  	_ =	shalt  }
0x71: {  	_ =	shalt  }
0x72: {  	_ =	shalt  }
0x73: {  	_ =	shalt  }
0x74: {  	_ =	shalt  }
0x75: {  	_ =	shalt  }
0x76: {  	_ =	shalt  }
0x77: {  	_ =	shalt  }
0x78: {  	_ =	shalt  }
0x79: {  	_ =	shalt  }
0x7a: {  	_ =	shalt  }
0x7b: {  	_ =	shalt  }
0x7c: {  	_ =	shalt  }
0x7d: {  	_ =	shalt  }
0x7e: {  	_ =	shalt  }
0x7f: {  	_ =	shalt  }
0x80: {  	_ =	shalt  }
0x81: {  	_ =	shalt  }
0x82: {  	_ =	shalt  }
0x83: {  	_ =	shalt  }
0x84: {  	_ =	shalt  }
0x85: {  	_ =	shalt  }
0x86: {  	_ =	shalt  }
0x87: {  	_ =	shalt  }
.Lfunc_end0:
.L_simem_size_0:
called_computation_lowered:
.L_overlay_start_0:
0x88: {  	s2 =	sld [smem:$0x3FD9]  }
0x89: {  	s3 =	sld [smem:$0x3FFE];
	_ =	sdelay $0x1  }
0x8a: {  	s1 =	srdreg.scid  }
0x8b: {  	s0 =	sand.u32 $0x1, s1  }
0x8c: {  	s17 =	sshll.u32 s0, $0xA;
	s2 =	sadd.s32 s3, s2  }
0x8d: {  	s2 =	sadd.s32 s2, s17  }
0x8e: {  	[smem:$0x3FC0] =	sst s2  }
0x8f: {  	_ = 	snop  }
0x90: {  	s2 =	sld [smem:$0x3FD0];
	(tm) =	ssettm $0x1  }
0x91: {  	s18 =	sld [smem:$0x3FFB];
	_ =	sdelay $0x3  }
0x92: {  	_ =	strace s18  }
0x93: {  	s3 =	sld [smem:$0x3FFC];
	_ =	sdelay $0x3  }
0x94: {  	_ =	strace s3  }
0x95: {  	s3 =	sld [smem:$0x3FFD];
	_ =	sdelay $0x3  }
0x96: {  	_ =	strace s3  }
0x97: {  	_ =	strace $0x8FFFFFFF  }
0x98: {  	s19 =	sld [smem:$0x3FDB];
	_ =	sdelay $0x1  }
0x99: {  	s4 =	simm.s32 $_scs_section_size  }
0x9a: {  	s5 =	simm.s32 $_size__tile_overlayer_lowered;
	s6 =	simm.s32 $_tile_overlayer_lowered  }
0x9b: {  	s22 =	simm.s32 $0x1BFF;
	s21 =	sshll.u32 s6, $0x1;
	s3 =	sadd.s32 s4, s19  }
0x9c: {  	s7 =	simm.s32 $0x0;
	s20 =	sshll.u32 s5, $0x1;
	s5 =	sadd.s32 s21, s3  }
0x9d: {  	[timem:s7], [sflag:s22] =	dma.local [hbm:s5], s20  }
0x9e: {  	_ =	swait.ge [sflag:s22], s20  }
0x9f: {  	s4 =	ssub.s32 $0x0, s20;
	[sflag:s22] =	ssyncset.done $0x0  }
0xa0: {  	[sflag:s22] =	ssyncadd.s32 s4;
	_ =	sdelay $0x1  }
0xa1: {  	s23 =	simm.s32 $0x1B8B  }
0xa2: {  	_ =	swait.ge [sflag:s23], $0x1  }
0xa3: {  	[sflag:s23] =	ssyncset.done $0x0  }
0xa4: {  	s25 =	simm.s32 $0x1B8E;
	s24 =	sld [smem:$0x3FFE];
	[sflag:s23] =	ssyncadd.s32 $0xFFFFFFFF  }
0xa5: {  	s26 =	simm.s32 $execute0_lowered;
	[smem:$0x3FD2] =	sst s25  }
0xa6: {  	s5 =	sshll.u32 s26, $0x1;
	_ =	strace $0x80000046;
	[dreg:$0x1] =	wrdreg $0xFFFFFFFF  }
0xa7: {  	s28 =	simm.s32 $_size_execute0_lowered;
	s3 =	sadd.s32 s3, s5;
	[dreg:$0x0] =	wrdreg $0x0  }
0xa8: {  	s5 =	sshll.u32 s28, $0x1;
	[dreg:$0x2] =	wrdreg s3  }
0xa9: {  	[dreg:$0x3] =	wrdreg s5  }
0xaa: {  	[dreg:$0x4] =	wrdreg $0xC0  }
0xab: {  	_ =	task [dreg:s7], $0x5FFFF  }
0xac: {  	[dreg:$0x1] =	wrdreg $0xFFFFFFFF  }
0xad: {  	[dreg:$0x0] =	wrdreg $0x60  }
0xae: {  	[dreg:$0x2] =	wrdreg s2  }
0xaf: {  	[dreg:$0x3] =	wrdreg s24  }
0xb0: {  	[dreg:$0x4] =	wrdreg $0xA8000  }
0xb1: {  	[dreg:$0x5] =	wrdreg $0x9  }
0xb2: {  	_ =	task.clear_ibuf [dreg:s7], $0x6FFFF;
	_ =	strace $0x90000046  }
0xb3: {  	s29 =	simm.s32 $0x9;
	_ =	strace $0x80000048  }
0xb4: {  	_ =	swait.ge [sflag:s29], $0x1  }
0xb5: {  	[sflag:s29] =	ssyncadd.s32 $0xFFFFFFFF  }
0xb6: {  	_ =	strace $0x90000048  }
0xb7: {  	_ =	sfence  }
0xb8: {  	s30 =	sld [smem:$0x0];
	_ =	sdelay $0x2  }
0xb9: {  	s31 =	sshll.u32 s1, $0xD;
	s1 =	sshrl.u32 s1, $0x2  }
0xba: {  	s3 =	sand.u32 $0x4000, s31;
	s1 =	sadd.s32 s1, s30  }
0xbb: {  	s0 =	sor.u32 s3, s0;
	s1 =	sshll.u32 s1, $0x11  }
0xbc: {  	s0 =	sor.u32 s1, s0  }
0xbd: {  	s0 =	sadd.s32 $0x8F2B, s0  }
0xbe: {  	[sflag:s0] =	ssyncadd.remote.s32 $0x1  }
0xbf: {  	_ =	sfence.sel $0xFFFF  }
0xc0: {  	[dreg:$0x0] =	wrdreg $0xFFFFFFFF;
	(pc) =	sbr.abs _section_cstart, $3  }
0xc1: {  	[dreg:$0x1] =	wrdreg $0xFFFFFFFF  }
0xc2: {  	_ =	task.clear_ibuf [dreg:s7], $0x2FFFF;
	_ =	strace $0x9FFFFFFF  }
0xc3: {  	(tm) =	ssettm $0x7FFFFFFF  }
tec
execute0_lowered:
.L_overlay_start_1:
0x0: {  	(tag) =	ssettag $0x1  }
0x1: {  	s1 =	rddreg [dreg:$0x0]  }
0x2: {  	s0 =	rddreg [dreg:$0x1]  }
0x3: {  	s2 =	rddreg [dreg:$0x2];
	s3 =	srdreg.scid  }
0x4: {  	s6 =	simm.s32 $0x0;
	s4 =	stileid.u32;
	s28 =	simm.s32 $0x2800  }
0x5: {  	s29 =	simm.s32 $0xB;
	s30 =	simm.s32 $0x9;
	s31 =	simm.s32 $0x40  }
0x6: {  	s3 =	sand.u32 $0x1, s3;
	[smem:$0x7FF] =	sst s6;
	s20 =	smul.u32 $0x50000, s4  }
0x7: {  	s18 =	smul.u32 $0x14000, s4;
	s9 =	sadd.s32 $0x1600, s0;
	s10 =	sadd.s32 $0x15600, s0  }
0x8: {  	s21 =	sadd.s32 $0x29600, s0;
	s5 =	smul.u32 $0x140000, s3;
	s24 =	sshrl.u32 s20, $0x2  }
0x9: {  	s7 =	sshll.u32 s3, $0x4;
	_ =	strace $0x80000047;
	s8 =	sadd.s32 s24, s2  }
0xa: {  	[dreg:$0x4] =	wrdreg s21;
	s7 =	sor.u32 s4, s7;
	s6 =	sadd.s32 $0x2000, s8  }
0xb: {  	s19 =	smul.u32 $0x5000, s7;
	s7 =	sadd.s32 $0x4000, s8;
	[dreg:$0x7] =	wrdreg s6  }
0xc: {  	s3 =	ssub.s32 $0x2, s3;
	s11 =	sadd.s32 $0x6000, s8;
	[dreg:$0x8] =	wrdreg s7  }
0xd: {  	s22 =	sshrl.u32 s3, $0x1;
	s12 =	sadd.s32 $0x8000, s8;
	[dreg:$0x9] =	wrdreg s11  }
0xe: {  	s5 =	sadd.s32 s18, s5;
	s13 =	sadd.s32 $0xA000, s8;
	[dreg:$0xa] =	wrdreg s12  }
0xf: {  	s3 =	ssub.s32 s3, s22;
	s14 =	sadd.s32 $0xC000, s8;
	[dreg:$0xb] =	wrdreg s13  }
0x10: {  	s5 =	sshrl.u32 s5, $0x3;
	s15 =	sadd.s32 $0xE000, s8;
	[dreg:$0xc] =	wrdreg s14  }
0x11: {  	s16 =	sadd.s32 $0x10000, s8;
	s0 =	sadd.s32 s5, s0;
	[dreg:$0xd] =	wrdreg s15  }
0x12: {  	s23 =	sshrl.u32 s19, $0x3;
	[dreg:$0xe] =	wrdreg s16;
	s6 =	simm.s32 $0x6800  }
0x13: {  	s7 =	simm.s32 $0x180;
	s11 =	simm.s32 $0x1;
	s12 =	simm.s32 $0x2  }
0x14: {  	s13 =	simm.s32 $0x3;
	s14 =	simm.s32 $0x4;
	s25 =	sadd.s32 s9, s23  }
0x15: {  	s15 =	simm.s32 $0x5;
	s26 =	sadd.s32 s10, s23;
	[dreg:$0x5] =	wrdreg s25  }
0x16: {  	s17 =	sadd.s32 $0x280, s23;
	s0 =	sadd.s32 $0x29A00, s0;
	[dreg:$0x6] =	wrdreg s26  }
0x17: {  	s16 =	simm.s32 $0x6;
	s18 =	sadd.s32 s9, s17;
	[dreg:$0x16] =	wrdreg s0  }
0x18: {  	s20 =	sadd.s32 $0x500, s23;
	s19 =	sadd.s32 s10, s17;
	[dreg:$0xf] =	wrdreg s18  }
0x19: {  	s5 =	sadd.s32 $0x780, s23;
	s21 =	sadd.s32 s9, s20;
	[dreg:$0x10] =	wrdreg s19  }
0x1a: {  	s22 =	sadd.s32 s10, s20;
	s23 =	sadd.s32 s9, s5;
	[dreg:$0x11] =	wrdreg s21  }
0x1b: {  	s24 =	sadd.s32 s10, s5;
	s25 =	sadd.s32 $0x12000, s8;
	[dreg:$0x12] =	wrdreg s22  }
0x1c: {  	s26 =	smax.u32 s3, $0x1;
	s0 =	simm.s32 $0x80;
	[dreg:$0x13] =	wrdreg s23  }
0x1d: {  	s3 =	simm.s32 $0x4800;
	s5 =	simm.s32 $0x100;
	[dreg:$0x14] =	wrdreg s24  }
0x1e: {  	s9 =	simm.s32 $0x8800;
	s10 =	simm.s32 $0xA;
	[dreg:$0x15] =	wrdreg s25  }
0x1f: {  	s17 =	simm.s32 $0x7;
	s20 =	simm.s32 $0x2680;
	[dreg:$0x17] =	wrdreg s26  }
0x20: {  	s26 =	simm.s32 $0x1400;
	s18 =	simm.s32 $0x8;
	s19 =	simm.s32 $0x2600  }
0x21: {  	s21 =	simm.s32 $0x2700;
	s22 =	simm.s32 $0x2780;
	s23 =	simm.s32 $0x0  }
.LBB2_1:
0x22: {  	s4 =	simm.s32 $0x0;
	s24 =	rddreg [dreg:$0x5]  }
0x23: {  	[tilespmem:s4], [sflag:$0x9] =	stream.linear.gather [hbm4b:s24+s4], $0x1400, $0x38;
	[tilespmem:$0x1E800] =	vst v63  }
0x24: {  	s25 =	rddreg [dreg:$0x6]  }
0x25: {  	[tilespmem:s26], [sflag:$0xA] =	stream.linear.gather [hbm4b:s25+s4], $0x1400, $0x38;
	[tilespmem:$0x1E800] =	vst v63  }
0x26: {  	s25 =	rddreg [dreg:$0x4]  }
0x27: {  	[tilespmem:s28], [sflag:$0xB] =	stream.linear.gather [hbm4b:s25+s4], $0x2000, $0x38;
	[tilespmem:$0x1E800] =	vst v63  }
0x28: {  	_ =	swait.ge [sflag:s29], $0x2000  }
0x29: {  	[sflag:s29] =	ssyncset.done $0x0  }
0x2a: {  	[sflag:s29] =	ssyncadd.s32 $0xFFFFE000  }
0x2b: {  	[spmem:s8] =	stream.linear.scatter [tilespmem:s28], [sflag:$0xB], $0x2000, $0x38;
	[tilespmem:$0x1E800] =	vst v63  }
0x2c: {  	_ =	swait.ge [sflag:s29], $0x2000  }
0x2d: {  	[sflag:s29] =	ssyncset.done $0x0  }
0x2e: {  	s25 =	rddreg [dreg:$0x7];
	[sflag:s29] =	ssyncadd.s32 $0xFFFFE000  }
0x2f: {  	[spmem:s25] =	stream.linear.scatter [tilespmem:s28], [sflag:$0xB], $0x2000, $0x38;
	[tilespmem:$0x1E800] =	vst v63  }
0x30: {  	_ =	swait.ge [sflag:s29], $0x2000  }
0x31: {  	[sflag:s29] =	ssyncset.done $0x0  }
0x32: {  	s25 =	rddreg [dreg:$0x8];
	[sflag:s29] =	ssyncadd.s32 $0xFFFFE000  }
0x33: {  	[spmem:s25] =	stream.linear.scatter [tilespmem:s28], [sflag:$0xB], $0x2000, $0x38;
	[tilespmem:$0x1E800] =	vst v63  }
0x34: {  	_ =	swait.ge [sflag:s29], $0x2000  }
0x35: {  	[sflag:s29] =	ssyncset.done $0x0  }
0x36: {  	s25 =	rddreg [dreg:$0x9];
	[sflag:s29] =	ssyncadd.s32 $0xFFFFE000  }
0x37: {  	[spmem:s25] =	stream.linear.scatter [tilespmem:s28], [sflag:$0xB], $0x2000, $0x38;
	[tilespmem:$0x1E800] =	vst v63  }
0x38: {  	_ =	swait.ge [sflag:s29], $0x2000  }
0x39: {  	[sflag:s29] =	ssyncset.done $0x0  }
0x3a: {  	s25 =	rddreg [dreg:$0xa];
	[sflag:s29] =	ssyncadd.s32 $0xFFFFE000  }
0x3b: {  	[spmem:s25] =	stream.linear.scatter [tilespmem:s28], [sflag:$0xB], $0x2000, $0x38;
	[tilespmem:$0x1E800] =	vst v63  }
0x3c: {  	_ =	swait.ge [sflag:s29], $0x2000  }
0x3d: {  	[sflag:s29] =	ssyncset.done $0x0  }
0x3e: {  	s25 =	rddreg [dreg:$0xb];
	[sflag:s29] =	ssyncadd.s32 $0xFFFFE000  }
0x3f: {  	[spmem:s25] =	stream.linear.scatter [tilespmem:s28], [sflag:$0xB], $0x2000, $0x38;
	[tilespmem:$0x1E800] =	vst v63  }
0x40: {  	_ =	swait.ge [sflag:s29], $0x2000  }
0x41: {  	[sflag:s29] =	ssyncset.done $0x0  }
0x42: {  	s25 =	rddreg [dreg:$0xc];
	[sflag:s29] =	ssyncadd.s32 $0xFFFFE000  }
0x43: {  	[spmem:s25] =	stream.linear.scatter [tilespmem:s28], [sflag:$0xB], $0x2000, $0x38;
	[tilespmem:$0x1E800] =	vst v63  }
0x44: {  	_ =	swait.ge [sflag:s29], $0x2000  }
0x45: {  	[sflag:s29] =	ssyncset.done $0x0  }
0x46: {  	s25 =	rddreg [dreg:$0xd];
	[sflag:s29] =	ssyncadd.s32 $0xFFFFE000  }
0x47: {  	[spmem:s25] =	stream.linear.scatter [tilespmem:s28], [sflag:$0xB], $0x2000, $0x38;
	[tilespmem:$0x1E800] =	vst v63  }
0x48: {  	_ =	swait.ge [sflag:s29], $0x2000  }
0x49: {  	[sflag:s29] =	ssyncset.done $0x0  }
0x4a: {  	s25 =	rddreg [dreg:$0xe];
	[sflag:s29] =	ssyncadd.s32 $0xFFFFE000  }
0x4b: {  	[spmem:s25] =	stream.linear.scatter [tilespmem:s28], [sflag:$0xB], $0x2000, $0x38;
	[tilespmem:$0x1E800] =	vst v63  }
0x4c: {  	_ =	swait.ge [sflag:s29], $0x2000  }
0x4d: {  	[sflag:s29] =	ssyncset.done $0x0  }
0x4e: {  	s25 =	rddreg [dreg:$0x15];
	[sflag:s29] =	ssyncadd.s32 $0xFFFFE000  }
0x4f: {  	[spmem:s25] =	stream.linear.scatter [tilespmem:s28], [sflag:$0xB], $0x2000, $0x38;
	[tilespmem:$0x1E800] =	vst v63  }
0x50: {  	_ =	swait.ge [sflag:s29], $0x2000  }
0x51: {  	[sflag:s29] =	ssyncset.done $0x0  }
0x52: {  	[sflag:s29] =	ssyncadd.s32 $0xFFFFE000  }
0x53: {  	_ =	swait.ge [sflag:s30], $0x1400  }
0x54: {  	[sflag:s30] =	ssyncset.done $0x0  }
0x55: {  	[sflag:s30] =	ssyncadd.s32 $0xFFFFEC00  }
0x56: {  	[tilespmem:s28], [sflag:$0x1] =	stream.indirect.gather [hbm4b:s1+s31], $0x80, s4, s31, $0xb8;
	[tilespmem:$0x1E800] =	vst v63  }
0x57: {  	_ = 	snop  }
0x58: {  	[tilespmem:s3], [sflag:$0x2] =	stream.indirect.gather [hbm4b:s1+s31], $0x80, s0, s31, $0xb8;
	[tilespmem:$0x1E800] =	vst v63  }
0x59: {  	_ = 	snop  }
0x5a: {  	[tilespmem:s6], [sflag:$0x3] =	stream.indirect.gather [hbm4b:s1+s31], $0x80, s5, s31, $0xb8;
	[tilespmem:$0x1E800] =	vst v63  }
0x5b: {  	_ = 	snop  }
0x5c: {  	[tilespmem:s9], [sflag:$0x4] =	stream.indirect.gather [hbm4b:s1+s31], $0x80, s7, s31, $0xb8;
	[tilespmem:$0x1E800] =	vst v63  }
0x5d: {  	_ =	swait.ge [sflag:s10], $0x1400  }
0x5e: {  	[sflag:s10] =	ssyncset.done $0x0  }
0x5f: {  	[sflag:s10] =	ssyncadd.s32 $0xFFFFEC00  }
0x60: {  	[bflag:$0x0] =	sbarrier.arrive $0xFFFF  }
0x61: {  	_ =	swait.ge [sflag:s11], $0x2000  }
0x62: {  	[sflag:s11] =	ssyncset.done $0x0  }
0x63: {  	s25 =	simm.s32 $0x1400;
	[sflag:s11] =	ssyncadd.s32 $0xFFFFE000  }
0x64: {  	[spmem:s2] =	stream.indirect.scatter.add.f32 [tilespmem:s28], [sflag:$0x5], $0x80, s25, s31, $0xb8;
	[tilespmem:$0x1E800] =	vst v63  }
0x65: {  	_ =	swait.ge [sflag:s12], $0x2000  }
0x66: {  	[sflag:s12] =	ssyncset.done $0x0  }
0x67: {  	s4 =	simm.s32 $0x1480;
	[sflag:s12] =	ssyncadd.s32 $0xFFFFE000  }
0x68: {  	[spmem:s2] =	stream.indirect.scatter.add.f32 [tilespmem:s3], [sflag:$0x6], $0x80, s4, s31, $0xb8;
	[tilespmem:$0x1E800] =	vst v63  }
0x69: {  	_ =	swait.ge [sflag:s13], $0x2000  }
0x6a: {  	[sflag:s13] =	ssyncset.done $0x0  }
0x6b: {  	s25 =	simm.s32 $0x1500;
	[sflag:s13] =	ssyncadd.s32 $0xFFFFE000  }
0x6c: {  	[spmem:s2] =	stream.indirect.scatter.add.f32 [tilespmem:s6], [sflag:$0x7], $0x80, s25, s31, $0xb8;
	[tilespmem:$0x1E800] =	vst v63  }
0x6d: {  	_ =	swait.ge [sflag:s14], $0x2000  }
0x6e: {  	[sflag:s14] =	ssyncset.done $0x0  }
0x6f: {  	s4 =	simm.s32 $0x1580;
	[sflag:s14] =	ssyncadd.s32 $0xFFFFE000  }
0x70: {  	[spmem:s2] =	stream.indirect.scatter.add.f32 [tilespmem:s9], [sflag:$0x8], $0x80, s4, s31, $0xb8;
	[tilespmem:$0x1E800] =	vst v63  }
0x71: {  	_ =	swait.ge [sflag:s15], $0x2000  }
0x72: {  	[sflag:s15] =	ssyncset.done $0x0  }
0x73: {  	s25 =	simm.s32 $0x200;
	[sflag:s15] =	ssyncadd.s32 $0xFFFFE000  }
0x74: {  	[tilespmem:s28], [sflag:$0x1] =	stream.indirect.gather [hbm4b:s1+s31], $0x80, s25, s31, $0xb8;
	[tilespmem:$0x1E800] =	vst v63  }
0x75: {  	_ =	swait.ge [sflag:s16], $0x2000  }
0x76: {  	[sflag:s16] =	ssyncset.done $0x0  }
0x77: {  	s4 =	simm.s32 $0x280;
	[sflag:s16] =	ssyncadd.s32 $0xFFFFE000  }
0x78: {  	[tilespmem:s3], [sflag:$0x2] =	stream.indirect.gather [hbm4b:s1+s31], $0x80, s4, s31, $0xb8;
	[tilespmem:$0x1E800] =	vst v63  }
0x79: {  	_ =	swait.ge [sflag:s17], $0x2000  }
0x7a: {  	[sflag:s17] =	ssyncset.done $0x0  }
0x7b: {  	s25 =	simm.s32 $0x300;
	[sflag:s17] =	ssyncadd.s32 $0xFFFFE000  }
0x7c: {  	[tilespmem:s6], [sflag:$0x3] =	stream.indirect.gather [hbm4b:s1+s31], $0x80, s25, s31, $0xb8;
	[tilespmem:$0x1E800] =	vst v63  }
0x7d: {  	_ =	swait.ge [sflag:s18], $0x2000  }
0x7e: {  	[sflag:s18] =	ssyncset.done $0x0  }
0x7f: {  	s24 =	simm.s32 $0x800;
	s25 =	simm.s32 $0x380;
	[sflag:s18] =	ssyncadd.s32 $0xFFFFE000  }
.LBB2_2:
0x80: {  	[tilespmem:s9], [sflag:$0x4] =	stream.indirect.gather [hbm4b:s1+s31], $0x80, s25, s31, $0xb8;
	[tilespmem:$0x1E800] =	vst v63  }
0x81: {  	s25 =	smov.u32 s24  }
0x82: {  	p0 =	sne.s32 s24, $0x4000;
	s24 =	sadd.s32 $0x800, s24;
	_ =	swait.ge [sflag:s11], $0x2000  }
0x83: {  	s25 =	sshra.s32 s25, $0x2;
	[sflag:s11] =	ssyncset.done $0x0  }
0x84: {  	s4 =	sadd.s32 $0x1400, s25;
	[sflag:s11] =	ssyncadd.s32 $0xFFFFE000  }
0x85: {  	[spmem:s2] =	stream.indirect.scatter.add.f32 [tilespmem:s28], [sflag:$0x5], $0x80, s4, s31, $0xb8;
	[tilespmem:$0x1E800] =	vst v63  }
0x86: {  	_ =	swait.ge [sflag:s12], $0x2000  }
0x87: {  	[sflag:s12] =	ssyncset.done $0x0  }
0x88: {  	s4 =	sadd.s32 $0x1480, s25;
	[sflag:s12] =	ssyncadd.s32 $0xFFFFE000  }
0x89: {  	[spmem:s2] =	stream.indirect.scatter.add.f32 [tilespmem:s3], [sflag:$0x6], $0x80, s4, s31, $0xb8;
	[tilespmem:$0x1E800] =	vst v63  }
0x8a: {  	_ =	swait.ge [sflag:s13], $0x2000  }
0x8b: {  	[sflag:s13] =	ssyncset.done $0x0  }
0x8c: {  	s4 =	sadd.s32 $0x1500, s25;
	[sflag:s13] =	ssyncadd.s32 $0xFFFFE000  }
0x8d: {  	[spmem:s2] =	stream.indirect.scatter.add.f32 [tilespmem:s6], [sflag:$0x7], $0x80, s4, s31, $0xb8;
	[tilespmem:$0x1E800] =	vst v63  }
0x8e: {  	_ =	swait.ge [sflag:s14], $0x2000  }
0x8f: {  	[sflag:s14] =	ssyncset.done $0x0  }
0x90: {  	s4 =	sadd.s32 $0x1580, s25;
	[sflag:s14] =	ssyncadd.s32 $0xFFFFE000  }
0x91: {  	[spmem:s2] =	stream.indirect.scatter.add.f32 [tilespmem:s9], [sflag:$0x8], $0x80, s4, s31, $0xb8;
	[tilespmem:$0x1E800] =	vst v63  }
0x92: {  	_ =	swait.ge [sflag:s15], $0x2000  }
0x93: {  	[sflag:s15] =	ssyncset.done $0x0  }
0x94: {  	s4 =	sadd.s32 $0x200, s25;
	[sflag:s15] =	ssyncadd.s32 $0xFFFFE000  }
0x95: {  	[tilespmem:s28], [sflag:$0x1] =	stream.indirect.gather [hbm4b:s1+s31], $0x80, s4, s31, $0xb8;
	[tilespmem:$0x1E800] =	vst v63  }
0x96: {  	_ =	swait.ge [sflag:s16], $0x2000  }
0x97: {  	[sflag:s16] =	ssyncset.done $0x0  }
0x98: {  	s4 =	sadd.s32 $0x280, s25;
	[sflag:s16] =	ssyncadd.s32 $0xFFFFE000  }
0x99: {  	[tilespmem:s3], [sflag:$0x2] =	stream.indirect.gather [hbm4b:s1+s31], $0x80, s4, s31, $0xb8;
	[tilespmem:$0x1E800] =	vst v63  }
0x9a: {  	_ =	swait.ge [sflag:s17], $0x2000  }
0x9b: {  	[sflag:s17] =	ssyncset.done $0x0  }
.Ltmp0:
0x9c: {  	s4 =	sadd.s32 $0x300, s25;
	[sflag:s17] =	ssyncadd.s32 $0xFFFFE000;
	(pc) =	sbr.rel @p0 .LBB2_2-.Ltmp0, $4  }
0x9d: {  	[tilespmem:s6], [sflag:$0x3] =	stream.indirect.gather [hbm4b:s1+s31], $0x80, s4, s31, $0xb8;
	[tilespmem:$0x1E800] =	vst v63  }
0x9e: {  	_ =	swait.ge [sflag:s18], $0x2000  }
0x9f: {  	[sflag:s18] =	ssyncset.done $0x0  }
0xa0: {  	s25 =	sadd.s32 $0x380, s25;
	[sflag:s18] =	ssyncadd.s32 $0xFFFFE000  }
0xa1: {  	[tilespmem:s9], [sflag:$0x4] =	stream.indirect.gather [hbm4b:s1+s31], $0x80, s25, s31, $0xb8;
	[tilespmem:$0x1E800] =	vst v63  }
0xa2: {  	_ =	swait.ge [sflag:s11], $0x2000  }
0xa3: {  	[sflag:s11] =	ssyncset.done $0x0  }
0xa4: {  	[sflag:s11] =	ssyncadd.s32 $0xFFFFE000  }
0xa5: {  	[spmem:s2] =	stream.indirect.scatter.add.f32 [tilespmem:s28], [sflag:$0x5], $0x80, s19, s31, $0xb8;
	[tilespmem:$0x1E800] =	vst v63  }
0xa6: {  	_ =	swait.ge [sflag:s12], $0x2000  }
0xa7: {  	[sflag:s12] =	ssyncset.done $0x0  }
0xa8: {  	[sflag:s12] =	ssyncadd.s32 $0xFFFFE000  }
0xa9: {  	[spmem:s2] =	stream.indirect.scatter.add.f32 [tilespmem:s3], [sflag:$0x6], $0x80, s20, s31, $0xb8;
	[tilespmem:$0x1E800] =	vst v63  }
0xaa: {  	_ =	swait.ge [sflag:s13], $0x2000  }
0xab: {  	[sflag:s13] =	ssyncset.done $0x0  }
0xac: {  	[sflag:s13] =	ssyncadd.s32 $0xFFFFE000  }
0xad: {  	[spmem:s2] =	stream.indirect.scatter.add.f32 [tilespmem:s6], [sflag:$0x7], $0x80, s21, s31, $0xb8;
	[tilespmem:$0x1E800] =	vst v63  }
0xae: {  	_ =	swait.ge [sflag:s14], $0x2000  }
0xaf: {  	[sflag:s14] =	ssyncset.done $0x0  }
0xb0: {  	[sflag:s14] =	ssyncadd.s32 $0xFFFFE000  }
0xb1: {  	[spmem:s2] =	stream.indirect.scatter.add.f32 [tilespmem:s9], [sflag:$0x8], $0x80, s22, s31, $0xb8;
	[tilespmem:$0x1E800] =	vst v63  }
0xb2: {  	s4 =	simm.s32 $0x0;
	s24 =	rddreg [dreg:$0xf]  }
0xb3: {  	[tilespmem:s4], [sflag:$0x9] =	stream.linear.gather [hbm4b:s24+s4], $0x1400, $0x38;
	[tilespmem:$0x1E800] =	vst v63  }
0xb4: {  	_ =	swait.ge [sflag:s15], $0x2000  }
0xb5: {  	[sflag:s15] =	ssyncset.done $0x0  }
0xb6: {  	[sflag:s15] =	ssyncadd.s32 $0xFFFFE000  }
0xb7: {  	_ =	swait.ge [sflag:s16], $0x2000  }
0xb8: {  	[sflag:s16] =	ssyncset.done $0x0  }
0xb9: {  	[sflag:s16] =	ssyncadd.s32 $0xFFFFE000  }
0xba: {  	_ =	swait.ge [sflag:s17], $0x2000  }
0xbb: {  	[sflag:s17] =	ssyncset.done $0x0  }
0xbc: {  	[sflag:s17] =	ssyncadd.s32 $0xFFFFE000  }
0xbd: {  	_ =	swait.ge [sflag:s18], $0x2000  }
0xbe: {  	[sflag:s18] =	ssyncset.done $0x0  }
0xbf: {  	s25 =	rddreg [dreg:$0x10];
	[sflag:s18] =	ssyncadd.s32 $0xFFFFE000  }
0xc0: {  	[tilespmem:s26], [sflag:$0xA] =	stream.linear.gather [hbm4b:s25+s4], $0x1400, $0x38;
	[tilespmem:$0x1E800] =	vst v63  }
0xc1: {  	_ =	swait.ge [sflag:s30], $0x1400  }
0xc2: {  	[sflag:s30] =	ssyncset.done $0x0  }
0xc3: {  	[sflag:s30] =	ssyncadd.s32 $0xFFFFEC00  }
0xc4: {  	[tilespmem:s28], [sflag:$0x1] =	stream.indirect.gather [hbm4b:s1+s31], $0x80, s4, s31, $0xb8;
	[tilespmem:$0x1E800] =	vst v63  }
0xc5: {  	_ = 	snop  }
0xc6: {  	[tilespmem:s3], [sflag:$0x2] =	stream.indirect.gather [hbm4b:s1+s31], $0x80, s0, s31, $0xb8;
	[tilespmem:$0x1E800] =	vst v63  }
0xc7: {  	_ = 	snop  }
0xc8: {  	[tilespmem:s6], [sflag:$0x3] =	stream.indirect.gather [hbm4b:s1+s31], $0x80, s5, s31, $0xb8;
	[tilespmem:$0x1E800] =	vst v63  }
0xc9: {  	_ = 	snop  }
0xca: {  	[tilespmem:s9], [sflag:$0x4] =	stream.indirect.gather [hbm4b:s1+s31], $0x80, s7, s31, $0xb8;
	[tilespmem:$0x1E800] =	vst v63  }
0xcb: {  	_ =	swait.ge [sflag:s10], $0x1400  }
0xcc: {  	[sflag:s10] =	ssyncset.done $0x0  }
0xcd: {  	[sflag:s10] =	ssyncadd.s32 $0xFFFFEC00  }
0xce: {  	_ =	swait.ge [sflag:s11], $0x2000  }
0xcf: {  	[sflag:s11] =	ssyncset.done $0x0  }
0xd0: {  	s25 =	simm.s32 $0x1400;
	[sflag:s11] =	ssyncadd.s32 $0xFFFFE000  }
0xd1: {  	[spmem:s2] =	stream.indirect.scatter.add.f32 [tilespmem:s28], [sflag:$0x5], $0x80, s25, s31, $0xb8;
	[tilespmem:$0x1E800] =	vst v63  }
0xd2: {  	_ =	swait.ge [sflag:s12], $0x2000  }
0xd3: {  	[sflag:s12] =	ssyncset.done $0x0  }
0xd4: {  	s24 =	simm.s32 $0x1480;
	[sflag:s12] =	ssyncadd.s32 $0xFFFFE000  }
0xd5: {  	[spmem:s2] =	stream.indirect.scatter.add.f32 [tilespmem:s3], [sflag:$0x6], $0x80, s24, s31, $0xb8;
	[tilespmem:$0x1E800] =	vst v63  }
0xd6: {  	_ =	swait.ge [sflag:s13], $0x2000  }
0xd7: {  	[sflag:s13] =	ssyncset.done $0x0  }
0xd8: {  	s25 =	simm.s32 $0x1500;
	[sflag:s13] =	ssyncadd.s32 $0xFFFFE000  }
0xd9: {  	[spmem:s2] =	stream.indirect.scatter.add.f32 [tilespmem:s6], [sflag:$0x7], $0x80, s25, s31, $0xb8;
	[tilespmem:$0x1E800] =	vst v63  }
0xda: {  	_ =	swait.ge [sflag:s14], $0x2000  }
0xdb: {  	[sflag:s14] =	ssyncset.done $0x0  }
0xdc: {  	s24 =	simm.s32 $0x1580;
	[sflag:s14] =	ssyncadd.s32 $0xFFFFE000  }
0xdd: {  	[spmem:s2] =	stream.indirect.scatter.add.f32 [tilespmem:s9], [sflag:$0x8], $0x80, s24, s31, $0xb8;
	[tilespmem:$0x1E800] =	vst v63  }
0xde: {  	_ =	swait.ge [sflag:s15], $0x2000  }
0xdf: {  	[sflag:s15] =	ssyncset.done $0x0  }
0xe0: {  	s25 =	simm.s32 $0x200;
	[sflag:s15] =	ssyncadd.s32 $0xFFFFE000  }
0xe1: {  	[tilespmem:s28], [sflag:$0x1] =	stream.indirect.gather [hbm4b:s1+s31], $0x80, s25, s31, $0xb8;
	[tilespmem:$0x1E800] =	vst v63  }
0xe2: {  	_ =	swait.ge [sflag:s16], $0x2000  }
0xe3: {  	[sflag:s16] =	ssyncset.done $0x0  }
0xe4: {  	s24 =	simm.s32 $0x280;
	[sflag:s16] =	ssyncadd.s32 $0xFFFFE000  }
0xe5: {  	[tilespmem:s3], [sflag:$0x2] =	stream.indirect.gather [hbm4b:s1+s31], $0x80, s24, s31, $0xb8;
	[tilespmem:$0x1E800] =	vst v63  }
0xe6: {  	_ =	swait.ge [sflag:s17], $0x2000  }
0xe7: {  	[sflag:s17] =	ssyncset.done $0x0  }
0xe8: {  	s25 =	simm.s32 $0x300;
	[sflag:s17] =	ssyncadd.s32 $0xFFFFE000  }
0xe9: {  	[tilespmem:s6], [sflag:$0x3] =	stream.indirect.gather [hbm4b:s1+s31], $0x80, s25, s31, $0xb8;
	[tilespmem:$0x1E800] =	vst v63  }
0xea: {  	_ =	swait.ge [sflag:s18], $0x2000  }
0xeb: {  	[sflag:s18] =	ssyncset.done $0x0  }
0xec: {  	s24 =	simm.s32 $0x800;
	s25 =	simm.s32 $0x380;
	[sflag:s18] =	ssyncadd.s32 $0xFFFFE000  }
.LBB2_4:
0xed: {  	[tilespmem:s9], [sflag:$0x4] =	stream.indirect.gather [hbm4b:s1+s31], $0x80, s25, s31, $0xb8;
	[tilespmem:$0x1E800] =	vst v63  }
0xee: {  	s4 =	smov.u32 s24  }
0xef: {  	p0 =	sne.s32 s24, $0x4000;
	s24 =	sadd.s32 $0x800, s24;
	_ =	swait.ge [sflag:s11], $0x2000  }
0xf0: {  	s25 =	sshra.s32 s4, $0x2;
	[sflag:s11] =	ssyncset.done $0x0  }
0xf1: {  	s4 =	sadd.s32 $0x1400, s25;
	[sflag:s11] =	ssyncadd.s32 $0xFFFFE000  }
0xf2: {  	[spmem:s2] =	stream.indirect.scatter.add.f32 [tilespmem:s28], [sflag:$0x5], $0x80, s4, s31, $0xb8;
	[tilespmem:$0x1E800] =	vst v63  }
0xf3: {  	_ =	swait.ge [sflag:s12], $0x2000  }
0xf4: {  	[sflag:s12] =	ssyncset.done $0x0  }
0xf5: {  	s4 =	sadd.s32 $0x1480, s25;
	[sflag:s12] =	ssyncadd.s32 $0xFFFFE000  }
0xf6: {  	[spmem:s2] =	stream.indirect.scatter.add.f32 [tilespmem:s3], [sflag:$0x6], $0x80, s4, s31, $0xb8;
	[tilespmem:$0x1E800] =	vst v63  }
0xf7: {  	_ =	swait.ge [sflag:s13], $0x2000  }
0xf8: {  	[sflag:s13] =	ssyncset.done $0x0  }
0xf9: {  	s4 =	sadd.s32 $0x1500, s25;
	[sflag:s13] =	ssyncadd.s32 $0xFFFFE000  }
0xfa: {  	[spmem:s2] =	stream.indirect.scatter.add.f32 [tilespmem:s6], [sflag:$0x7], $0x80, s4, s31, $0xb8;
	[tilespmem:$0x1E800] =	vst v63  }
0xfb: {  	_ =	swait.ge [sflag:s14], $0x2000  }
0xfc: {  	[sflag:s14] =	ssyncset.done $0x0  }
0xfd: {  	s4 =	sadd.s32 $0x1580, s25;
	[sflag:s14] =	ssyncadd.s32 $0xFFFFE000  }
0xfe: {  	[spmem:s2] =	stream.indirect.scatter.add.f32 [tilespmem:s9], [sflag:$0x8], $0x80, s4, s31, $0xb8;
	[tilespmem:$0x1E800] =	vst v63  }
0xff: {  	_ =	swait.ge [sflag:s15], $0x2000  }
0x100: {  	[sflag:s15] =	ssyncset.done $0x0  }
0x101: {  	s4 =	sadd.s32 $0x200, s25;
	[sflag:s15] =	ssyncadd.s32 $0xFFFFE000  }
0x102: {  	[tilespmem:s28], [sflag:$0x1] =	stream.indirect.gather [hbm4b:s1+s31], $0x80, s4, s31, $0xb8;
	[tilespmem:$0x1E800] =	vst v63  }
0x103: {  	_ =	swait.ge [sflag:s16], $0x2000  }
0x104: {  	[sflag:s16] =	ssyncset.done $0x0  }
0x105: {  	s4 =	sadd.s32 $0x280, s25;
	[sflag:s16] =	ssyncadd.s32 $0xFFFFE000  }
0x106: {  	[tilespmem:s3], [sflag:$0x2] =	stream.indirect.gather [hbm4b:s1+s31], $0x80, s4, s31, $0xb8;
	[tilespmem:$0x1E800] =	vst v63  }
0x107: {  	_ =	swait.ge [sflag:s17], $0x2000  }
0x108: {  	[sflag:s17] =	ssyncset.done $0x0  }
.Ltmp1:
0x109: {  	s4 =	sadd.s32 $0x300, s25;
	[sflag:s17] =	ssyncadd.s32 $0xFFFFE000;
	(pc) =	sbr.rel @p0 .LBB2_4-.Ltmp1, $4  }
0x10a: {  	[tilespmem:s6], [sflag:$0x3] =	stream.indirect.gather [hbm4b:s1+s31], $0x80, s4, s31, $0xb8;
	[tilespmem:$0x1E800] =	vst v63  }
0x10b: {  	_ =	swait.ge [sflag:s18], $0x2000  }
0x10c: {  	[sflag:s18] =	ssyncset.done $0x0  }
0x10d: {  	s25 =	sadd.s32 $0x380, s25;
	[sflag:s18] =	ssyncadd.s32 $0xFFFFE000  }
0x10e: {  	[tilespmem:s9], [sflag:$0x4] =	stream.indirect.gather [hbm4b:s1+s31], $0x80, s25, s31, $0xb8;
	[tilespmem:$0x1E800] =	vst v63  }
0x10f: {  	_ =	swait.ge [sflag:s11], $0x2000  }
0x110: {  	[sflag:s11] =	ssyncset.done $0x0  }
0x111: {  	[sflag:s11] =	ssyncadd.s32 $0xFFFFE000  }
0x112: {  	[spmem:s2] =	stream.indirect.scatter.add.f32 [tilespmem:s28], [sflag:$0x5], $0x80, s19, s31, $0xb8;
	[tilespmem:$0x1E800] =	vst v63  }
0x113: {  	_ =	swait.ge [sflag:s12], $0x2000  }
0x114: {  	[sflag:s12] =	ssyncset.done $0x0  }
0x115: {  	[sflag:s12] =	ssyncadd.s32 $0xFFFFE000  }
0x116: {  	[spmem:s2] =	stream.indirect.scatter.add.f32 [tilespmem:s3], [sflag:$0x6], $0x80, s20, s31, $0xb8;
	[tilespmem:$0x1E800] =	vst v63  }
0x117: {  	_ =	swait.ge [sflag:s13], $0x2000  }
0x118: {  	[sflag:s13] =	ssyncset.done $0x0  }
0x119: {  	[sflag:s13] =	ssyncadd.s32 $0xFFFFE000  }
0x11a: {  	[spmem:s2] =	stream.indirect.scatter.add.f32 [tilespmem:s6], [sflag:$0x7], $0x80, s21, s31, $0xb8;
	[tilespmem:$0x1E800] =	vst v63  }
0x11b: {  	_ =	swait.ge [sflag:s14], $0x2000  }
0x11c: {  	[sflag:s14] =	ssyncset.done $0x0  }
0x11d: {  	[sflag:s14] =	ssyncadd.s32 $0xFFFFE000  }
0x11e: {  	[spmem:s2] =	stream.indirect.scatter.add.f32 [tilespmem:s9], [sflag:$0x8], $0x80, s22, s31, $0xb8;
	[tilespmem:$0x1E800] =	vst v63  }
0x11f: {  	s4 =	simm.s32 $0x0;
	s24 =	rddreg [dreg:$0x11]  }
0x120: {  	[tilespmem:s4], [sflag:$0x9] =	stream.linear.gather [hbm4b:s24+s4], $0x1400, $0x38;
	[tilespmem:$0x1E800] =	vst v63  }
0x121: {  	_ =	swait.ge [sflag:s15], $0x2000  }
0x122: {  	[sflag:s15] =	ssyncset.done $0x0  }
0x123: {  	[sflag:s15] =	ssyncadd.s32 $0xFFFFE000  }
0x124: {  	_ =	swait.ge [sflag:s16], $0x2000  }
0x125: {  	[sflag:s16] =	ssyncset.done $0x0  }
0x126: {  	[sflag:s16] =	ssyncadd.s32 $0xFFFFE000  }
0x127: {  	_ =	swait.ge [sflag:s17], $0x2000  }
0x128: {  	[sflag:s17] =	ssyncset.done $0x0  }
0x129: {  	[sflag:s17] =	ssyncadd.s32 $0xFFFFE000  }
0x12a: {  	_ =	swait.ge [sflag:s18], $0x2000  }
0x12b: {  	[sflag:s18] =	ssyncset.done $0x0  }
0x12c: {  	s25 =	rddreg [dreg:$0x12];
	[sflag:s18] =	ssyncadd.s32 $0xFFFFE000  }
0x12d: {  	[tilespmem:s26], [sflag:$0xA] =	stream.linear.gather [hbm4b:s25+s4], $0x1400, $0x38;
	[tilespmem:$0x1E800] =	vst v63  }
0x12e: {  	_ =	swait.ge [sflag:s30], $0x1400  }
0x12f: {  	[sflag:s30] =	ssyncset.done $0x0  }
0x130: {  	[sflag:s30] =	ssyncadd.s32 $0xFFFFEC00  }
0x131: {  	[tilespmem:s28], [sflag:$0x1] =	stream.indirect.gather [hbm4b:s1+s31], $0x80, s4, s31, $0xb8;
	[tilespmem:$0x1E800] =	vst v63  }
0x132: {  	_ = 	snop  }
0x133: {  	[tilespmem:s3], [sflag:$0x2] =	stream.indirect.gather [hbm4b:s1+s31], $0x80, s0, s31, $0xb8;
	[tilespmem:$0x1E800] =	vst v63  }
0x134: {  	_ = 	snop  }
0x135: {  	[tilespmem:s6], [sflag:$0x3] =	stream.indirect.gather [hbm4b:s1+s31], $0x80, s5, s31, $0xb8;
	[tilespmem:$0x1E800] =	vst v63  }
0x136: {  	_ = 	snop  }
0x137: {  	[tilespmem:s9], [sflag:$0x4] =	stream.indirect.gather [hbm4b:s1+s31], $0x80, s7, s31, $0xb8;
	[tilespmem:$0x1E800] =	vst v63  }
0x138: {  	_ =	swait.ge [sflag:s10], $0x1400  }
0x139: {  	[sflag:s10] =	ssyncset.done $0x0  }
0x13a: {  	[sflag:s10] =	ssyncadd.s32 $0xFFFFEC00  }
0x13b: {  	_ =	swait.ge [sflag:s11], $0x2000  }
0x13c: {  	[sflag:s11] =	ssyncset.done $0x0  }
0x13d: {  	s25 =	simm.s32 $0x1400;
	[sflag:s11] =	ssyncadd.s32 $0xFFFFE000  }
0x13e: {  	[spmem:s2] =	stream.indirect.scatter.add.f32 [tilespmem:s28], [sflag:$0x5], $0x80, s25, s31, $0xb8;
	[tilespmem:$0x1E800] =	vst v63  }
0x13f: {  	_ =	swait.ge [sflag:s12], $0x2000  }
0x140: {  	[sflag:s12] =	ssyncset.done $0x0  }
0x141: {  	s24 =	simm.s32 $0x1480;
	[sflag:s12] =	ssyncadd.s32 $0xFFFFE000  }
0x142: {  	[spmem:s2] =	stream.indirect.scatter.add.f32 [tilespmem:s3], [sflag:$0x6], $0x80, s24, s31, $0xb8;
	[tilespmem:$0x1E800] =	vst v63  }
0x143: {  	_ =	swait.ge [sflag:s13], $0x2000  }
0x144: {  	[sflag:s13] =	ssyncset.done $0x0  }
0x145: {  	s25 =	simm.s32 $0x1500;
	[sflag:s13] =	ssyncadd.s32 $0xFFFFE000  }
0x146: {  	[spmem:s2] =	stream.indirect.scatter.add.f32 [tilespmem:s6], [sflag:$0x7], $0x80, s25, s31, $0xb8;
	[tilespmem:$0x1E800] =	vst v63  }
0x147: {  	_ =	swait.ge [sflag:s14], $0x2000  }
0x148: {  	[sflag:s14] =	ssyncset.done $0x0  }
0x149: {  	s24 =	simm.s32 $0x1580;
	[sflag:s14] =	ssyncadd.s32 $0xFFFFE000  }
0x14a: {  	[spmem:s2] =	stream.indirect.scatter.add.f32 [tilespmem:s9], [sflag:$0x8], $0x80, s24, s31, $0xb8;
	[tilespmem:$0x1E800] =	vst v63  }
0x14b: {  	_ =	swait.ge [sflag:s15], $0x2000  }
0x14c: {  	[sflag:s15] =	ssyncset.done $0x0  }
0x14d: {  	s25 =	simm.s32 $0x200;
	[sflag:s15] =	ssyncadd.s32 $0xFFFFE000  }
0x14e: {  	[tilespmem:s28], [sflag:$0x1] =	stream.indirect.gather [hbm4b:s1+s31], $0x80, s25, s31, $0xb8;
	[tilespmem:$0x1E800] =	vst v63  }
0x14f: {  	_ =	swait.ge [sflag:s16], $0x2000  }
0x150: {  	[sflag:s16] =	ssyncset.done $0x0  }
0x151: {  	s24 =	simm.s32 $0x280;
	[sflag:s16] =	ssyncadd.s32 $0xFFFFE000  }
0x152: {  	[tilespmem:s3], [sflag:$0x2] =	stream.indirect.gather [hbm4b:s1+s31], $0x80, s24, s31, $0xb8;
	[tilespmem:$0x1E800] =	vst v63  }
0x153: {  	_ =	swait.ge [sflag:s17], $0x2000  }
0x154: {  	[sflag:s17] =	ssyncset.done $0x0  }
0x155: {  	s25 =	simm.s32 $0x300;
	[sflag:s17] =	ssyncadd.s32 $0xFFFFE000  }
0x156: {  	[tilespmem:s6], [sflag:$0x3] =	stream.indirect.gather [hbm4b:s1+s31], $0x80, s25, s31, $0xb8;
	[tilespmem:$0x1E800] =	vst v63  }
0x157: {  	_ =	swait.ge [sflag:s18], $0x2000  }
0x158: {  	[sflag:s18] =	ssyncset.done $0x0  }
0x159: {  	s24 =	simm.s32 $0x800;
	s25 =	simm.s32 $0x380;
	[sflag:s18] =	ssyncadd.s32 $0xFFFFE000  }
.LBB2_6:
0x15a: {  	[tilespmem:s9], [sflag:$0x4] =	stream.indirect.gather [hbm4b:s1+s31], $0x80, s25, s31, $0xb8;
	[tilespmem:$0x1E800] =	vst v63  }
0x15b: {  	s4 =	smov.u32 s24  }
0x15c: {  	p0 =	sne.s32 s24, $0x4000;
	s24 =	sadd.s32 $0x800, s24;
	_ =	swait.ge [sflag:s11], $0x2000  }
0x15d: {  	s25 =	sshra.s32 s4, $0x2;
	[sflag:s11] =	ssyncset.done $0x0  }
0x15e: {  	s4 =	sadd.s32 $0x1400, s25;
	[sflag:s11] =	ssyncadd.s32 $0xFFFFE000  }
0x15f: {  	[spmem:s2] =	stream.indirect.scatter.add.f32 [tilespmem:s28], [sflag:$0x5], $0x80, s4, s31, $0xb8;
	[tilespmem:$0x1E800] =	vst v63  }
0x160: {  	_ =	swait.ge [sflag:s12], $0x2000  }
0x161: {  	[sflag:s12] =	ssyncset.done $0x0  }
0x162: {  	s4 =	sadd.s32 $0x1480, s25;
	[sflag:s12] =	ssyncadd.s32 $0xFFFFE000  }
0x163: {  	[spmem:s2] =	stream.indirect.scatter.add.f32 [tilespmem:s3], [sflag:$0x6], $0x80, s4, s31, $0xb8;
	[tilespmem:$0x1E800] =	vst v63  }
0x164: {  	_ =	swait.ge [sflag:s13], $0x2000  }
0x165: {  	[sflag:s13] =	ssyncset.done $0x0  }
0x166: {  	s4 =	sadd.s32 $0x1500, s25;
	[sflag:s13] =	ssyncadd.s32 $0xFFFFE000  }
0x167: {  	[spmem:s2] =	stream.indirect.scatter.add.f32 [tilespmem:s6], [sflag:$0x7], $0x80, s4, s31, $0xb8;
	[tilespmem:$0x1E800] =	vst v63  }
0x168: {  	_ =	swait.ge [sflag:s14], $0x2000  }
0x169: {  	[sflag:s14] =	ssyncset.done $0x0  }
0x16a: {  	s4 =	sadd.s32 $0x1580, s25;
	[sflag:s14] =	ssyncadd.s32 $0xFFFFE000  }
0x16b: {  	[spmem:s2] =	stream.indirect.scatter.add.f32 [tilespmem:s9], [sflag:$0x8], $0x80, s4, s31, $0xb8;
	[tilespmem:$0x1E800] =	vst v63  }
0x16c: {  	_ =	swait.ge [sflag:s15], $0x2000  }
0x16d: {  	[sflag:s15] =	ssyncset.done $0x0  }
0x16e: {  	s4 =	sadd.s32 $0x200, s25;
	[sflag:s15] =	ssyncadd.s32 $0xFFFFE000  }
0x16f: {  	[tilespmem:s28], [sflag:$0x1] =	stream.indirect.gather [hbm4b:s1+s31], $0x80, s4, s31, $0xb8;
	[tilespmem:$0x1E800] =	vst v63  }
0x170: {  	_ =	swait.ge [sflag:s16], $0x2000  }
0x171: {  	[sflag:s16] =	ssyncset.done $0x0  }
0x172: {  	s4 =	sadd.s32 $0x280, s25;
	[sflag:s16] =	ssyncadd.s32 $0xFFFFE000  }
0x173: {  	[tilespmem:s3], [sflag:$0x2] =	stream.indirect.gather [hbm4b:s1+s31], $0x80, s4, s31, $0xb8;
	[tilespmem:$0x1E800] =	vst v63  }
0x174: {  	_ =	swait.ge [sflag:s17], $0x2000  }
0x175: {  	[sflag:s17] =	ssyncset.done $0x0  }
.Ltmp2:
0x176: {  	s4 =	sadd.s32 $0x300, s25;
	[sflag:s17] =	ssyncadd.s32 $0xFFFFE000;
	(pc) =	sbr.rel @p0 .LBB2_6-.Ltmp2, $4  }
0x177: {  	[tilespmem:s6], [sflag:$0x3] =	stream.indirect.gather [hbm4b:s1+s31], $0x80, s4, s31, $0xb8;
	[tilespmem:$0x1E800] =	vst v63  }
0x178: {  	_ =	swait.ge [sflag:s18], $0x2000  }
0x179: {  	[sflag:s18] =	ssyncset.done $0x0  }
0x17a: {  	s25 =	sadd.s32 $0x380, s25;
	[sflag:s18] =	ssyncadd.s32 $0xFFFFE000  }
0x17b: {  	[tilespmem:s9], [sflag:$0x4] =	stream.indirect.gather [hbm4b:s1+s31], $0x80, s25, s31, $0xb8;
	[tilespmem:$0x1E800] =	vst v63  }
0x17c: {  	_ =	swait.ge [sflag:s11], $0x2000  }
0x17d: {  	[sflag:s11] =	ssyncset.done $0x0  }
0x17e: {  	[sflag:s11] =	ssyncadd.s32 $0xFFFFE000  }
0x17f: {  	[spmem:s2] =	stream.indirect.scatter.add.f32 [tilespmem:s28], [sflag:$0x5], $0x80, s19, s31, $0xb8;
	[tilespmem:$0x1E800] =	vst v63  }
0x180: {  	_ =	swait.ge [sflag:s12], $0x2000  }
0x181: {  	[sflag:s12] =	ssyncset.done $0x0  }
0x182: {  	[sflag:s12] =	ssyncadd.s32 $0xFFFFE000  }
0x183: {  	[spmem:s2] =	stream.indirect.scatter.add.f32 [tilespmem:s3], [sflag:$0x6], $0x80, s20, s31, $0xb8;
	[tilespmem:$0x1E800] =	vst v63  }
0x184: {  	_ =	swait.ge [sflag:s13], $0x2000  }
0x185: {  	[sflag:s13] =	ssyncset.done $0x0  }
0x186: {  	[sflag:s13] =	ssyncadd.s32 $0xFFFFE000  }
0x187: {  	[spmem:s2] =	stream.indirect.scatter.add.f32 [tilespmem:s6], [sflag:$0x7], $0x80, s21, s31, $0xb8;
	[tilespmem:$0x1E800] =	vst v63  }
0x188: {  	_ =	swait.ge [sflag:s14], $0x2000  }
0x189: {  	[sflag:s14] =	ssyncset.done $0x0  }
0x18a: {  	[sflag:s14] =	ssyncadd.s32 $0xFFFFE000  }
0x18b: {  	[spmem:s2] =	stream.indirect.scatter.add.f32 [tilespmem:s9], [sflag:$0x8], $0x80, s22, s31, $0xb8;
	[tilespmem:$0x1E800] =	vst v63  }
0x18c: {  	s4 =	simm.s32 $0x0;
	s24 =	rddreg [dreg:$0x13]  }
0x18d: {  	[tilespmem:s4], [sflag:$0x9] =	stream.linear.gather [hbm4b:s24+s4], $0x1400, $0x38;
	[tilespmem:$0x1E800] =	vst v63  }
0x18e: {  	_ =	swait.ge [sflag:s15], $0x2000  }
0x18f: {  	[sflag:s15] =	ssyncset.done $0x0  }
0x190: {  	[sflag:s15] =	ssyncadd.s32 $0xFFFFE000  }
0x191: {  	_ =	swait.ge [sflag:s16], $0x2000  }
0x192: {  	[sflag:s16] =	ssyncset.done $0x0  }
0x193: {  	[sflag:s16] =	ssyncadd.s32 $0xFFFFE000  }
0x194: {  	_ =	swait.ge [sflag:s17], $0x2000  }
0x195: {  	[sflag:s17] =	ssyncset.done $0x0  }
0x196: {  	[sflag:s17] =	ssyncadd.s32 $0xFFFFE000  }
0x197: {  	_ =	swait.ge [sflag:s18], $0x2000  }
0x198: {  	[sflag:s18] =	ssyncset.done $0x0  }
0x199: {  	s25 =	rddreg [dreg:$0x14];
	[sflag:s18] =	ssyncadd.s32 $0xFFFFE000  }
0x19a: {  	[tilespmem:s26], [sflag:$0xA] =	stream.linear.gather [hbm4b:s25+s4], $0x1400, $0x38;
	[tilespmem:$0x1E800] =	vst v63  }
0x19b: {  	_ =	swait.ge [sflag:s30], $0x1400  }
0x19c: {  	[sflag:s30] =	ssyncset.done $0x0  }
0x19d: {  	[sflag:s30] =	ssyncadd.s32 $0xFFFFEC00  }
0x19e: {  	[tilespmem:s28], [sflag:$0x1] =	stream.indirect.gather [hbm4b:s1+s31], $0x80, s4, s31, $0xb8;
	[tilespmem:$0x1E800] =	vst v63  }
0x19f: {  	_ = 	snop  }
0x1a0: {  	[tilespmem:s3], [sflag:$0x2] =	stream.indirect.gather [hbm4b:s1+s31], $0x80, s0, s31, $0xb8;
	[tilespmem:$0x1E800] =	vst v63  }
0x1a1: {  	_ = 	snop  }
0x1a2: {  	[tilespmem:s6], [sflag:$0x3] =	stream.indirect.gather [hbm4b:s1+s31], $0x80, s5, s31, $0xb8;
	[tilespmem:$0x1E800] =	vst v63  }
0x1a3: {  	_ = 	snop  }
0x1a4: {  	[tilespmem:s9], [sflag:$0x4] =	stream.indirect.gather [hbm4b:s1+s31], $0x80, s7, s31, $0xb8;
	[tilespmem:$0x1E800] =	vst v63  }
0x1a5: {  	_ =	swait.ge [sflag:s10], $0x1400  }
0x1a6: {  	[sflag:s10] =	ssyncset.done $0x0  }
0x1a7: {  	[sflag:s10] =	ssyncadd.s32 $0xFFFFEC00  }
0x1a8: {  	_ =	swait.ge [sflag:s11], $0x2000  }
0x1a9: {  	[sflag:s11] =	ssyncset.done $0x0  }
0x1aa: {  	s25 =	simm.s32 $0x1400;
	[sflag:s11] =	ssyncadd.s32 $0xFFFFE000  }
0x1ab: {  	[spmem:s2] =	stream.indirect.scatter.add.f32 [tilespmem:s28], [sflag:$0x5], $0x80, s25, s31, $0xb8;
	[tilespmem:$0x1E800] =	vst v63  }
0x1ac: {  	_ =	swait.ge [sflag:s12], $0x2000  }
0x1ad: {  	[sflag:s12] =	ssyncset.done $0x0  }
0x1ae: {  	s24 =	simm.s32 $0x1480;
	[sflag:s12] =	ssyncadd.s32 $0xFFFFE000  }
0x1af: {  	[spmem:s2] =	stream.indirect.scatter.add.f32 [tilespmem:s3], [sflag:$0x6], $0x80, s24, s31, $0xb8;
	[tilespmem:$0x1E800] =	vst v63  }
0x1b0: {  	_ =	swait.ge [sflag:s13], $0x2000  }
0x1b1: {  	[sflag:s13] =	ssyncset.done $0x0  }
0x1b2: {  	s25 =	simm.s32 $0x1500;
	[sflag:s13] =	ssyncadd.s32 $0xFFFFE000  }
0x1b3: {  	[spmem:s2] =	stream.indirect.scatter.add.f32 [tilespmem:s6], [sflag:$0x7], $0x80, s25, s31, $0xb8;
	[tilespmem:$0x1E800] =	vst v63  }
0x1b4: {  	_ =	swait.ge [sflag:s14], $0x2000  }
0x1b5: {  	[sflag:s14] =	ssyncset.done $0x0  }
0x1b6: {  	s24 =	simm.s32 $0x1580;
	[sflag:s14] =	ssyncadd.s32 $0xFFFFE000  }
0x1b7: {  	[spmem:s2] =	stream.indirect.scatter.add.f32 [tilespmem:s9], [sflag:$0x8], $0x80, s24, s31, $0xb8;
	[tilespmem:$0x1E800] =	vst v63  }
0x1b8: {  	_ =	swait.ge [sflag:s15], $0x2000  }
0x1b9: {  	[sflag:s15] =	ssyncset.done $0x0  }
0x1ba: {  	s25 =	simm.s32 $0x200;
	[sflag:s15] =	ssyncadd.s32 $0xFFFFE000  }
0x1bb: {  	[tilespmem:s28], [sflag:$0x1] =	stream.indirect.gather [hbm4b:s1+s31], $0x80, s25, s31, $0xb8;
	[tilespmem:$0x1E800] =	vst v63  }
0x1bc: {  	_ =	swait.ge [sflag:s16], $0x2000  }
0x1bd: {  	[sflag:s16] =	ssyncset.done $0x0  }
0x1be: {  	s24 =	simm.s32 $0x280;
	[sflag:s16] =	ssyncadd.s32 $0xFFFFE000  }
0x1bf: {  	[tilespmem:s3], [sflag:$0x2] =	stream.indirect.gather [hbm4b:s1+s31], $0x80, s24, s31, $0xb8;
	[tilespmem:$0x1E800] =	vst v63  }
0x1c0: {  	_ =	swait.ge [sflag:s17], $0x2000  }
0x1c1: {  	[sflag:s17] =	ssyncset.done $0x0  }
0x1c2: {  	s25 =	simm.s32 $0x300;
	[sflag:s17] =	ssyncadd.s32 $0xFFFFE000  }
0x1c3: {  	[tilespmem:s6], [sflag:$0x3] =	stream.indirect.gather [hbm4b:s1+s31], $0x80, s25, s31, $0xb8;
	[tilespmem:$0x1E800] =	vst v63  }
0x1c4: {  	_ =	swait.ge [sflag:s18], $0x2000  }
0x1c5: {  	[sflag:s18] =	ssyncset.done $0x0  }
0x1c6: {  	s24 =	simm.s32 $0x800;
	s25 =	simm.s32 $0x380;
	[sflag:s18] =	ssyncadd.s32 $0xFFFFE000  }
.LBB2_8:
0x1c7: {  	[tilespmem:s9], [sflag:$0x4] =	stream.indirect.gather [hbm4b:s1+s31], $0x80, s25, s31, $0xb8;
	[tilespmem:$0x1E800] =	vst v63  }
0x1c8: {  	s4 =	smov.u32 s24  }
0x1c9: {  	p0 =	sne.s32 s24, $0x4000;
	s24 =	sadd.s32 $0x800, s24;
	_ =	swait.ge [sflag:s11], $0x2000  }
0x1ca: {  	s25 =	sshra.s32 s4, $0x2;
	[sflag:s11] =	ssyncset.done $0x0  }
0x1cb: {  	s4 =	sadd.s32 $0x1400, s25;
	[sflag:s11] =	ssyncadd.s32 $0xFFFFE000  }
0x1cc: {  	[spmem:s2] =	stream.indirect.scatter.add.f32 [tilespmem:s28], [sflag:$0x5], $0x80, s4, s31, $0xb8;
	[tilespmem:$0x1E800] =	vst v63  }
0x1cd: {  	_ =	swait.ge [sflag:s12], $0x2000  }
0x1ce: {  	[sflag:s12] =	ssyncset.done $0x0  }
0x1cf: {  	s4 =	sadd.s32 $0x1480, s25;
	[sflag:s12] =	ssyncadd.s32 $0xFFFFE000  }
0x1d0: {  	[spmem:s2] =	stream.indirect.scatter.add.f32 [tilespmem:s3], [sflag:$0x6], $0x80, s4, s31, $0xb8;
	[tilespmem:$0x1E800] =	vst v63  }
0x1d1: {  	_ =	swait.ge [sflag:s13], $0x2000  }
0x1d2: {  	[sflag:s13] =	ssyncset.done $0x0  }
0x1d3: {  	s4 =	sadd.s32 $0x1500, s25;
	[sflag:s13] =	ssyncadd.s32 $0xFFFFE000  }
0x1d4: {  	[spmem:s2] =	stream.indirect.scatter.add.f32 [tilespmem:s6], [sflag:$0x7], $0x80, s4, s31, $0xb8;
	[tilespmem:$0x1E800] =	vst v63  }
0x1d5: {  	_ =	swait.ge [sflag:s14], $0x2000  }
0x1d6: {  	[sflag:s14] =	ssyncset.done $0x0  }
0x1d7: {  	s4 =	sadd.s32 $0x1580, s25;
	[sflag:s14] =	ssyncadd.s32 $0xFFFFE000  }
0x1d8: {  	[spmem:s2] =	stream.indirect.scatter.add.f32 [tilespmem:s9], [sflag:$0x8], $0x80, s4, s31, $0xb8;
	[tilespmem:$0x1E800] =	vst v63  }
0x1d9: {  	_ =	swait.ge [sflag:s15], $0x2000  }
0x1da: {  	[sflag:s15] =	ssyncset.done $0x0  }
0x1db: {  	s4 =	sadd.s32 $0x200, s25;
	[sflag:s15] =	ssyncadd.s32 $0xFFFFE000  }
0x1dc: {  	[tilespmem:s28], [sflag:$0x1] =	stream.indirect.gather [hbm4b:s1+s31], $0x80, s4, s31, $0xb8;
	[tilespmem:$0x1E800] =	vst v63  }
0x1dd: {  	_ =	swait.ge [sflag:s16], $0x2000  }
0x1de: {  	[sflag:s16] =	ssyncset.done $0x0  }
0x1df: {  	s4 =	sadd.s32 $0x280, s25;
	[sflag:s16] =	ssyncadd.s32 $0xFFFFE000  }
0x1e0: {  	[tilespmem:s3], [sflag:$0x2] =	stream.indirect.gather [hbm4b:s1+s31], $0x80, s4, s31, $0xb8;
	[tilespmem:$0x1E800] =	vst v63  }
0x1e1: {  	_ =	swait.ge [sflag:s17], $0x2000  }
0x1e2: {  	[sflag:s17] =	ssyncset.done $0x0  }
.Ltmp3:
0x1e3: {  	s4 =	sadd.s32 $0x300, s25;
	[sflag:s17] =	ssyncadd.s32 $0xFFFFE000;
	(pc) =	sbr.rel @p0 .LBB2_8-.Ltmp3, $4  }
0x1e4: {  	[tilespmem:s6], [sflag:$0x3] =	stream.indirect.gather [hbm4b:s1+s31], $0x80, s4, s31, $0xb8;
	[tilespmem:$0x1E800] =	vst v63  }
0x1e5: {  	_ =	swait.ge [sflag:s18], $0x2000  }
0x1e6: {  	[sflag:s18] =	ssyncset.done $0x0  }
0x1e7: {  	s25 =	sadd.s32 $0x380, s25;
	[sflag:s18] =	ssyncadd.s32 $0xFFFFE000  }
0x1e8: {  	[tilespmem:s9], [sflag:$0x4] =	stream.indirect.gather [hbm4b:s1+s31], $0x80, s25, s31, $0xb8;
	[tilespmem:$0x1E800] =	vst v63  }
0x1e9: {  	_ =	swait.ge [sflag:s11], $0x2000  }
0x1ea: {  	[sflag:s11] =	ssyncset.done $0x0  }
0x1eb: {  	[sflag:s11] =	ssyncadd.s32 $0xFFFFE000  }
0x1ec: {  	[spmem:s2] =	stream.indirect.scatter.add.f32 [tilespmem:s28], [sflag:$0x5], $0x80, s19, s31, $0xb8;
	[tilespmem:$0x1E800] =	vst v63  }
0x1ed: {  	_ =	swait.ge [sflag:s12], $0x2000  }
0x1ee: {  	[sflag:s12] =	ssyncset.done $0x0  }
0x1ef: {  	[sflag:s12] =	ssyncadd.s32 $0xFFFFE000  }
0x1f0: {  	[spmem:s2] =	stream.indirect.scatter.add.f32 [tilespmem:s3], [sflag:$0x6], $0x80, s20, s31, $0xb8;
	[tilespmem:$0x1E800] =	vst v63  }
0x1f1: {  	_ =	swait.ge [sflag:s13], $0x2000  }
0x1f2: {  	[sflag:s13] =	ssyncset.done $0x0  }
0x1f3: {  	[sflag:s13] =	ssyncadd.s32 $0xFFFFE000  }
0x1f4: {  	[spmem:s2] =	stream.indirect.scatter.add.f32 [tilespmem:s6], [sflag:$0x7], $0x80, s21, s31, $0xb8;
	[tilespmem:$0x1E800] =	vst v63  }
0x1f5: {  	_ =	swait.ge [sflag:s14], $0x2000  }
0x1f6: {  	[sflag:s14] =	ssyncset.done $0x0  }
0x1f7: {  	[sflag:s14] =	ssyncadd.s32 $0xFFFFE000  }
0x1f8: {  	[spmem:s2] =	stream.indirect.scatter.add.f32 [tilespmem:s9], [sflag:$0x8], $0x80, s22, s31, $0xb8;
	[tilespmem:$0x1E800] =	vst v63  }
0x1f9: {  	_ =	swait.ge [sflag:s15], $0x2000  }
0x1fa: {  	[sflag:s15] =	ssyncset.done $0x0  }
0x1fb: {  	[sflag:s15] =	ssyncadd.s32 $0xFFFFE000  }
0x1fc: {  	_ =	swait.ge [sflag:s16], $0x2000  }
0x1fd: {  	[sflag:s16] =	ssyncset.done $0x0  }
0x1fe: {  	[sflag:s16] =	ssyncadd.s32 $0xFFFFE000  }
0x1ff: {  	_ =	swait.ge [sflag:s17], $0x2000  }
0x200: {  	[sflag:s17] =	ssyncset.done $0x0  }
0x201: {  	[sflag:s17] =	ssyncadd.s32 $0xFFFFE000  }
0x202: {  	_ =	swait.ge [sflag:s18], $0x2000  }
0x203: {  	[sflag:s18] =	ssyncset.done $0x0  }
0x204: {  	s4 =	stileid.u32;
	[sflag:s18] =	ssyncadd.s32 $0xFFFFE000  }
0x205: {  	s4 =	sshll.u32 s4, $0x6;
	[bflag:$0x0] =	sbarrier.arrive $0xFFFF  }
0x206: {  	s24 =	sshrl.u32 s8, $0x3;
	s4 =	sor.u32 $0x1C0B, s4;
	s25 =	rddreg [dreg:$0x16]  }
0x207: {  	[hbm:s25], [sflag:s4] =	dma.local [spmem:s24], $0x2800  }
0x208: {  	_ =	swait.ge [sflag:s29], $0x2800  }
0x209: {  	s23 =	sadd.s32 $0x1, s23;
	s25 =	rddreg [dreg:$0x17]  }
0x20a: {  	p0 =	sne.s32 s23, s25  }
.Ltmp4:
0x20b: {  	_ = 	snop;
	(pc) =	sbr.rel @p0 .LBB2_1-.Ltmp4, $3  }
0x20c: {  	_ =	sdelay $0x1  }
0x20d: {  	[sflag:s29] =	ssyncset.done $0x0  }
0x20e: {  	[sflag:s29] =	ssyncadd.s32 $0xFFFFD800  }
0x20f: {  	_ =	sfence.sel $0x180000  }
0x210: {  	[bflag:$0x0] =	sbarrier.arrive $0xFFFF  }
0x211: {  	_ =	strace $0x90000047  }
0x212: {  	s0 =	stileid.u32;
	[bflag:$0x2] =	sbarrier.arrive $0xFFFF  }
0x213: {  	p0 =	sne.s32 s0, $0x0;
	s0 =	rddreg [dreg:$0x3]  }
0x214: {  	s0 =	sadd.s32 @!p0 $0x100000, s0  }
0x215: {  	[sflag:s0] =	ssyncadd.tile.s32 @!p0 $0x1;
	_ =	shalt  }
.Lfunc_end2:
_tile_overlayer_lowered:
.L_overlay_start_2:
0x216: {  	(tag) =	ssettag $0x2  }
0x217: {  	s0 =	rddreg [dreg:$0x0];
	s2 =	stileid.u32  }
0x218: {  	s1 =	rddreg [dreg:$0x1];
	p0 =	sne.s32 s2, $0x0  }
0x219: {  	s3 =	rddreg [dreg:$0x2];
	[bflag:$0x3] =	sbarrier.arrive $0xFFFF;
	s2 =	simm.s32 @!p0 $0x1C0B  }
0x21a: {  	[timem:s3], [sflag:s2] =	dma.local @!p0 [hbm:s0], s1  }
0x21b: {  	s0 =	simm.s32 @!p0 $0xB  }
0x21c: {  	_ =	swait.ge @!p0 [sflag:s0], s1  }
0x21d: {  	s1 =	ssub.s32 @!p0 $0x0, s1;
	[sflag:s0] =	ssyncset.done @!p0 $0x0  }
0x21e: {  	[sflag:s0] =	ssyncadd.s32 @!p0 s1  }
0x21f: {  	[bflag:$0x3] =	sbarrier.arrive $0xFFFF  }
0x220: {  	_ =	shalt  }

</sc_bundles>
